<compile_context>
chip_gen: v7x
topology: tpu7x:2x2x1
jax: 0.10.2.dev20260603
libtpu: 0.0.44.dev20260713+nightly
codegen_flags: <defaults>
</compile_context>

<pallas_src>
import functools

import jax
import jax.numpy as jnp
from jax import lax
from jax.experimental import pallas as pl
from jax.experimental.pallas import tpu as pltpu
from jax.experimental.pallas import tpu_sc as plsc

_LANES = 16


def _sc_degree(dst_p, n_nodes, NC, NS):
    _, C, _, K = dst_p.shape
    mesh = plsc.VectorSubcoreMesh(core_axis_name="c", subcore_axis_name="s")

    @functools.partial(
        pl.kernel,
        out_type=jax.ShapeDtypeStruct((NC, 1, n_nodes), jnp.float32),
        mesh=mesh,
        scratch_types=[
            pltpu.VMEM((C, 1, K), jnp.int32),
            pltpu.VMEM((K,), jnp.float32),
            pltpu.VMEM((K,), jnp.int32),
            pltpu.VMEM((n_nodes,), jnp.float32),
            pltpu.VMEM_SHARED((n_nodes,), jnp.float32),
        ],
    )
    def deg_kernel(dst_hbm, out_hbm, dst_v, w_v, idx_v, zero_v, deg_sh):
        cid = lax.axis_index("c")
        sid = lax.axis_index("s")

        def fill_w(i, _):
            w_v[pl.ds(i * _LANES, _LANES)] = jnp.full(
                (_LANES,), 0.5, jnp.float32)
            return 0

        lax.fori_loop(0, K // _LANES, fill_w, 0)

        @pl.when(sid == 0)
        def _():
            def z(i, _):
                zero_v[pl.ds(i * _LANES, _LANES)] = jnp.zeros(
                    (_LANES,), jnp.float32)
                return 0

            lax.fori_loop(0, n_nodes // _LANES, z, 0)
            pltpu.sync_copy(zero_v, deg_sh)

        pltpu.sync_copy(dst_hbm.at[sid], dst_v)
        plsc.subcore_barrier()

        def body(j, _):
            for g in range(K // _LANES):
                idx_v[pl.ds(g * _LANES, _LANES)] = (
                    dst_v[j, 0, pl.ds(g * _LANES, _LANES)])
            pltpu.sync_copy(w_v, deg_sh.at[idx_v], add=True)
            return 0

        lax.fori_loop(0, C, body, 0)
        plsc.subcore_barrier()

        @pl.when(sid == 0)
        def _():
            pltpu.sync_copy(deg_sh, out_hbm.at[cid, 0])

    return deg_kernel(dst_p)


def _sc_message(g0, src_p, dst_p, NC, NS):
    N, H = g0.shape
    _, C, _, K = src_p.shape
    HN = N // NC
    NTRASH = 16
    RPT = 8 * (HN // (8 * NS))
    REM = HN - NS * RPT
    ZR = 24
    KG = K // _LANES
    mesh = plsc.VectorSubcoreMesh(core_axis_name="c", subcore_axis_name="s")

    NBUF = 5

    @functools.partial(
        pl.kernel,
        out_type=jax.ShapeDtypeStruct((NC, HN, H), jnp.float32),
        mesh=mesh,
        scratch_types=(
            [pltpu.VMEM((K, H), jnp.float32) for _ in range(NBUF)]
            + [pltpu.VMEM((K,), jnp.int32) for _ in range(NBUF)]
            + [pltpu.VMEM((K,), jnp.int32) for _ in range(NBUF)]
            + [pltpu.VMEM((K,), jnp.int32) for _ in range(NBUF)]
            + [pltpu.VMEM((ZR, H), jnp.float32)]
            + [pltpu.VMEM_SHARED((HN + NTRASH, H), jnp.float32)]
            + [pltpu.SemaphoreType.DMA for _ in range(4 * NBUF)]
        ),
    )
    def msg_kernel(g0_hbm, src_hbm, dst_hbm, out_hbm, *sc):
        bufs = sc[0:NBUF]
        sbufs = sc[NBUF:2 * NBUF]
        dbufs = sc[2 * NBUF:3 * NBUF]
        dls = sc[3 * NBUF:4 * NBUF]
        zbuf = sc[4 * NBUF]
        acc_sh = sc[4 * NBUF + 1]
        iss = sc[4 * NBUF + 2:5 * NBUF + 2]
        jss = sc[5 * NBUF + 2:6 * NBUF + 2]
        gss = sc[6 * NBUF + 2:7 * NBUF + 2]
        sss = sc[7 * NBUF + 2:8 * NBUF + 2]
        cid = lax.axis_index("c")
        sid = lax.axis_index("s")

        nvec = H // _LANES

        def z(i, _):
            zbuf[i // nvec, pl.ds((i % nvec) * _LANES, _LANES)] = (
                jnp.zeros((_LANES,), jnp.float32))
            return 0

        lax.fori_loop(0, ZR * nvec, z, 0)
        for p in range(RPT // ZR):
            pltpu.sync_copy(zbuf, acc_sh.at[pl.ds(sid * RPT + p * ZR, ZR)])

        @pl.when(sid == 0)
        def _():
            pltpu.sync_copy(zbuf, acc_sh.at[pl.ds(NS * RPT, REM + NTRASH)])

        plsc.subcore_barrier()

        lo = cid * HN
        trash = HN + lax.iota(jnp.int32, _LANES)

        def remap(dbuf, dl):
            for g in range(KG):
                d = dbuf[pl.ds(g * _LANES, _LANES)] - lo
                ok = (d >= 0) & (d < HN)
                dl[pl.ds(g * _LANES, _LANES)] = jnp.where(ok, d, trash)

        def issue_idx(base):
            ics = [pltpu.async_copy(src_hbm.at[sid, base + s, 0],
                                    sbufs[s], iss[s]) for s in range(NBUF)]
            jcs = [pltpu.async_copy(dst_hbm.at[sid, base + s, 0],
                                    dbufs[s], jss[s]) for s in range(NBUF)]
            return ics, jcs

        def run_group(base, ics, jcs, wait_prev_scatter):
            gcs = []
            for s in range(NBUF):
                ics[s].wait()
                if wait_prev_scatter:
                    pltpu.make_async_copy(bufs[s], acc_sh.at[dls[s]],
                                          sss[s]).wait()
                gcs.append(pltpu.async_copy(g0_hbm.at[sbufs[s]],
                                            bufs[s], gss[s]))
            for s in range(NBUF):
                jcs[s].wait()
                remap(dbufs[s], dls[s])
            for s in range(NBUF):
                gcs[s].wait()
                pltpu.async_copy(bufs[s], acc_sh.at[dls[s]], sss[s],
                                 add=True)

        ics, jcs = issue_idx(0)
        run_group(0, ics, jcs, False)

        def group(g, _):
            base = NBUF * g
            ics, jcs = issue_idx(base)
            run_group(base, ics, jcs, True)
            return 0

        lax.fori_loop(1, C // NBUF, group, 0)
        for s in range(NBUF):
            pltpu.make_async_copy(bufs[s], acc_sh.at[dls[s]], sss[s]).wait()

        plsc.subcore_barrier()
        pltpu.sync_copy(
            acc_sh.at[pl.ds(sid * RPT, RPT)],
            out_hbm.at[cid, pl.ds(sid * RPT, RPT)])

        @pl.when(sid == 0)
        def _():
            pltpu.sync_copy(
                acc_sh.at[pl.ds(NS * RPT, REM)],
                out_hbm.at[cid, pl.ds(NS * RPT, REM)])

    return msg_kernel(g0, src_p, dst_p)


def _tc_matmul(x, W1p, kmask, deg2):
    N, IN = x.shape
    KP, H = W1p.shape
    RB = 2000
    KB = 1024
    NR = N // RB
    NK = KP // KB

    def body(x_ref, w_ref, km_ref, deg_ref, g0_ref, dinv_ref, acc_ref):
        k = pl.program_id(1)

        @pl.when(k == 0)
        def _():
            acc_ref[...] = jnp.zeros_like(acc_ref)

        @pl.when(k < NK - 1)
        def _():
            acc_ref[...] += jnp.dot(x_ref[...], w_ref[...],
                                    preferred_element_type=jnp.float32)

        @pl.when(k == NK - 1)
        def _():
            xb = x_ref[...] * km_ref[...]
            acc_ref[...] += jnp.dot(xb, w_ref[...],
                                    preferred_element_type=jnp.float32)

        @pl.when(k == NK - 1)
        def _():
            deg = deg_ref[:, 0] + deg_ref[:, 1] + 1.0
            dinv = lax.rsqrt(jnp.maximum(deg, 1e-12))
            dinv_ref[...] = dinv[:, None]
            g0_ref[...] = acc_ref[...] * dinv[:, None]

    return pl.pallas_call(
        body,
        grid=(NR, NK),
        in_specs=[
            pl.BlockSpec((RB, KB), lambda i, k: (i, k)),
            pl.BlockSpec((KB, H), lambda i, k: (k, 0)),
            pl.BlockSpec((1, KB), lambda i, k: (0, k)),
            pl.BlockSpec((RB, 2), lambda i, k: (i, 0)),
        ],
        out_specs=[
            pl.BlockSpec((RB, H), lambda i, k: (i, 0)),
            pl.BlockSpec((RB, 1), lambda i, k: (i, 0)),
        ],
        out_shape=[
            jax.ShapeDtypeStruct((N, H), jnp.float32),
            jax.ShapeDtypeStruct((N, 1), jnp.float32),
        ],
        scratch_shapes=[pltpu.VMEM((RB, H), jnp.float32)],
    )(x, W1p, kmask, deg2)


def _tc_epilogue(acc, g0, dinv, b1, cond_in, lm_W, lm_b,
                 Wg, bg, Wb, bb, Wp, bp, Wo, bo):
    N, H = g0.shape
    Bc, CIN = cond_in.shape
    CH = lm_W.shape[1]
    O = Wo.shape[1]
    RB = 2000
    NR = N // RB

    def body(acc_ref, g0_ref, dinv_ref, b1_ref, cond_ref,
             lmW_ref, lmb_ref, Wg_ref, bg_ref, Wb_ref, bb_ref,
             Wp_ref, bp_ref, Wo_ref, bo_ref, out_ref, M_acc):
        i = pl.program_id(0)

        @pl.when(i == 0)
        def _():
            M_acc[...] = jnp.zeros_like(M_acc)

        dv = dinv_ref[:, 0]
        hb = jnp.maximum(
            dv[:, None] * (acc_ref[...] + g0_ref[...]) + b1_ref[0, :], 0.0)
        M_acc[...] += lax.dot_general(
            hb, Wp_ref[...], (((0,), (0,)), ((), ())),
            preferred_element_type=jnp.float32)

        @pl.when(i == NR - 1)
        def _():
            cond = jnp.dot(cond_ref[...], lmW_ref[...],
                           preferred_element_type=jnp.float32) + lmb_ref[0, :]
            gamma = jnp.dot(cond, Wg_ref[...],
                            preferred_element_type=jnp.float32) + bg_ref[0, :]
            beta = jnp.dot(cond, Wb_ref[...],
                           preferred_element_type=jnp.float32) + bb_ref[0, :]
            z = jnp.dot(gamma, M_acc[...],
                        preferred_element_type=jnp.float32) + bp_ref[0, :]
            z = jnp.maximum(z + beta, 0.0)
            o = jnp.dot(z, Wo_ref[...],
                        preferred_element_type=jnp.float32) + bo_ref[0, :]
            m = jnp.max(o, axis=1, keepdims=True)
            lse = m + jnp.log(jnp.sum(jnp.exp(o - m), axis=1, keepdims=True))
            out_ref[...] = o - lse

    full = lambda shape: pl.BlockSpec(shape, lambda i: tuple(0 for _ in shape))
    row = lambda w: pl.BlockSpec((RB, w), lambda i: (i, 0))
    return pl.pallas_call(
        body,
        grid=(NR,),
        in_specs=[
            row(H),
            row(H),
            row(1),
            full((1, H)),
            full((Bc, CIN)),
            full((CIN, CH)),
            full((1, CH)),
            full((CH, H)),
            full((1, H)),
            full((CH, H)),
            full((1, H)),
            row(H),
            full((1, H)),
            full((H, O)),
            full((1, O)),
        ],
        out_specs=pl.BlockSpec((Bc, O), lambda i: (0, 0)),
        out_shape=jax.ShapeDtypeStruct((Bc, O), jnp.float32),
        scratch_shapes=[pltpu.VMEM((H, H), jnp.float32)],
    )(acc, g0, dinv, b1, cond_in, lm_W, lm_b,
      Wg, bg, Wb, bb, Wp, bp, Wo, bo)


def kernel(x, edge_index, condition, hidden_dim, lm_W, lm_b, Wg, bg, Wb, bb,
           W1, b1, Wp, bp, Wo, bo):
    del hidden_dim
    N, IN = x.shape
    H = W1.shape[1]
    E = edge_index.shape[1]

    info = plsc.get_sparse_core_info()
    NC, NS = info.num_cores, info.num_subcores
    ET = E // NS
    K_CH = 80
    C_CH = ET // K_CH
    src_p = edge_index[0].reshape(NS, C_CH, 1, K_CH)
    dst_p = edge_index[1].reshape(NS, C_CH, 1, K_CH)

    KB = 1024
    KP = ((IN + KB - 1) // KB) * KB
    W1p = jnp.zeros((KP, H), jnp.float32).at[:IN].set(W1)
    kmask = (jnp.arange(KP, dtype=jnp.int32) < IN).astype(jnp.float32)[None, :]

    deg2 = _sc_degree(dst_p, N, NC, NS)
    g0, dinv = _tc_matmul(x, W1p, kmask, deg2.reshape(NC, N).T)
    accp = _sc_message(g0, src_p, dst_p, NC, NS)

    return _tc_epilogue(
        accp.reshape(N, H), g0, dinv,
        b1.reshape(1, H), condition, lm_W, lm_b.reshape(1, -1),
        Wg, bg.reshape(1, H), Wb, bb.reshape(1, H),
        Wp, bp.reshape(1, H), Wo, bo.reshape(1, -1))

# --- scband reference (transcript-rebuilt; emitter-appended) ---
"""Pipeline reference for scband-fi-lmed-gnn-86801289052891 (READ-ONLY COPY).

The authoritative reference and input builder live on the scoring server;
editing this copy changes nothing except your own understanding.
"""

import jax, jax.numpy as jnp
import numpy as np

N = 10000
E = 320000
B = 1024
IN = 14615
H = 128
CIN = 29
CH = 256


def setup_inputs(seed: int = 0) -> dict:
    key = jax.random.key(seed)
    ks = jax.random.split(key, 20)
    x = jax.random.normal(ks[0], (N, IN), dtype=jnp.float32)
    edge_index = jax.random.randint(ks[1], (2, E), 0, N, dtype=jnp.int32)
    condition = jax.random.normal(ks[2], (B, CIN), dtype=jnp.float32)
    def lin(k, fin, fout):
        kw, kb = jax.random.split(k)
        W = jax.random.normal(kw, (fin, fout), dtype=jnp.float32) * (1.0 / np.sqrt(fin))
        b = jax.random.normal(kb, (fout,), dtype=jnp.float32) * 0.01
        return W, b
    lm_W, lm_b = lin(ks[3], CIN, CH)          # LinearModel(29, 256)
    Wg, bg = lin(ks[4], CH, H)                # linear_gamma
    Wb, bb = lin(ks[5], CH, H)                # linear_beta
    W1, b1 = lin(ks[6], IN, H)                # GCNConv(14615, H) weight+bias
    Wp, bp = lin(ks[7], N, H)                 # dynamic projection Linear(x.shape[1]=N, H)
    Wo, bo = lin(ks[8], H, 2)                 # out_proj
    return {"x": x, "edge_index": edge_index, "condition": condition,
            "hidden_dim": H,
            "lm_W": lm_W, "lm_b": lm_b, "Wg": Wg, "bg": bg, "Wb": Wb, "bb": bb,
            "W1": W1, "b1": b1, "Wp": Wp, "bp": bp, "Wo": Wo, "bo": bo}


def _gcn_conv(x, edge_index, W, b):
    # GCNConv: h = D^-1/2 (A + I) D^-1/2 (x W) + b
    h = x @ W
    src = edge_index[0]
    dst = edge_index[1]
    loop = jnp.arange(N, dtype=src.dtype)
    src = jnp.concatenate([src, loop])
    dst = jnp.concatenate([dst, loop])
    ones = jnp.ones(src.shape[0], dtype=h.dtype)
    deg = jax.ops.segment_sum(ones, dst, num_segments=N)
    dinv = jax.lax.rsqrt(jnp.maximum(deg, 1e-12))
    norm = dinv[src] * dinv[dst]
    msg = h[src] * norm[:, None]
    out = jax.ops.segment_sum(msg, dst, num_segments=N)
    return out + b


def reference(x, edge_index, condition, hidden_dim, lm_W, lm_b, Wg, bg, Wb, bb, W1, b1, Wp, bp, Wo, bo):
    # condition = linear_model(condition)
    cond = condition @ lm_W + lm_b
    gamma = cond @ Wg + bg          # [B, H]
    beta = cond @ Wb + bb           # [B, H]
    h = _gcn_conv(x, edge_index, W1, b1)
    h = jax.nn.relu(h)              # [N, H]
    hT = h.T                        # [H, N]
    z = gamma @ hT                  # [B, N]
    z = z @ Wp + bp                 # dynamic Linear(N, H) -> [B, H]
    z = z + beta
    z = jax.nn.relu(z)
    # dropout: eval mode -> identity
    out = z @ Wo + bo               # [B, 2]
    out = out - jax.scipy.special.logsumexp(out, axis=1, keepdims=True)  # log_softmax dim=1
    return out

if __name__ == "__main__":
    import jax
    _d = setup_inputs()
    print(jax.jit(kernel)(*tuple(_d.values())))

</pallas_src>

<mosaic_0001>
#map = affine_map<(d0, d1) -> (0, 0, 0, 0)>
#map1 = affine_map<(d0, d1) -> (0, 0, 0)>
module attributes {stable_mosaic.version = 14 : i64} {
  func.func @deg_kernel(%arg0: i32, %arg1: i32, %arg2: memref<16x250x1x80xi32, #tpu.memory_space<hbm>>, %arg3: memref<2x1x10000xf32, #tpu.memory_space<hbm>>, %arg4: memref<250x1x80xi32, #tpu.memory_space<vmem>>, %arg5: memref<80xf32, #tpu.memory_space<vmem>>, %arg6: memref<80xi32, #tpu.memory_space<vmem>>, %arg7: memref<10000xf32, #tpu.memory_space<vmem>>, %arg8: memref<10000xf32, #tpu.memory_space<vmem_shared>>) attributes {dimension_semantics = [#tpu.dimension_semantics<core_parallel>, #tpu.dimension_semantics<subcore_parallel>], iteration_bounds = array<i64: 2, 16>, scalar_prefetch = 0 : i64, scratch_operands = 5 : i64, tpu.core_type = #tpu.core_type<sc_vector_subcore>, window_params = [{transform_indices = #map}, {transform_indices = #map1}]} {
    %scan3A = arith.constant 0 : i32
    %scan3A_0 = arith.constant 0 : i32
    %scan3A_1 = arith.constant 5 : i32
    %scan3A_2 = arith.addi %scan3A_0, %scan3A_1 : i32
    %scan3A_3 = arith.constant 1 : i32
    %scan3A_4 = scf.for %scan3A_21 = %scan3A_0 to %scan3A_2 step %scan3A_3 iter_args(%scan3A_22 = %scan3A) -> (i32)  : i32 {
      %broadcast_in_dim3A = arith.constant 5.000000e-01 : f32
      %broadcast_in_dim3A_23 = vector.broadcast %broadcast_in_dim3A : f32 to vector<16xf32>
      %mul3A = arith.constant 16 : i32
      %mul3A_24 = arith.muli %scan3A_21, %mul3A : i32
      %swap3A = arith.index_cast %mul3A_24 : i32 to index
      %swap3A_25 = tpu.vector_load %arg5[%swap3A] {strides = array<i32>} : memref<80xf32, #tpu.memory_space<vmem>>, vector<16xf32>,
      %swap3A_26 = vector.shape_cast %swap3A_25 : vector<16xf32> to vector<16xf32>
      %swap3A_27 = vector.shape_cast %broadcast_in_dim3A_23 : vector<16xf32> to vector<16xf32>
      tpu.vector_store %arg5[%swap3A], %swap3A_27 {strides = array<i32>} : memref<80xf32, #tpu.memory_space<vmem>>, vector<16xf32>,
      %scan3A_28 = arith.constant 0 : i32
      scf.yield %scan3A_28 : i32
    }
    %scan3A_5 = arith.constant 5 : i32
    %eq3A = arith.constant 0 : i32
    %eq3A_6 = arith.cmpi eq, %arg1, %eq3A : i32
    %convert_element_type3A = arith.extui %eq3A_6 : i1 to i32
    %cond3A = arith.constant 0 : i32
    %cond3A_7 = arith.cmpi ne, %convert_element_type3A, %cond3A : i32
    scf.if %cond3A_7 {
      %scan3A_21 = arith.constant 0 : i32
      %scan3A_22 = arith.constant 0 : i32
      %scan3A_23 = arith.constant 625 : i32
      %scan3A_24 = arith.addi %scan3A_22, %scan3A_23 : i32
      %scan3A_25 = arith.constant 1 : i32
      %scan3A_26 = scf.for %scan3A_28 = %scan3A_22 to %scan3A_24 step %scan3A_25 iter_args(%scan3A_29 = %scan3A_21) -> (i32)  : i32 {
        %broadcast_in_dim3A = arith.constant 0.000000e+00 : f32
        %broadcast_in_dim3A_30 = vector.broadcast %broadcast_in_dim3A : f32 to vector<16xf32>
        %mul3A = arith.constant 16 : i32
        %mul3A_31 = arith.muli %scan3A_28, %mul3A : i32
        %swap3A = arith.index_cast %mul3A_31 : i32 to index
        %swap3A_32 = tpu.vector_load %arg7[%swap3A] {strides = array<i32>} : memref<10000xf32, #tpu.memory_space<vmem>>, vector<16xf32>,
        %swap3A_33 = vector.shape_cast %swap3A_32 : vector<16xf32> to vector<16xf32>
        %swap3A_34 = vector.shape_cast %broadcast_in_dim3A_30 : vector<16xf32> to vector<16xf32>
        tpu.vector_store %arg7[%swap3A], %swap3A_34 {strides = array<i32>} : memref<10000xf32, #tpu.memory_space<vmem>>, vector<16xf32>,
        %scan3A_35 = arith.constant 0 : i32
        scf.yield %scan3A_35 : i32
      }
      %scan3A_27 = arith.constant 625 : i32
      "tpu.region"() ({
        %run_scoped3A = tpu.sem_alloc : memref<!tpu.dma_semaphore, #tpu.memory_space<semaphore_mem>>
        tpu.enqueue_dma source(%arg7 : memref<10000xf32, #tpu.memory_space<vmem>>) target(%arg8 : memref<10000xf32, #tpu.memory_space<vmem_shared>>) target_semaphore(%run_scoped3A : memref<!tpu.dma_semaphore, #tpu.memory_space<semaphore_mem>>)
        tpu.wait_dma2 semaphore(%run_scoped3A : memref<!tpu.dma_semaphore, #tpu.memory_space<semaphore_mem>>) src(%arg7 : memref<10000xf32, #tpu.memory_space<vmem>>) dst(%arg8 : memref<10000xf32, #tpu.memory_space<vmem_shared>>)
        tpu.yield
      }) : () -> ()
    } else {
    }
    "tpu.region"() ({
      %run_scoped3A = tpu.sem_alloc : memref<!tpu.dma_semaphore, #tpu.memory_space<semaphore_mem>>
      %dma_start3A = arith.constant 0 : i32
      %dma_start3A_21 = arith.constant 0 : i32
      %dma_start3A_22 = arith.constant 0 : i32
      %dma_start3A_23 = tpu.memref_slice %arg2[%arg1, %dma_start3A, %dma_start3A_21, %dma_start3A_22] : memref<16x250x1x80xi32, #tpu.memory_space<hbm>> -> memref<1x250x1x80xi32, #tpu.memory_space<hbm>>
      %dma_start3A_24 = tpu.memref_squeeze %dma_start3A_23 : memref<1x250x1x80xi32, #tpu.memory_space<hbm>> -> memref<250x1x80xi32, #tpu.memory_space<hbm>>
      %dma_start3A_25 = arith.constant 0 : i32
      %dma_start3A_26 = arith.constant 0 : i32
      %dma_start3A_27 = arith.constant 0 : i32
      %dma_start3A_28 = tpu.memref_slice %arg2[%arg1, %dma_start3A_25, %dma_start3A_26, %dma_start3A_27] : memref<16x250x1x80xi32, #tpu.memory_space<hbm>> -> memref<1x250x1x80xi32, #tpu.memory_space<hbm>>
      %dma_start3A_29 = tpu.memref_squeeze %dma_start3A_28 : memref<1x250x1x80xi32, #tpu.memory_space<hbm>> -> memref<250x1x80xi32, #tpu.memory_space<hbm>>
      tpu.enqueue_dma source(%dma_start3A_29 : memref<250x1x80xi32, #tpu.memory_space<hbm>>) target(%arg4 : memref<250x1x80xi32, #tpu.memory_space<vmem>>) target_semaphore(%run_scoped3A : memref<!tpu.dma_semaphore, #tpu.memory_space<semaphore_mem>>)
      %dma_wait3A = arith.constant 0 : i32
      %dma_wait3A_30 = arith.constant 0 : i32
      %dma_wait3A_31 = arith.constant 0 : i32
      %dma_wait3A_32 = tpu.memref_slice %arg2[%arg1, %dma_wait3A, %dma_wait3A_30, %dma_wait3A_31] : memref<16x250x1x80xi32, #tpu.memory_space<hbm>> -> memref<1x250x1x80xi32, #tpu.memory_space<hbm>>
      %dma_wait3A_33 = tpu.memref_squeeze %dma_wait3A_32 : memref<1x250x1x80xi32, #tpu.memory_space<hbm>> -> memref<250x1x80xi32, #tpu.memory_space<hbm>>
      %dma_wait3A_34 = arith.constant 0 : i32
      %dma_wait3A_35 = arith.constant 0 : i32
      %dma_wait3A_36 = arith.constant 0 : i32
      %dma_wait3A_37 = tpu.memref_slice %arg2[%arg1, %dma_wait3A_34, %dma_wait3A_35, %dma_wait3A_36] : memref<16x250x1x80xi32, #tpu.memory_space<hbm>> -> memref<1x250x1x80xi32, #tpu.memory_space<hbm>>
      %dma_wait3A_38 = tpu.memref_squeeze %dma_wait3A_37 : memref<1x250x1x80xi32, #tpu.memory_space<hbm>> -> memref<250x1x80xi32, #tpu.memory_space<hbm>>
      tpu.wait_dma2 semaphore(%run_scoped3A : memref<!tpu.dma_semaphore, #tpu.memory_space<semaphore_mem>>) src(%dma_wait3A_38 : memref<250x1x80xi32, #tpu.memory_space<hbm>>) dst(%arg4 : memref<250x1x80xi32, #tpu.memory_space<vmem>>)
      tpu.yield
    }) : () -> ()
    %barrier3A = arith.constant 0 : index
    tpu.barrier barrier_id(%barrier3A)
    %scan3A_8 = arith.constant 0 : i32
    %scan3A_9 = arith.constant 0 : i32
    %scan3A_10 = arith.constant 250 : i32
    %scan3A_11 = arith.addi %scan3A_9, %scan3A_10 : i32
    %scan3A_12 = arith.constant 1 : i32
    %scan3A_13 = scf.for %scan3A_21 = %scan3A_9 to %scan3A_11 step %scan3A_12 iter_args(%scan3A_22 = %scan3A_8) -> (i32)  : i32 {
      %get3A = arith.constant 0 : i32
      %get3A_23 = arith.index_cast %scan3A_21 : i32 to index
      %get3A_24 = arith.index_cast %get3A : i32 to index
      %get3A_25 = arith.constant 0 : index
      %get3A_26 = tpu.vector_load %arg4[%get3A_23, %get3A_24, %get3A_25] {strides = array<i32>} : memref<250x1x80xi32, #tpu.memory_space<vmem>>, vector<1x1x16xi32>,
      %get3A_27 = vector.shape_cast %get3A_26 : vector<1x1x16xi32> to vector<16xi32>
      %swap3A = arith.constant 0 : index
      %swap3A_28 = tpu.vector_load %arg6[%swap3A] {strides = array<i32>} : memref<80xi32, #tpu.memory_space<vmem>>, vector<16xi32>,
      %swap3A_29 = vector.shape_cast %swap3A_28 : vector<16xi32> to vector<16xi32>
      %swap3A_30 = vector.shape_cast %get3A_27 : vector<16xi32> to vector<16xi32>
      tpu.vector_store %arg6[%swap3A], %swap3A_30 {strides = array<i32>} : memref<80xi32, #tpu.memory_space<vmem>>, vector<16xi32>,
      %get3A_31 = arith.constant 0 : i32
      %get3A_32 = arith.index_cast %scan3A_21 : i32 to index
      %get3A_33 = arith.index_cast %get3A_31 : i32 to index
      %get3A_34 = arith.constant 16 : index
      %get3A_35 = tpu.vector_load %arg4[%get3A_32, %get3A_33, %get3A_34] {strides = array<i32>} : memref<250x1x80xi32, #tpu.memory_space<vmem>>, vector<1x1x16xi32>,
      %get3A_36 = vector.shape_cast %get3A_35 : vector<1x1x16xi32> to vector<16xi32>
      %swap3A_37 = arith.constant 16 : index
      %swap3A_38 = tpu.vector_load %arg6[%swap3A_37] {strides = array<i32>} : memref<80xi32, #tpu.memory_space<vmem>>, vector<16xi32>,
      %swap3A_39 = vector.shape_cast %swap3A_38 : vector<16xi32> to vector<16xi32>
      %swap3A_40 = vector.shape_cast %get3A_36 : vector<16xi32> to vector<16xi32>
      tpu.vector_store %arg6[%swap3A_37], %swap3A_40 {strides = array<i32>} : memref<80xi32, #tpu.memory_space<vmem>>, vector<16xi32>,
      %get3A_41 = arith.constant 0 : i32
      %get3A_42 = arith.index_cast %scan3A_21 : i32 to index
      %get3A_43 = arith.index_cast %get3A_41 : i32 to index
      %get3A_44 = arith.constant 32 : index
      %get3A_45 = tpu.vector_load %arg4[%get3A_42, %get3A_43, %get3A_44] {strides = array<i32>} : memref<250x1x80xi32, #tpu.memory_space<vmem>>, vector<1x1x16xi32>,
      %get3A_46 = vector.shape_cast %get3A_45 : vector<1x1x16xi32> to vector<16xi32>
      %swap3A_47 = arith.constant 32 : index
      %swap3A_48 = tpu.vector_load %arg6[%swap3A_47] {strides = array<i32>} : memref<80xi32, #tpu.memory_space<vmem>>, vector<16xi32>,
      %swap3A_49 = vector.shape_cast %swap3A_48 : vector<16xi32> to vector<16xi32>
      %swap3A_50 = vector.shape_cast %get3A_46 : vector<16xi32> to vector<16xi32>
      tpu.vector_store %arg6[%swap3A_47], %swap3A_50 {strides = array<i32>} : memref<80xi32, #tpu.memory_space<vmem>>, vector<16xi32>,
      %get3A_51 = arith.constant 0 : i32
      %get3A_52 = arith.index_cast %scan3A_21 : i32 to index
      %get3A_53 = arith.index_cast %get3A_51 : i32 to index
      %get3A_54 = arith.constant 48 : index
      %get3A_55 = tpu.vector_load %arg4[%get3A_52, %get3A_53, %get3A_54] {strides = array<i32>} : memref<250x1x80xi32, #tpu.memory_space<vmem>>, vector<1x1x16xi32>,
      %get3A_56 = vector.shape_cast %get3A_55 : vector<1x1x16xi32> to vector<16xi32>
      %swap3A_57 = arith.constant 48 : index
      %swap3A_58 = tpu.vector_load %arg6[%swap3A_57] {strides = array<i32>} : memref<80xi32, #tpu.memory_space<vmem>>, vector<16xi32>,
      %swap3A_59 = vector.shape_cast %swap3A_58 : vector<16xi32> to vector<16xi32>
      %swap3A_60 = vector.shape_cast %get3A_56 : vector<16xi32> to vector<16xi32>
      tpu.vector_store %arg6[%swap3A_57], %swap3A_60 {strides = array<i32>} : memref<80xi32, #tpu.memory_space<vmem>>, vector<16xi32>,
      %get3A_61 = arith.constant 0 : i32
      %get3A_62 = arith.index_cast %scan3A_21 : i32 to index
      %get3A_63 = arith.index_cast %get3A_61 : i32 to index
      %get3A_64 = arith.constant 64 : index
      %get3A_65 = tpu.vector_load %arg4[%get3A_62, %get3A_63, %get3A_64] {strides = array<i32>} : memref<250x1x80xi32, #tpu.memory_space<vmem>>, vector<1x1x16xi32>,
      %get3A_66 = vector.shape_cast %get3A_65 : vector<1x1x16xi32> to vector<16xi32>
      %swap3A_67 = arith.constant 64 : index
      %swap3A_68 = tpu.vector_load %arg6[%swap3A_67] {strides = array<i32>} : memref<80xi32, #tpu.memory_space<vmem>>, vector<16xi32>,
      %swap3A_69 = vector.shape_cast %swap3A_68 : vector<16xi32> to vector<16xi32>
      %swap3A_70 = vector.shape_cast %get3A_66 : vector<16xi32> to vector<16xi32>
      tpu.vector_store %arg6[%swap3A_67], %swap3A_70 {strides = array<i32>} : memref<80xi32, #tpu.memory_space<vmem>>, vector<16xi32>,
      "tpu.region"() ({
        %run_scoped3A = tpu.sem_alloc : memref<!tpu.dma_semaphore, #tpu.memory_space<semaphore_mem>>
        %dma_start3A = arith.constant 0 : i32
        %dma_start3A_72 = tpu.memref_slice %arg8[%dma_start3A] : memref<10000xf32, #tpu.memory_space<vmem_shared>> -> memref<10000xf32, #tpu.memory_space<vmem_shared>>
        tpu.enqueue_indirect_dma source(%arg5 : memref<80xf32, #tpu.memory_space<vmem>>) target(%dma_start3A_72 : memref<10000xf32, #tpu.memory_space<vmem_shared>>) offsets(%arg6 : memref<80xi32, #tpu.memory_space<vmem>>) semaphore(%run_scoped3A : memref<!tpu.dma_semaphore, #tpu.memory_space<semaphore_mem>>) {add = true}
        %dma_wait3A = arith.constant 0 : i32
        %dma_wait3A_73 = tpu.memref_slice %arg8[%dma_wait3A] : memref<10000xf32, #tpu.memory_space<vmem_shared>> -> memref<10000xf32, #tpu.memory_space<vmem_shared>>
        tpu.wait_indirect_dma semaphore(%run_scoped3A : memref<!tpu.dma_semaphore, #tpu.memory_space<semaphore_mem>>) src(%arg5 : memref<80xf32, #tpu.memory_space<vmem>>) dst(%dma_wait3A_73 : memref<10000xf32, #tpu.memory_space<vmem_shared>>)
        tpu.yield
      }) : () -> ()
      %scan3A_71 = arith.constant 0 : i32
      scf.yield %scan3A_71 : i32
    }
    %scan3A_14 = arith.constant 250 : i32
    %barrier3A_15 = arith.constant 0 : index
    tpu.barrier barrier_id(%barrier3A_15)
    %eq3A_16 = arith.constant 0 : i32
    %eq3A_17 = arith.cmpi eq, %arg1, %eq3A_16 : i32
    %convert_element_type3A_18 = arith.extui %eq3A_17 : i1 to i32
    %cond3A_19 = arith.constant 0 : i32
    %cond3A_20 = arith.cmpi ne, %convert_element_type3A_18, %cond3A_19 : i32
    scf.if %cond3A_20 {
      %run_scoped3A = arith.constant 0 : i32
      "tpu.region"() ({
        %run_scoped3A_21 = tpu.sem_alloc : memref<!tpu.dma_semaphore, #tpu.memory_space<semaphore_mem>>
        %dma_start3A = arith.constant 0 : i32
        %dma_start3A_22 = tpu.memref_slice %arg3[%arg0, %run_scoped3A, %dma_start3A] : memref<2x1x10000xf32, #tpu.memory_space<hbm>> -> memref<1x1x10000xf32, #tpu.memory_space<hbm>>
        %dma_start3A_23 = tpu.memref_squeeze %dma_start3A_22 : memref<1x1x10000xf32, #tpu.memory_space<hbm>> -> memref<10000xf32, #tpu.memory_space<hbm>>
        tpu.enqueue_dma source(%arg8 : memref<10000xf32, #tpu.memory_space<vmem_shared>>) target(%dma_start3A_23 : memref<10000xf32, #tpu.memory_space<hbm>>) target_semaphore(%run_scoped3A_21 : memref<!tpu.dma_semaphore, #tpu.memory_space<semaphore_mem>>)
        %dma_wait3A = arith.constant 0 : i32
        %dma_wait3A_24 = tpu.memref_slice %arg3[%arg0, %run_scoped3A, %dma_wait3A] : memref<2x1x10000xf32, #tpu.memory_space<hbm>> -> memref<1x1x10000xf32, #tpu.memory_space<hbm>>
        %dma_wait3A_25 = tpu.memref_squeeze %dma_wait3A_24 : memref<1x1x10000xf32, #tpu.memory_space<hbm>> -> memref<10000xf32, #tpu.memory_space<hbm>>
        tpu.wait_dma2 semaphore(%run_scoped3A_21 : memref<!tpu.dma_semaphore, #tpu.memory_space<semaphore_mem>>) src(%arg8 : memref<10000xf32, #tpu.memory_space<vmem_shared>>) dst(%dma_wait3A_25 : memref<10000xf32, #tpu.memory_space<hbm>>)
        tpu.yield
      }) : () -> ()
    } else {
    }
    return
  }
}

#map = affine_map<(d0, d1) -> (0, 0)>
#map1 = affine_map<(d0, d1) -> (0, 0, 0, 0)>
#map2 = affine_map<(d0, d1) -> (0, 0, 0)>
module attributes {stable_mosaic.version = 14 : i64} {
  func.func @msg_kernel(%arg0: i32, %arg1: i32, %arg2: memref<10000x128xf32, #tpu.memory_space<hbm>>, %arg3: memref<16x250x1x80xi32, #tpu.memory_space<hbm>>, %arg4: memref<16x250x1x80xi32, #tpu.memory_space<hbm>>, %arg5: memref<2x5000x128xf32, #tpu.memory_space<hbm>>, %arg6: memref<80x128xf32, #tpu.memory_space<vmem>>, %arg7: memref<80x128xf32, #tpu.memory_space<vmem>>, %arg8: memref<80x128xf32, #tpu.memory_space<vmem>>, %arg9: memref<80x128xf32, #tpu.memory_space<vmem>>, %arg10: memref<80x128xf32, #tpu.memory_space<vmem>>, %arg11: memref<80xi32, #tpu.memory_space<vmem>>, %arg12: memref<80xi32, #tpu.memory_space<vmem>>, %arg13: memref<80xi32, #tpu.memory_space<vmem>>, %arg14: memref<80xi32, #tpu.memory_space<vmem>>, %arg15: memref<80xi32, #tpu.memory_space<vmem>>, %arg16: memref<80xi32, #tpu.memory_space<vmem>>, %arg17: memref<80xi32, #tpu.memory_space<vmem>>, %arg18: memref<80xi32, #tpu.memory_space<vmem>>, %arg19: memref<80xi32, #tpu.memory_space<vmem>>, %arg20: memref<80xi32, #tpu.memory_space<vmem>>, %arg21: memref<80xi32, #tpu.memory_space<vmem>>, %arg22: memref<80xi32, #tpu.memory_space<vmem>>, %arg23: memref<80xi32, #tpu.memory_space<vmem>>, %arg24: memref<80xi32, #tpu.memory_space<vmem>>, %arg25: memref<80xi32, #tpu.memory_space<vmem>>, %arg26: memref<24x128xf32, #tpu.memory_space<vmem>>, %arg27: memref<5016x128xf32, #tpu.memory_space<vmem_shared>>, %arg28: memref<!tpu.dma_semaphore, #tpu.memory_space<semaphore_mem>>, %arg29: memref<!tpu.dma_semaphore, #tpu.memory_space<semaphore_mem>>, %arg30: memref<!tpu.dma_semaphore, #tpu.memory_space<semaphore_mem>>, %arg31: memref<!tpu.dma_semaphore, #tpu.memory_space<semaphore_mem>>, %arg32: memref<!tpu.dma_semaphore, #tpu.memory_space<semaphore_mem>>, %arg33: memref<!tpu.dma_semaphore, #tpu.memory_space<semaphore_mem>>, %arg34: memref<!tpu.dma_semaphore, #tpu.memory_space<semaphore_mem>>, %arg35: memref<!tpu.dma_semaphore, #tpu.memory_space<semaphore_mem>>, %arg36: memref<!tpu.dma_semaphore, #tpu.memory_space<semaphore_mem>>, %arg37: memref<!tpu.dma_semaphore, #tpu.memory_space<semaphore_mem>>, %arg38: memref<!tpu.dma_semaphore, #tpu.memory_space<semaphore_mem>>, %arg39: memref<!tpu.dma_semaphore, #tpu.memory_space<semaphore_mem>>, %arg40: memref<!tpu.dma_semaphore, #tpu.memory_space<semaphore_mem>>, %arg41: memref<!tpu.dma_semaphore, #tpu.memory_space<semaphore_mem>>, %arg42: memref<!tpu.dma_semaphore, #tpu.memory_space<semaphore_mem>>, %arg43: memref<!tpu.dma_semaphore, #tpu.memory_space<semaphore_mem>>, %arg44: memref<!tpu.dma_semaphore, #tpu.memory_space<semaphore_mem>>, %arg45: memref<!tpu.dma_semaphore, #tpu.memory_space<semaphore_mem>>, %arg46: memref<!tpu.dma_semaphore, #tpu.memory_space<semaphore_mem>>, %arg47: memref<!tpu.dma_semaphore, #tpu.memory_space<semaphore_mem>>) attributes {dimension_semantics = [#tpu.dimension_semantics<core_parallel>, #tpu.dimension_semantics<subcore_parallel>], iteration_bounds = array<i64: 2, 16>, scalar_prefetch = 0 : i64, scratch_operands = 42 : i64, tpu.core_type = #tpu.core_type<sc_vector_subcore>, window_params = [{transform_indices = #map}, {transform_indices = #map1}, {transform_indices = #map1}, {transform_indices = #map2}]} {
    %scan3A = arith.constant 0 : i32
    %scan3A_0 = arith.constant 0 : i32
    %scan3A_1 = arith.constant 192 : i32
    %scan3A_2 = arith.addi %scan3A_0, %scan3A_1 : i32
    %scan3A_3 = arith.constant 1 : i32
    %scan3A_4 = scf.for %scan3A_716 = %scan3A_0 to %scan3A_2 step %scan3A_3 iter_args(%scan3A_717 = %scan3A) -> (i32)  : i32 {
      %broadcast_in_dim3A = arith.constant 0.000000e+00 : f32
      %broadcast_in_dim3A_718 = vector.broadcast %broadcast_in_dim3A : f32 to vector<16xf32>
      %jit3A = arith.constant 8 : i32
      %div3A = arith.divsi %scan3A_716, %jit3A : i32
      %sign3A = arith.constant 0 : i32
      %sign3A_719 = arith.cmpi sgt, %scan3A_716, %sign3A : i32
      %sign3A_720 = arith.extui %sign3A_719 : i1 to i32
      %sign3A_721 = arith.constant 0 : i32
      %sign3A_722 = arith.cmpi slt, %scan3A_716, %sign3A_721 : i32
      %sign3A_723 = arith.extui %sign3A_722 : i1 to i32
      %sign3A_724 = arith.subi %sign3A_720, %sign3A_723 : i32
      %sign3A_725 = arith.constant 0 : i32
      %sign3A_726 = arith.cmpi sgt, %jit3A, %sign3A_725 : i32
      %sign3A_727 = arith.extui %sign3A_726 : i1 to i32
      %sign3A_728 = arith.constant 0 : i32
      %sign3A_729 = arith.cmpi slt, %jit3A, %sign3A_728 : i32
      %sign3A_730 = arith.extui %sign3A_729 : i1 to i32
      %sign3A_731 = arith.subi %sign3A_727, %sign3A_730 : i32
      %ne3A = arith.cmpi ne, %sign3A_724, %sign3A_731 : i32
      %rem3A = arith.remsi %scan3A_716, %jit3A : i32
      %ne3A_732 = arith.constant 0 : i32
      %ne3A_733 = arith.cmpi ne, %rem3A, %ne3A_732 : i32
      %and3A_734 = arith.andi %ne3A, %ne3A_733 : i1
      %sub3A_735 = arith.constant 1 : i32
      %sub3A_736 = arith.subi %div3A, %sub3A_735 : i32
      %select_n3A_737 = arith.select %and3A_734, %sub3A_736, %div3A : i32
      %jit3A_738 = arith.constant 8 : i32
      %eq3A_739 = arith.constant 0 : i32
      %eq3A_740 = arith.cmpi eq, %jit3A_738, %eq3A_739 : i32
      %jit3A_741 = arith.constant 1 : i32
      %select_n3A_742 = arith.select %eq3A_740, %jit3A_741, %jit3A_738 : i32
      %rem3A_743 = arith.remsi %scan3A_716, %select_n3A_742 : i32
      %ne3A_744 = arith.constant 0 : i32
      %ne3A_745 = arith.cmpi ne, %rem3A_743, %ne3A_744 : i32
      %lt3A_746 = arith.constant 0 : i32
      %lt3A_747 = arith.cmpi slt, %rem3A_743, %lt3A_746 : i32
      %lt3A_748 = arith.constant 0 : i32
      %lt3A_749 = arith.cmpi slt, %select_n3A_742, %lt3A_748 : i32
      %ne3A_750 = arith.xori %lt3A_747, %lt3A_749 : i1
      %and3A_751 = arith.andi %ne3A_750, %ne3A_745 : i1
      %add3A_752 = arith.addi %rem3A_743, %select_n3A_742 : i32
      %select_n3A_753 = arith.select %and3A_751, %add3A_752, %rem3A_743 : i32
      %mul3A_754 = arith.constant 16 : i32
      %mul3A_755 = arith.muli %select_n3A_753, %mul3A_754 : i32
      %swap3A_756 = arith.index_cast %select_n3A_737 : i32 to index
      %swap3A_757 = arith.index_cast %mul3A_755 : i32 to index
      %swap3A_758 = tpu.vector_load %arg26[%swap3A_756, %swap3A_757] {strides = array<i32>} : memref<24x128xf32, #tpu.memory_space<vmem>>, vector<1x16xf32>,
      %swap3A_759 = vector.shape_cast %swap3A_758 : vector<1x16xf32> to vector<16xf32>
      %swap3A_760 = vector.shape_cast %broadcast_in_dim3A_718 : vector<16xf32> to vector<1x16xf32>
      tpu.vector_store %arg26[%swap3A_756, %swap3A_757], %swap3A_760 {strides = array<i32>} : memref<24x128xf32, #tpu.memory_space<vmem>>, vector<1x16xf32>,
      %scan3A_761 = arith.constant 0 : i32
      scf.yield %scan3A_761 : i32
    }
    %scan3A_5 = arith.constant 192 : i32
    %mul3A = arith.constant 312 : i32
    %mul3A_6 = arith.muli %arg1, %mul3A : i32
    %add3A = arith.constant 0 : i32
    %add3A_7 = arith.addi %mul3A_6, %add3A : i32
    "tpu.region"() ({
      %run_scoped3A = tpu.sem_alloc : memref<!tpu.dma_semaphore, #tpu.memory_space<semaphore_mem>>
      %dma_start3A_716 = arith.constant 0 : i32
      %dma_start3A_717 = tpu.memref_slice %arg27[%add3A_7, %dma_start3A_716] : memref<5016x128xf32, #tpu.memory_space<vmem_shared>> -> memref<24x128xf32, #tpu.memory_space<vmem_shared>>
      %dma_start3A_718 = arith.constant 0 : i32
      %dma_start3A_719 = tpu.memref_slice %arg27[%add3A_7, %dma_start3A_718] : memref<5016x128xf32, #tpu.memory_space<vmem_shared>> -> memref<24x128xf32, #tpu.memory_space<vmem_shared>>
      tpu.enqueue_dma source(%arg26 : memref<24x128xf32, #tpu.memory_space<vmem>>) target(%dma_start3A_719 : memref<24x128xf32, #tpu.memory_space<vmem_shared>>) target_semaphore(%run_scoped3A : memref<!tpu.dma_semaphore, #tpu.memory_space<semaphore_mem>>)
      %dma_wait3A_720 = arith.constant 0 : i32
      %dma_wait3A_721 = tpu.memref_slice %arg27[%add3A_7, %dma_wait3A_720] : memref<5016x128xf32, #tpu.memory_space<vmem_shared>> -> memref<24x128xf32, #tpu.memory_space<vmem_shared>>
      %dma_wait3A_722 = arith.constant 0 : i32
      %dma_wait3A_723 = tpu.memref_slice %arg27[%add3A_7, %dma_wait3A_722] : memref<5016x128xf32, #tpu.memory_space<vmem_shared>> -> memref<24x128xf32, #tpu.memory_space<vmem_shared>>
      tpu.wait_dma2 semaphore(%run_scoped3A : memref<!tpu.dma_semaphore, #tpu.memory_space<semaphore_mem>>) src(%arg26 : memref<24x128xf32, #tpu.memory_space<vmem>>) dst(%dma_wait3A_723 : memref<24x128xf32, #tpu.memory_space<vmem_shared>>)
      tpu.yield
    }) : () -> ()
    %mul3A_8 = arith.constant 312 : i32
    %mul3A_9 = arith.muli %arg1, %mul3A_8 : i32
    %add3A_10 = arith.constant 24 : i32
    %add3A_11 = arith.addi %mul3A_9, %add3A_10 : i32
    "tpu.region"() ({
      %run_scoped3A = tpu.sem_alloc : memref<!tpu.dma_semaphore, #tpu.memory_space<semaphore_mem>>
      %dma_start3A_716 = arith.constant 0 : i32
      %dma_start3A_717 = tpu.memref_slice %arg27[%add3A_11, %dma_start3A_716] : memref<5016x128xf32, #tpu.memory_space<vmem_shared>> -> memref<24x128xf32, #tpu.memory_space<vmem_shared>>
      %dma_start3A_718 = arith.constant 0 : i32
      %dma_start3A_719 = tpu.memref_slice %arg27[%add3A_11, %dma_start3A_718] : memref<5016x128xf32, #tpu.memory_space<vmem_shared>> -> memref<24x128xf32, #tpu.memory_space<vmem_shared>>
      tpu.enqueue_dma source(%arg26 : memref<24x128xf32, #tpu.memory_space<vmem>>) target(%dma_start3A_719 : memref<24x128xf32, #tpu.memory_space<vmem_shared>>) target_semaphore(%run_scoped3A : memref<!tpu.dma_semaphore, #tpu.memory_space<semaphore_mem>>)
      %dma_wait3A_720 = arith.constant 0 : i32
      %dma_wait3A_721 = tpu.memref_slice %arg27[%add3A_11, %dma_wait3A_720] : memref<5016x128xf32, #tpu.memory_space<vmem_shared>> -> memref<24x128xf32, #tpu.memory_space<vmem_shared>>
      %dma_wait3A_722 = arith.constant 0 : i32
      %dma_wait3A_723 = tpu.memref_slice %arg27[%add3A_11, %dma_wait3A_722] : memref<5016x128xf32, #tpu.memory_space<vmem_shared>> -> memref<24x128xf32, #tpu.memory_space<vmem_shared>>
      tpu.wait_dma2 semaphore(%run_scoped3A : memref<!tpu.dma_semaphore, #tpu.memory_space<semaphore_mem>>) src(%arg26 : memref<24x128xf32, #tpu.memory_space<vmem>>) dst(%dma_wait3A_723 : memref<24x128xf32, #tpu.memory_space<vmem_shared>>)
      tpu.yield
    }) : () -> ()
    %mul3A_12 = arith.constant 312 : i32
    %mul3A_13 = arith.muli %arg1, %mul3A_12 : i32
    %add3A_14 = arith.constant 48 : i32
    %add3A_15 = arith.addi %mul3A_13, %add3A_14 : i32
    "tpu.region"() ({
      %run_scoped3A = tpu.sem_alloc : memref<!tpu.dma_semaphore, #tpu.memory_space<semaphore_mem>>
      %dma_start3A_716 = arith.constant 0 : i32
      %dma_start3A_717 = tpu.memref_slice %arg27[%add3A_15, %dma_start3A_716] : memref<5016x128xf32, #tpu.memory_space<vmem_shared>> -> memref<24x128xf32, #tpu.memory_space<vmem_shared>>
      %dma_start3A_718 = arith.constant 0 : i32
      %dma_start3A_719 = tpu.memref_slice %arg27[%add3A_15, %dma_start3A_718] : memref<5016x128xf32, #tpu.memory_space<vmem_shared>> -> memref<24x128xf32, #tpu.memory_space<vmem_shared>>
      tpu.enqueue_dma source(%arg26 : memref<24x128xf32, #tpu.memory_space<vmem>>) target(%dma_start3A_719 : memref<24x128xf32, #tpu.memory_space<vmem_shared>>) target_semaphore(%run_scoped3A : memref<!tpu.dma_semaphore, #tpu.memory_space<semaphore_mem>>)
      %dma_wait3A_720 = arith.constant 0 : i32
      %dma_wait3A_721 = tpu.memref_slice %arg27[%add3A_15, %dma_wait3A_720] : memref<5016x128xf32, #tpu.memory_space<vmem_shared>> -> memref<24x128xf32, #tpu.memory_space<vmem_shared>>
      %dma_wait3A_722 = arith.constant 0 : i32
      %dma_wait3A_723 = tpu.memref_slice %arg27[%add3A_15, %dma_wait3A_722] : memref<5016x128xf32, #tpu.memory_space<vmem_shared>> -> memref<24x128xf32, #tpu.memory_space<vmem_shared>>
      tpu.wait_dma2 semaphore(%run_scoped3A : memref<!tpu.dma_semaphore, #tpu.memory_space<semaphore_mem>>) src(%arg26 : memref<24x128xf32, #tpu.memory_space<vmem>>) dst(%dma_wait3A_723 : memref<24x128xf32, #tpu.memory_space<vmem_shared>>)
      tpu.yield
    }) : () -> ()
    %mul3A_16 = arith.constant 312 : i32
    %mul3A_17 = arith.muli %arg1, %mul3A_16 : i32
    %add3A_18 = arith.constant 72 : i32
    %add3A_19 = arith.addi %mul3A_17, %add3A_18 : i32
    "tpu.region"() ({
      %run_scoped3A = tpu.sem_alloc : memref<!tpu.dma_semaphore, #tpu.memory_space<semaphore_mem>>
      %dma_start3A_716 = arith.constant 0 : i32
      %dma_start3A_717 = tpu.memref_slice %arg27[%add3A_19, %dma_start3A_716] : memref<5016x128xf32, #tpu.memory_space<vmem_shared>> -> memref<24x128xf32, #tpu.memory_space<vmem_shared>>
      %dma_start3A_718 = arith.constant 0 : i32
      %dma_start3A_719 = tpu.memref_slice %arg27[%add3A_19, %dma_start3A_718] : memref<5016x128xf32, #tpu.memory_space<vmem_shared>> -> memref<24x128xf32, #tpu.memory_space<vmem_shared>>
      tpu.enqueue_dma source(%arg26 : memref<24x128xf32, #tpu.memory_space<vmem>>) target(%dma_start3A_719 : memref<24x128xf32, #tpu.memory_space<vmem_shared>>) target_semaphore(%run_scoped3A : memref<!tpu.dma_semaphore, #tpu.memory_space<semaphore_mem>>)
      %dma_wait3A_720 = arith.constant 0 : i32
      %dma_wait3A_721 = tpu.memref_slice %arg27[%add3A_19, %dma_wait3A_720] : memref<5016x128xf32, #tpu.memory_space<vmem_shared>> -> memref<24x128xf32, #tpu.memory_space<vmem_shared>>
      %dma_wait3A_722 = arith.constant 0 : i32
      %dma_wait3A_723 = tpu.memref_slice %arg27[%add3A_19, %dma_wait3A_722] : memref<5016x128xf32, #tpu.memory_space<vmem_shared>> -> memref<24x128xf32, #tpu.memory_space<vmem_shared>>
      tpu.wait_dma2 semaphore(%run_scoped3A : memref<!tpu.dma_semaphore, #tpu.memory_space<semaphore_mem>>) src(%arg26 : memref<24x128xf32, #tpu.memory_space<vmem>>) dst(%dma_wait3A_723 : memref<24x128xf32, #tpu.memory_space<vmem_shared>>)
      tpu.yield
    }) : () -> ()
    %mul3A_20 = arith.constant 312 : i32
    %mul3A_21 = arith.muli %arg1, %mul3A_20 : i32
    %add3A_22 = arith.constant 96 : i32
    %add3A_23 = arith.addi %mul3A_21, %add3A_22 : i32
    "tpu.region"() ({
      %run_scoped3A = tpu.sem_alloc : memref<!tpu.dma_semaphore, #tpu.memory_space<semaphore_mem>>
      %dma_start3A_716 = arith.constant 0 : i32
      %dma_start3A_717 = tpu.memref_slice %arg27[%add3A_23, %dma_start3A_716] : memref<5016x128xf32, #tpu.memory_space<vmem_shared>> -> memref<24x128xf32, #tpu.memory_space<vmem_shared>>
      %dma_start3A_718 = arith.constant 0 : i32
      %dma_start3A_719 = tpu.memref_slice %arg27[%add3A_23, %dma_start3A_718] : memref<5016x128xf32, #tpu.memory_space<vmem_shared>> -> memref<24x128xf32, #tpu.memory_space<vmem_shared>>
      tpu.enqueue_dma source(%arg26 : memref<24x128xf32, #tpu.memory_space<vmem>>) target(%dma_start3A_719 : memref<24x128xf32, #tpu.memory_space<vmem_shared>>) target_semaphore(%run_scoped3A : memref<!tpu.dma_semaphore, #tpu.memory_space<semaphore_mem>>)
      %dma_wait3A_720 = arith.constant 0 : i32
      %dma_wait3A_721 = tpu.memref_slice %arg27[%add3A_23, %dma_wait3A_720] : memref<5016x128xf32, #tpu.memory_space<vmem_shared>> -> memref<24x128xf32, #tpu.memory_space<vmem_shared>>
      %dma_wait3A_722 = arith.constant 0 : i32
      %dma_wait3A_723 = tpu.memref_slice %arg27[%add3A_23, %dma_wait3A_722] : memref<5016x128xf32, #tpu.memory_space<vmem_shared>> -> memref<24x128xf32, #tpu.memory_space<vmem_shared>>
      tpu.wait_dma2 semaphore(%run_scoped3A : memref<!tpu.dma_semaphore, #tpu.memory_space<semaphore_mem>>) src(%arg26 : memref<24x128xf32, #tpu.memory_space<vmem>>) dst(%dma_wait3A_723 : memref<24x128xf32, #tpu.memory_space<vmem_shared>>)
      tpu.yield
    }) : () -> ()
    %mul3A_24 = arith.constant 312 : i32
    %mul3A_25 = arith.muli %arg1, %mul3A_24 : i32
    %add3A_26 = arith.constant 120 : i32
    %add3A_27 = arith.addi %mul3A_25, %add3A_26 : i32
    "tpu.region"() ({
      %run_scoped3A = tpu.sem_alloc : memref<!tpu.dma_semaphore, #tpu.memory_space<semaphore_mem>>
      %dma_start3A_716 = arith.constant 0 : i32
      %dma_start3A_717 = tpu.memref_slice %arg27[%add3A_27, %dma_start3A_716] : memref<5016x128xf32, #tpu.memory_space<vmem_shared>> -> memref<24x128xf32, #tpu.memory_space<vmem_shared>>
      %dma_start3A_718 = arith.constant 0 : i32
      %dma_start3A_719 = tpu.memref_slice %arg27[%add3A_27, %dma_start3A_718] : memref<5016x128xf32, #tpu.memory_space<vmem_shared>> -> memref<24x128xf32, #tpu.memory_space<vmem_shared>>
      tpu.enqueue_dma source(%arg26 : memref<24x128xf32, #tpu.memory_space<vmem>>) target(%dma_start3A_719 : memref<24x128xf32, #tpu.memory_space<vmem_shared>>) target_semaphore(%run_scoped3A : memref<!tpu.dma_semaphore, #tpu.memory_space<semaphore_mem>>)
      %dma_wait3A_720 = arith.constant 0 : i32
      %dma_wait3A_721 = tpu.memref_slice %arg27[%add3A_27, %dma_wait3A_720] : memref<5016x128xf32, #tpu.memory_space<vmem_shared>> -> memref<24x128xf32, #tpu.memory_space<vmem_shared>>
      %dma_wait3A_722 = arith.constant 0 : i32
      %dma_wait3A_723 = tpu.memref_slice %arg27[%add3A_27, %dma_wait3A_722] : memref<5016x128xf32, #tpu.memory_space<vmem_shared>> -> memref<24x128xf32, #tpu.memory_space<vmem_shared>>
      tpu.wait_dma2 semaphore(%run_scoped3A : memref<!tpu.dma_semaphore, #tpu.memory_space<semaphore_mem>>) src(%arg26 : memref<24x128xf32, #tpu.memory_space<vmem>>) dst(%dma_wait3A_723 : memref<24x128xf32, #tpu.memory_space<vmem_shared>>)
      tpu.yield
    }) : () -> ()
    %mul3A_28 = arith.constant 312 : i32
    %mul3A_29 = arith.muli %arg1, %mul3A_28 : i32
    %add3A_30 = arith.constant 144 : i32
    %add3A_31 = arith.addi %mul3A_29, %add3A_30 : i32
    "tpu.region"() ({
      %run_scoped3A = tpu.sem_alloc : memref<!tpu.dma_semaphore, #tpu.memory_space<semaphore_mem>>
      %dma_start3A_716 = arith.constant 0 : i32
      %dma_start3A_717 = tpu.memref_slice %arg27[%add3A_31, %dma_start3A_716] : memref<5016x128xf32, #tpu.memory_space<vmem_shared>> -> memref<24x128xf32, #tpu.memory_space<vmem_shared>>
      %dma_start3A_718 = arith.constant 0 : i32
      %dma_start3A_719 = tpu.memref_slice %arg27[%add3A_31, %dma_start3A_718] : memref<5016x128xf32, #tpu.memory_space<vmem_shared>> -> memref<24x128xf32, #tpu.memory_space<vmem_shared>>
      tpu.enqueue_dma source(%arg26 : memref<24x128xf32, #tpu.memory_space<vmem>>) target(%dma_start3A_719 : memref<24x128xf32, #tpu.memory_space<vmem_shared>>) target_semaphore(%run_scoped3A : memref<!tpu.dma_semaphore, #tpu.memory_space<semaphore_mem>>)
      %dma_wait3A_720 = arith.constant 0 : i32
      %dma_wait3A_721 = tpu.memref_slice %arg27[%add3A_31, %dma_wait3A_720] : memref<5016x128xf32, #tpu.memory_space<vmem_shared>> -> memref<24x128xf32, #tpu.memory_space<vmem_shared>>
      %dma_wait3A_722 = arith.constant 0 : i32
      %dma_wait3A_723 = tpu.memref_slice %arg27[%add3A_31, %dma_wait3A_722] : memref<5016x128xf32, #tpu.memory_space<vmem_shared>> -> memref<24x128xf32, #tpu.memory_space<vmem_shared>>
      tpu.wait_dma2 semaphore(%run_scoped3A : memref<!tpu.dma_semaphore, #tpu.memory_space<semaphore_mem>>) src(%arg26 : memref<24x128xf32, #tpu.memory_space<vmem>>) dst(%dma_wait3A_723 : memref<24x128xf32, #tpu.memory_space<vmem_shared>>)
      tpu.yield
    }) : () -> ()
    %mul3A_32 = arith.constant 312 : i32
    %mul3A_33 = arith.muli %arg1, %mul3A_32 : i32
    %add3A_34 = arith.constant 168 : i32
    %add3A_35 = arith.addi %mul3A_33, %add3A_34 : i32
    "tpu.region"() ({
      %run_scoped3A = tpu.sem_alloc : memref<!tpu.dma_semaphore, #tpu.memory_space<semaphore_mem>>
      %dma_start3A_716 = arith.constant 0 : i32
      %dma_start3A_717 = tpu.memref_slice %arg27[%add3A_35, %dma_start3A_716] : memref<5016x128xf32, #tpu.memory_space<vmem_shared>> -> memref<24x128xf32, #tpu.memory_space<vmem_shared>>
      %dma_start3A_718 = arith.constant 0 : i32
      %dma_start3A_719 = tpu.memref_slice %arg27[%add3A_35, %dma_start3A_718] : memref<5016x128xf32, #tpu.memory_space<vmem_shared>> -> memref<24x128xf32, #tpu.memory_space<vmem_shared>>
      tpu.enqueue_dma source(%arg26 : memref<24x128xf32, #tpu.memory_space<vmem>>) target(%dma_start3A_719 : memref<24x128xf32, #tpu.memory_space<vmem_shared>>) target_semaphore(%run_scoped3A : memref<!tpu.dma_semaphore, #tpu.memory_space<semaphore_mem>>)
      %dma_wait3A_720 = arith.constant 0 : i32
      %dma_wait3A_721 = tpu.memref_slice %arg27[%add3A_35, %dma_wait3A_720] : memref<5016x128xf32, #tpu.memory_space<vmem_shared>> -> memref<24x128xf32, #tpu.memory_space<vmem_shared>>
      %dma_wait3A_722 = arith.constant 0 : i32
      %dma_wait3A_723 = tpu.memref_slice %arg27[%add3A_35, %dma_wait3A_722] : memref<5016x128xf32, #tpu.memory_space<vmem_shared>> -> memref<24x128xf32, #tpu.memory_space<vmem_shared>>
      tpu.wait_dma2 semaphore(%run_scoped3A : memref<!tpu.dma_semaphore, #tpu.memory_space<semaphore_mem>>) src(%arg26 : memref<24x128xf32, #tpu.memory_space<vmem>>) dst(%dma_wait3A_723 : memref<24x128xf32, #tpu.memory_space<vmem_shared>>)
      tpu.yield
    }) : () -> ()
    %mul3A_36 = arith.constant 312 : i32
    %mul3A_37 = arith.muli %arg1, %mul3A_36 : i32
    %add3A_38 = arith.constant 192 : i32
    %add3A_39 = arith.addi %mul3A_37, %add3A_38 : i32
    "tpu.region"() ({
      %run_scoped3A = tpu.sem_alloc : memref<!tpu.dma_semaphore, #tpu.memory_space<semaphore_mem>>
      %dma_start3A_716 = arith.constant 0 : i32
      %dma_start3A_717 = tpu.memref_slice %arg27[%add3A_39, %dma_start3A_716] : memref<5016x128xf32, #tpu.memory_space<vmem_shared>> -> memref<24x128xf32, #tpu.memory_space<vmem_shared>>
      %dma_start3A_718 = arith.constant 0 : i32
      %dma_start3A_719 = tpu.memref_slice %arg27[%add3A_39, %dma_start3A_718] : memref<5016x128xf32, #tpu.memory_space<vmem_shared>> -> memref<24x128xf32, #tpu.memory_space<vmem_shared>>
      tpu.enqueue_dma source(%arg26 : memref<24x128xf32, #tpu.memory_space<vmem>>) target(%dma_start3A_719 : memref<24x128xf32, #tpu.memory_space<vmem_shared>>) target_semaphore(%run_scoped3A : memref<!tpu.dma_semaphore, #tpu.memory_space<semaphore_mem>>)
      %dma_wait3A_720 = arith.constant 0 : i32
      %dma_wait3A_721 = tpu.memref_slice %arg27[%add3A_39, %dma_wait3A_720] : memref<5016x128xf32, #tpu.memory_space<vmem_shared>> -> memref<24x128xf32, #tpu.memory_space<vmem_shared>>
      %dma_wait3A_722 = arith.constant 0 : i32
      %dma_wait3A_723 = tpu.memref_slice %arg27[%add3A_39, %dma_wait3A_722] : memref<5016x128xf32, #tpu.memory_space<vmem_shared>> -> memref<24x128xf32, #tpu.memory_space<vmem_shared>>
      tpu.wait_dma2 semaphore(%run_scoped3A : memref<!tpu.dma_semaphore, #tpu.memory_space<semaphore_mem>>) src(%arg26 : memref<24x128xf32, #tpu.memory_space<vmem>>) dst(%dma_wait3A_723 : memref<24x128xf32, #tpu.memory_space<vmem_shared>>)
      tpu.yield
    }) : () -> ()
    %mul3A_40 = arith.constant 312 : i32
    %mul3A_41 = arith.muli %arg1, %mul3A_40 : i32
    %add3A_42 = arith.constant 216 : i32
    %add3A_43 = arith.addi %mul3A_41, %add3A_42 : i32
    "tpu.region"() ({
      %run_scoped3A = tpu.sem_alloc : memref<!tpu.dma_semaphore, #tpu.memory_space<semaphore_mem>>
      %dma_start3A_716 = arith.constant 0 : i32
      %dma_start3A_717 = tpu.memref_slice %arg27[%add3A_43, %dma_start3A_716] : memref<5016x128xf32, #tpu.memory_space<vmem_shared>> -> memref<24x128xf32, #tpu.memory_space<vmem_shared>>
      %dma_start3A_718 = arith.constant 0 : i32
      %dma_start3A_719 = tpu.memref_slice %arg27[%add3A_43, %dma_start3A_718] : memref<5016x128xf32, #tpu.memory_space<vmem_shared>> -> memref<24x128xf32, #tpu.memory_space<vmem_shared>>
      tpu.enqueue_dma source(%arg26 : memref<24x128xf32, #tpu.memory_space<vmem>>) target(%dma_start3A_719 : memref<24x128xf32, #tpu.memory_space<vmem_shared>>) target_semaphore(%run_scoped3A : memref<!tpu.dma_semaphore, #tpu.memory_space<semaphore_mem>>)
      %dma_wait3A_720 = arith.constant 0 : i32
      %dma_wait3A_721 = tpu.memref_slice %arg27[%add3A_43, %dma_wait3A_720] : memref<5016x128xf32, #tpu.memory_space<vmem_shared>> -> memref<24x128xf32, #tpu.memory_space<vmem_shared>>
      %dma_wait3A_722 = arith.constant 0 : i32
      %dma_wait3A_723 = tpu.memref_slice %arg27[%add3A_43, %dma_wait3A_722] : memref<5016x128xf32, #tpu.memory_space<vmem_shared>> -> memref<24x128xf32, #tpu.memory_space<vmem_shared>>
      tpu.wait_dma2 semaphore(%run_scoped3A : memref<!tpu.dma_semaphore, #tpu.memory_space<semaphore_mem>>) src(%arg26 : memref<24x128xf32, #tpu.memory_space<vmem>>) dst(%dma_wait3A_723 : memref<24x128xf32, #tpu.memory_space<vmem_shared>>)
      tpu.yield
    }) : () -> ()
    %mul3A_44 = arith.constant 312 : i32
    %mul3A_45 = arith.muli %arg1, %mul3A_44 : i32
    %add3A_46 = arith.constant 240 : i32
    %add3A_47 = arith.addi %mul3A_45, %add3A_46 : i32
    "tpu.region"() ({
      %run_scoped3A = tpu.sem_alloc : memref<!tpu.dma_semaphore, #tpu.memory_space<semaphore_mem>>
      %dma_start3A_716 = arith.constant 0 : i32
      %dma_start3A_717 = tpu.memref_slice %arg27[%add3A_47, %dma_start3A_716] : memref<5016x128xf32, #tpu.memory_space<vmem_shared>> -> memref<24x128xf32, #tpu.memory_space<vmem_shared>>
      %dma_start3A_718 = arith.constant 0 : i32
      %dma_start3A_719 = tpu.memref_slice %arg27[%add3A_47, %dma_start3A_718] : memref<5016x128xf32, #tpu.memory_space<vmem_shared>> -> memref<24x128xf32, #tpu.memory_space<vmem_shared>>
      tpu.enqueue_dma source(%arg26 : memref<24x128xf32, #tpu.memory_space<vmem>>) target(%dma_start3A_719 : memref<24x128xf32, #tpu.memory_space<vmem_shared>>) target_semaphore(%run_scoped3A : memref<!tpu.dma_semaphore, #tpu.memory_space<semaphore_mem>>)
      %dma_wait3A_720 = arith.constant 0 : i32
      %dma_wait3A_721 = tpu.memref_slice %arg27[%add3A_47, %dma_wait3A_720] : memref<5016x128xf32, #tpu.memory_space<vmem_shared>> -> memref<24x128xf32, #tpu.memory_space<vmem_shared>>
      %dma_wait3A_722 = arith.constant 0 : i32
      %dma_wait3A_723 = tpu.memref_slice %arg27[%add3A_47, %dma_wait3A_722] : memref<5016x128xf32, #tpu.memory_space<vmem_shared>> -> memref<24x128xf32, #tpu.memory_space<vmem_shared>>
      tpu.wait_dma2 semaphore(%run_scoped3A : memref<!tpu.dma_semaphore, #tpu.memory_space<semaphore_mem>>) src(%arg26 : memref<24x128xf32, #tpu.memory_space<vmem>>) dst(%dma_wait3A_723 : memref<24x128xf32, #tpu.memory_space<vmem_shared>>)
      tpu.yield
    }) : () -> ()
    %mul3A_48 = arith.constant 312 : i32
    %mul3A_49 = arith.muli %arg1, %mul3A_48 : i32
    %add3A_50 = arith.constant 264 : i32
    %add3A_51 = arith.addi %mul3A_49, %add3A_50 : i32
    "tpu.region"() ({
      %run_scoped3A = tpu.sem_alloc : memref<!tpu.dma_semaphore, #tpu.memory_space<semaphore_mem>>
      %dma_start3A_716 = arith.constant 0 : i32
      %dma_start3A_717 = tpu.memref_slice %arg27[%add3A_51, %dma_start3A_716] : memref<5016x128xf32, #tpu.memory_space<vmem_shared>> -> memref<24x128xf32, #tpu.memory_space<vmem_shared>>
      %dma_start3A_718 = arith.constant 0 : i32
      %dma_start3A_719 = tpu.memref_slice %arg27[%add3A_51, %dma_start3A_718] : memref<5016x128xf32, #tpu.memory_space<vmem_shared>> -> memref<24x128xf32, #tpu.memory_space<vmem_shared>>
      tpu.enqueue_dma source(%arg26 : memref<24x128xf32, #tpu.memory_space<vmem>>) target(%dma_start3A_719 : memref<24x128xf32, #tpu.memory_space<vmem_shared>>) target_semaphore(%run_scoped3A : memref<!tpu.dma_semaphore, #tpu.memory_space<semaphore_mem>>)
      %dma_wait3A_720 = arith.constant 0 : i32
      %dma_wait3A_721 = tpu.memref_slice %arg27[%add3A_51, %dma_wait3A_720] : memref<5016x128xf32, #tpu.memory_space<vmem_shared>> -> memref<24x128xf32, #tpu.memory_space<vmem_shared>>
      %dma_wait3A_722 = arith.constant 0 : i32
      %dma_wait3A_723 = tpu.memref_slice %arg27[%add3A_51, %dma_wait3A_722] : memref<5016x128xf32, #tpu.memory_space<vmem_shared>> -> memref<24x128xf32, #tpu.memory_space<vmem_shared>>
      tpu.wait_dma2 semaphore(%run_scoped3A : memref<!tpu.dma_semaphore, #tpu.memory_space<semaphore_mem>>) src(%arg26 : memref<24x128xf32, #tpu.memory_space<vmem>>) dst(%dma_wait3A_723 : memref<24x128xf32, #tpu.memory_space<vmem_shared>>)
      tpu.yield
    }) : () -> ()
    %mul3A_52 = arith.constant 312 : i32
    %mul3A_53 = arith.muli %arg1, %mul3A_52 : i32
    %add3A_54 = arith.constant 288 : i32
    %add3A_55 = arith.addi %mul3A_53, %add3A_54 : i32
    "tpu.region"() ({
      %run_scoped3A = tpu.sem_alloc : memref<!tpu.dma_semaphore, #tpu.memory_space<semaphore_mem>>
      %dma_start3A_716 = arith.constant 0 : i32
      %dma_start3A_717 = tpu.memref_slice %arg27[%add3A_55, %dma_start3A_716] : memref<5016x128xf32, #tpu.memory_space<vmem_shared>> -> memref<24x128xf32, #tpu.memory_space<vmem_shared>>
      %dma_start3A_718 = arith.constant 0 : i32
      %dma_start3A_719 = tpu.memref_slice %arg27[%add3A_55, %dma_start3A_718] : memref<5016x128xf32, #tpu.memory_space<vmem_shared>> -> memref<24x128xf32, #tpu.memory_space<vmem_shared>>
      tpu.enqueue_dma source(%arg26 : memref<24x128xf32, #tpu.memory_space<vmem>>) target(%dma_start3A_719 : memref<24x128xf32, #tpu.memory_space<vmem_shared>>) target_semaphore(%run_scoped3A : memref<!tpu.dma_semaphore, #tpu.memory_space<semaphore_mem>>)
      %dma_wait3A_720 = arith.constant 0 : i32
      %dma_wait3A_721 = tpu.memref_slice %arg27[%add3A_55, %dma_wait3A_720] : memref<5016x128xf32, #tpu.memory_space<vmem_shared>> -> memref<24x128xf32, #tpu.memory_space<vmem_shared>>
      %dma_wait3A_722 = arith.constant 0 : i32
      %dma_wait3A_723 = tpu.memref_slice %arg27[%add3A_55, %dma_wait3A_722] : memref<5016x128xf32, #tpu.memory_space<vmem_shared>> -> memref<24x128xf32, #tpu.memory_space<vmem_shared>>
      tpu.wait_dma2 semaphore(%run_scoped3A : memref<!tpu.dma_semaphore, #tpu.memory_space<semaphore_mem>>) src(%arg26 : memref<24x128xf32, #tpu.memory_space<vmem>>) dst(%dma_wait3A_723 : memref<24x128xf32, #tpu.memory_space<vmem_shared>>)
      tpu.yield
    }) : () -> ()
    %eq3A = arith.constant 0 : i32
    %eq3A_56 = arith.cmpi eq, %arg1, %eq3A : i32
    %convert_element_type3A = arith.extui %eq3A_56 : i1 to i32
    %cond3A = arith.constant 0 : i32
    %cond3A_57 = arith.cmpi ne, %convert_element_type3A, %cond3A : i32
    scf.if %cond3A_57 {
      "tpu.region"() ({
        %run_scoped3A = tpu.sem_alloc : memref<!tpu.dma_semaphore, #tpu.memory_space<semaphore_mem>>
        %dma_start3A_716 = arith.constant 4992 : i32
        %dma_start3A_717 = arith.constant 0 : i32
        %dma_start3A_718 = tpu.memref_slice %arg27[%dma_start3A_716, %dma_start3A_717] : memref<5016x128xf32, #tpu.memory_space<vmem_shared>> -> memref<24x128xf32, #tpu.memory_space<vmem_shared>>
        %dma_start3A_719 = arith.constant 4992 : i32
        %dma_start3A_720 = arith.constant 0 : i32
        %dma_start3A_721 = tpu.memref_slice %arg27[%dma_start3A_719, %dma_start3A_720] : memref<5016x128xf32, #tpu.memory_space<vmem_shared>> -> memref<24x128xf32, #tpu.memory_space<vmem_shared>>
        tpu.enqueue_dma source(%arg26 : memref<24x128xf32, #tpu.memory_space<vmem>>) target(%dma_start3A_721 : memref<24x128xf32, #tpu.memory_space<vmem_shared>>) target_semaphore(%run_scoped3A : memref<!tpu.dma_semaphore, #tpu.memory_space<semaphore_mem>>)
        %dma_wait3A_722 = arith.constant 4992 : i32
        %dma_wait3A_723 = arith.constant 0 : i32
        %dma_wait3A_724 = tpu.memref_slice %arg27[%dma_wait3A_722, %dma_wait3A_723] : memref<5016x128xf32, #tpu.memory_space<vmem_shared>> -> memref<24x128xf32, #tpu.memory_space<vmem_shared>>
        %dma_wait3A_725 = arith.constant 4992 : i32
        %dma_wait3A_726 = arith.constant 0 : i32
        %dma_wait3A_727 = tpu.memref_slice %arg27[%dma_wait3A_725, %dma_wait3A_726] : memref<5016x128xf32, #tpu.memory_space<vmem_shared>> -> memref<24x128xf32, #tpu.memory_space<vmem_shared>>
        tpu.wait_dma2 semaphore(%run_scoped3A : memref<!tpu.dma_semaphore, #tpu.memory_space<semaphore_mem>>) src(%arg26 : memref<24x128xf32, #tpu.memory_space<vmem>>) dst(%dma_wait3A_727 : memref<24x128xf32, #tpu.memory_space<vmem_shared>>)
        tpu.yield
      }) : () -> ()
    } else {
    }
    %barrier3A = arith.constant 0 : index
    tpu.barrier barrier_id(%barrier3A)
    %mul3A_58 = arith.constant 5000 : i32
    %mul3A_59 = arith.muli %arg0, %mul3A_58 : i32
    %iota3A = tpu.iota {dimensions = array<i32: 0>} : vector<16xi32>
    %add3A_60 = arith.constant 5000 : i32
    %add3A_61 = vector.broadcast %add3A_60 : i32 to vector<16xi32>
    %add3A_62 = arith.addi %add3A_61, %iota3A : vector<16xi32>
    %dma_start3A = arith.constant 0 : i32
    %dma_start3A_63 = arith.constant 0 : i32
    %dma_start3A_64 = arith.constant 0 : i32
    %dma_start3A_65 = tpu.memref_slice %arg3[%arg1, %dma_start3A, %dma_start3A_63, %dma_start3A_64] : memref<16x250x1x80xi32, #tpu.memory_space<hbm>> -> memref<1x1x1x80xi32, #tpu.memory_space<hbm>>
    %dma_start3A_66 = tpu.memref_squeeze %dma_start3A_65 : memref<1x1x1x80xi32, #tpu.memory_space<hbm>> -> memref<80xi32, #tpu.memory_space<hbm>>
    %dma_start3A_67 = arith.constant 0 : i32
    %dma_start3A_68 = tpu.memref_slice %arg3[%arg1, %dma_start3A, %dma_start3A_63, %dma_start3A_67] : memref<16x250x1x80xi32, #tpu.memory_space<hbm>> -> memref<1x1x1x80xi32, #tpu.memory_space<hbm>>
    %dma_start3A_69 = tpu.memref_squeeze %dma_start3A_68 : memref<1x1x1x80xi32, #tpu.memory_space<hbm>> -> memref<80xi32, #tpu.memory_space<hbm>>
    tpu.enqueue_dma source(%dma_start3A_69 : memref<80xi32, #tpu.memory_space<hbm>>) target(%arg11 : memref<80xi32, #tpu.memory_space<vmem>>) target_semaphore(%arg28 : memref<!tpu.dma_semaphore, #tpu.memory_space<semaphore_mem>>)
    %dma_start3A_70 = arith.constant 1 : i32
    %dma_start3A_71 = arith.constant 0 : i32
    %dma_start3A_72 = arith.constant 0 : i32
    %dma_start3A_73 = tpu.memref_slice %arg3[%arg1, %dma_start3A_70, %dma_start3A_71, %dma_start3A_72] : memref<16x250x1x80xi32, #tpu.memory_space<hbm>> -> memref<1x1x1x80xi32, #tpu.memory_space<hbm>>
    %dma_start3A_74 = tpu.memref_squeeze %dma_start3A_73 : memref<1x1x1x80xi32, #tpu.memory_space<hbm>> -> memref<80xi32, #tpu.memory_space<hbm>>
    %dma_start3A_75 = arith.constant 0 : i32
    %dma_start3A_76 = tpu.memref_slice %arg3[%arg1, %dma_start3A_70, %dma_start3A_71, %dma_start3A_75] : memref<16x250x1x80xi32, #tpu.memory_space<hbm>> -> memref<1x1x1x80xi32, #tpu.memory_space<hbm>>
    %dma_start3A_77 = tpu.memref_squeeze %dma_start3A_76 : memref<1x1x1x80xi32, #tpu.memory_space<hbm>> -> memref<80xi32, #tpu.memory_space<hbm>>
    tpu.enqueue_dma source(%dma_start3A_77 : memref<80xi32, #tpu.memory_space<hbm>>) target(%arg12 : memref<80xi32, #tpu.memory_space<vmem>>) target_semaphore(%arg29 : memref<!tpu.dma_semaphore, #tpu.memory_space<semaphore_mem>>)
    %dma_start3A_78 = arith.constant 2 : i32
    %dma_start3A_79 = arith.constant 0 : i32
    %dma_start3A_80 = arith.constant 0 : i32
    %dma_start3A_81 = tpu.memref_slice %arg3[%arg1, %dma_start3A_78, %dma_start3A_79, %dma_start3A_80] : memref<16x250x1x80xi32, #tpu.memory_space<hbm>> -> memref<1x1x1x80xi32, #tpu.memory_space<hbm>>
    %dma_start3A_82 = tpu.memref_squeeze %dma_start3A_81 : memref<1x1x1x80xi32, #tpu.memory_space<hbm>> -> memref<80xi32, #tpu.memory_space<hbm>>
    %dma_start3A_83 = arith.constant 0 : i32
    %dma_start3A_84 = tpu.memref_slice %arg3[%arg1, %dma_start3A_78, %dma_start3A_79, %dma_start3A_83] : memref<16x250x1x80xi32, #tpu.memory_space<hbm>> -> memref<1x1x1x80xi32, #tpu.memory_space<hbm>>
    %dma_start3A_85 = tpu.memref_squeeze %dma_start3A_84 : memref<1x1x1x80xi32, #tpu.memory_space<hbm>> -> memref<80xi32, #tpu.memory_space<hbm>>
    tpu.enqueue_dma source(%dma_start3A_85 : memref<80xi32, #tpu.memory_space<hbm>>) target(%arg13 : memref<80xi32, #tpu.memory_space<vmem>>) target_semaphore(%arg30 : memref<!tpu.dma_semaphore, #tpu.memory_space<semaphore_mem>>)
    %dma_start3A_86 = arith.constant 3 : i32
    %dma_start3A_87 = arith.constant 0 : i32
    %dma_start3A_88 = arith.constant 0 : i32
    %dma_start3A_89 = tpu.memref_slice %arg3[%arg1, %dma_start3A_86, %dma_start3A_87, %dma_start3A_88] : memref<16x250x1x80xi32, #tpu.memory_space<hbm>> -> memref<1x1x1x80xi32, #tpu.memory_space<hbm>>
    %dma_start3A_90 = tpu.memref_squeeze %dma_start3A_89 : memref<1x1x1x80xi32, #tpu.memory_space<hbm>> -> memref<80xi32, #tpu.memory_space<hbm>>
    %dma_start3A_91 = arith.constant 0 : i32
    %dma_start3A_92 = tpu.memref_slice %arg3[%arg1, %dma_start3A_86, %dma_start3A_87, %dma_start3A_91] : memref<16x250x1x80xi32, #tpu.memory_space<hbm>> -> memref<1x1x1x80xi32, #tpu.memory_space<hbm>>
    %dma_start3A_93 = tpu.memref_squeeze %dma_start3A_92 : memref<1x1x1x80xi32, #tpu.memory_space<hbm>> -> memref<80xi32, #tpu.memory_space<hbm>>
    tpu.enqueue_dma source(%dma_start3A_93 : memref<80xi32, #tpu.memory_space<hbm>>) target(%arg14 : memref<80xi32, #tpu.memory_space<vmem>>) target_semaphore(%arg31 : memref<!tpu.dma_semaphore, #tpu.memory_space<semaphore_mem>>)
    %dma_start3A_94 = arith.constant 4 : i32
    %dma_start3A_95 = arith.constant 0 : i32
    %dma_start3A_96 = arith.constant 0 : i32
    %dma_start3A_97 = tpu.memref_slice %arg3[%arg1, %dma_start3A_94, %dma_start3A_95, %dma_start3A_96] : memref<16x250x1x80xi32, #tpu.memory_space<hbm>> -> memref<1x1x1x80xi32, #tpu.memory_space<hbm>>
    %dma_start3A_98 = tpu.memref_squeeze %dma_start3A_97 : memref<1x1x1x80xi32, #tpu.memory_space<hbm>> -> memref<80xi32, #tpu.memory_space<hbm>>
    %dma_start3A_99 = arith.constant 0 : i32
    %dma_start3A_100 = tpu.memref_slice %arg3[%arg1, %dma_start3A_94, %dma_start3A_95, %dma_start3A_99] : memref<16x250x1x80xi32, #tpu.memory_space<hbm>> -> memref<1x1x1x80xi32, #tpu.memory_space<hbm>>
    %dma_start3A_101 = tpu.memref_squeeze %dma_start3A_100 : memref<1x1x1x80xi32, #tpu.memory_space<hbm>> -> memref<80xi32, #tpu.memory_space<hbm>>
    tpu.enqueue_dma source(%dma_start3A_101 : memref<80xi32, #tpu.memory_space<hbm>>) target(%arg15 : memref<80xi32, #tpu.memory_space<vmem>>) target_semaphore(%arg32 : memref<!tpu.dma_semaphore, #tpu.memory_space<semaphore_mem>>)
    %dma_start3A_102 = arith.constant 0 : i32
    %dma_start3A_103 = arith.constant 0 : i32
    %dma_start3A_104 = arith.constant 0 : i32
    %dma_start3A_105 = tpu.memref_slice %arg4[%arg1, %dma_start3A_102, %dma_start3A_103, %dma_start3A_104] : memref<16x250x1x80xi32, #tpu.memory_space<hbm>> -> memref<1x1x1x80xi32, #tpu.memory_space<hbm>>
    %dma_start3A_106 = tpu.memref_squeeze %dma_start3A_105 : memref<1x1x1x80xi32, #tpu.memory_space<hbm>> -> memref<80xi32, #tpu.memory_space<hbm>>
    %dma_start3A_107 = arith.constant 0 : i32
    %dma_start3A_108 = tpu.memref_slice %arg4[%arg1, %dma_start3A_102, %dma_start3A_103, %dma_start3A_107] : memref<16x250x1x80xi32, #tpu.memory_space<hbm>> -> memref<1x1x1x80xi32, #tpu.memory_space<hbm>>
    %dma_start3A_109 = tpu.memref_squeeze %dma_start3A_108 : memref<1x1x1x80xi32, #tpu.memory_space<hbm>> -> memref<80xi32, #tpu.memory_space<hbm>>
    tpu.enqueue_dma source(%dma_start3A_109 : memref<80xi32, #tpu.memory_space<hbm>>) target(%arg16 : memref<80xi32, #tpu.memory_space<vmem>>) target_semaphore(%arg33 : memref<!tpu.dma_semaphore, #tpu.memory_space<semaphore_mem>>)
    %dma_start3A_110 = arith.constant 1 : i32
    %dma_start3A_111 = arith.constant 0 : i32
    %dma_start3A_112 = arith.constant 0 : i32
    %dma_start3A_113 = tpu.memref_slice %arg4[%arg1, %dma_start3A_110, %dma_start3A_111, %dma_start3A_112] : memref<16x250x1x80xi32, #tpu.memory_space<hbm>> -> memref<1x1x1x80xi32, #tpu.memory_space<hbm>>
    %dma_start3A_114 = tpu.memref_squeeze %dma_start3A_113 : memref<1x1x1x80xi32, #tpu.memory_space<hbm>> -> memref<80xi32, #tpu.memory_space<hbm>>
    %dma_start3A_115 = arith.constant 0 : i32
    %dma_start3A_116 = tpu.memref_slice %arg4[%arg1, %dma_start3A_110, %dma_start3A_111, %dma_start3A_115] : memref<16x250x1x80xi32, #tpu.memory_space<hbm>> -> memref<1x1x1x80xi32, #tpu.memory_space<hbm>>
    %dma_start3A_117 = tpu.memref_squeeze %dma_start3A_116 : memref<1x1x1x80xi32, #tpu.memory_space<hbm>> -> memref<80xi32, #tpu.memory_space<hbm>>
    tpu.enqueue_dma source(%dma_start3A_117 : memref<80xi32, #tpu.memory_space<hbm>>) target(%arg17 : memref<80xi32, #tpu.memory_space<vmem>>) target_semaphore(%arg34 : memref<!tpu.dma_semaphore, #tpu.memory_space<semaphore_mem>>)
    %dma_start3A_118 = arith.constant 2 : i32
    %dma_start3A_119 = arith.constant 0 : i32
    %dma_start3A_120 = arith.constant 0 : i32
    %dma_start3A_121 = tpu.memref_slice %arg4[%arg1, %dma_start3A_118, %dma_start3A_119, %dma_start3A_120] : memref<16x250x1x80xi32, #tpu.memory_space<hbm>> -> memref<1x1x1x80xi32, #tpu.memory_space<hbm>>
    %dma_start3A_122 = tpu.memref_squeeze %dma_start3A_121 : memref<1x1x1x80xi32, #tpu.memory_space<hbm>> -> memref<80xi32, #tpu.memory_space<hbm>>
    %dma_start3A_123 = arith.constant 0 : i32
    %dma_start3A_124 = tpu.memref_slice %arg4[%arg1, %dma_start3A_118, %dma_start3A_119, %dma_start3A_123] : memref<16x250x1x80xi32, #tpu.memory_space<hbm>> -> memref<1x1x1x80xi32, #tpu.memory_space<hbm>>
    %dma_start3A_125 = tpu.memref_squeeze %dma_start3A_124 : memref<1x1x1x80xi32, #tpu.memory_space<hbm>> -> memref<80xi32, #tpu.memory_space<hbm>>
    tpu.enqueue_dma source(%dma_start3A_125 : memref<80xi32, #tpu.memory_space<hbm>>) target(%arg18 : memref<80xi32, #tpu.memory_space<vmem>>) target_semaphore(%arg35 : memref<!tpu.dma_semaphore, #tpu.memory_space<semaphore_mem>>)
    %dma_start3A_126 = arith.constant 3 : i32
    %dma_start3A_127 = arith.constant 0 : i32
    %dma_start3A_128 = arith.constant 0 : i32
    %dma_start3A_129 = tpu.memref_slice %arg4[%arg1, %dma_start3A_126, %dma_start3A_127, %dma_start3A_128] : memref<16x250x1x80xi32, #tpu.memory_space<hbm>> -> memref<1x1x1x80xi32, #tpu.memory_space<hbm>>
    %dma_start3A_130 = tpu.memref_squeeze %dma_start3A_129 : memref<1x1x1x80xi32, #tpu.memory_space<hbm>> -> memref<80xi32, #tpu.memory_space<hbm>>
    %dma_start3A_131 = arith.constant 0 : i32
    %dma_start3A_132 = tpu.memref_slice %arg4[%arg1, %dma_start3A_126, %dma_start3A_127, %dma_start3A_131] : memref<16x250x1x80xi32, #tpu.memory_space<hbm>> -> memref<1x1x1x80xi32, #tpu.memory_space<hbm>>
    %dma_start3A_133 = tpu.memref_squeeze %dma_start3A_132 : memref<1x1x1x80xi32, #tpu.memory_space<hbm>> -> memref<80xi32, #tpu.memory_space<hbm>>
    tpu.enqueue_dma source(%dma_start3A_133 : memref<80xi32, #tpu.memory_space<hbm>>) target(%arg19 : memref<80xi32, #tpu.memory_space<vmem>>) target_semaphore(%arg36 : memref<!tpu.dma_semaphore, #tpu.memory_space<semaphore_mem>>)
    %dma_start3A_134 = arith.constant 4 : i32
    %dma_start3A_135 = arith.constant 0 : i32
    %dma_start3A_136 = arith.constant 0 : i32
    %dma_start3A_137 = tpu.memref_slice %arg4[%arg1, %dma_start3A_134, %dma_start3A_135, %dma_start3A_136] : memref<16x250x1x80xi32, #tpu.memory_space<hbm>> -> memref<1x1x1x80xi32, #tpu.memory_space<hbm>>
    %dma_start3A_138 = tpu.memref_squeeze %dma_start3A_137 : memref<1x1x1x80xi32, #tpu.memory_space<hbm>> -> memref<80xi32, #tpu.memory_space<hbm>>
    %dma_start3A_139 = arith.constant 0 : i32
    %dma_start3A_140 = tpu.memref_slice %arg4[%arg1, %dma_start3A_134, %dma_start3A_135, %dma_start3A_139] : memref<16x250x1x80xi32, #tpu.memory_space<hbm>> -> memref<1x1x1x80xi32, #tpu.memory_space<hbm>>
    %dma_start3A_141 = tpu.memref_squeeze %dma_start3A_140 : memref<1x1x1x80xi32, #tpu.memory_space<hbm>> -> memref<80xi32, #tpu.memory_space<hbm>>
    tpu.enqueue_dma source(%dma_start3A_141 : memref<80xi32, #tpu.memory_space<hbm>>) target(%arg20 : memref<80xi32, #tpu.memory_space<vmem>>) target_semaphore(%arg37 : memref<!tpu.dma_semaphore, #tpu.memory_space<semaphore_mem>>)
    %dma_wait3A = arith.constant 0 : i32
    %dma_wait3A_142 = arith.constant 0 : i32
    %dma_wait3A_143 = arith.constant 0 : i32
    %dma_wait3A_144 = tpu.memref_slice %arg3[%arg1, %dma_wait3A, %dma_wait3A_142, %dma_wait3A_143] : memref<16x250x1x80xi32, #tpu.memory_space<hbm>> -> memref<1x1x1x80xi32, #tpu.memory_space<hbm>>
    %dma_wait3A_145 = tpu.memref_squeeze %dma_wait3A_144 : memref<1x1x1x80xi32, #tpu.memory_space<hbm>> -> memref<80xi32, #tpu.memory_space<hbm>>
    %dma_wait3A_146 = arith.constant 0 : i32
    %dma_wait3A_147 = tpu.memref_slice %arg3[%arg1, %dma_wait3A, %dma_wait3A_142, %dma_wait3A_146] : memref<16x250x1x80xi32, #tpu.memory_space<hbm>> -> memref<1x1x1x80xi32, #tpu.memory_space<hbm>>
    %dma_wait3A_148 = tpu.memref_squeeze %dma_wait3A_147 : memref<1x1x1x80xi32, #tpu.memory_space<hbm>> -> memref<80xi32, #tpu.memory_space<hbm>>
    tpu.wait_dma2 semaphore(%arg28 : memref<!tpu.dma_semaphore, #tpu.memory_space<semaphore_mem>>) src(%dma_wait3A_148 : memref<80xi32, #tpu.memory_space<hbm>>) dst(%arg11 : memref<80xi32, #tpu.memory_space<vmem>>)
    %dma_start3A_149 = arith.constant 0 : i32
    %dma_start3A_150 = arith.constant 0 : i32
    %dma_start3A_151 = tpu.memref_slice %arg2[%dma_start3A_149, %dma_start3A_150] : memref<10000x128xf32, #tpu.memory_space<hbm>> -> memref<10000x128xf32, #tpu.memory_space<hbm>>
    tpu.enqueue_indirect_dma source(%dma_start3A_151 : memref<10000x128xf32, #tpu.memory_space<hbm>>) target(%arg6 : memref<80x128xf32, #tpu.memory_space<vmem>>) offsets(%arg11 : memref<80xi32, #tpu.memory_space<vmem>>) semaphore(%arg38 : memref<!tpu.dma_semaphore, #tpu.memory_space<semaphore_mem>>)
    %dma_wait3A_152 = arith.constant 1 : i32
    %dma_wait3A_153 = arith.constant 0 : i32
    %dma_wait3A_154 = arith.constant 0 : i32
    %dma_wait3A_155 = tpu.memref_slice %arg3[%arg1, %dma_wait3A_152, %dma_wait3A_153, %dma_wait3A_154] : memref<16x250x1x80xi32, #tpu.memory_space<hbm>> -> memref<1x1x1x80xi32, #tpu.memory_space<hbm>>
    %dma_wait3A_156 = tpu.memref_squeeze %dma_wait3A_155 : memref<1x1x1x80xi32, #tpu.memory_space<hbm>> -> memref<80xi32, #tpu.memory_space<hbm>>
    %dma_wait3A_157 = arith.constant 0 : i32
    %dma_wait3A_158 = tpu.memref_slice %arg3[%arg1, %dma_wait3A_152, %dma_wait3A_153, %dma_wait3A_157] : memref<16x250x1x80xi32, #tpu.memory_space<hbm>> -> memref<1x1x1x80xi32, #tpu.memory_space<hbm>>
    %dma_wait3A_159 = tpu.memref_squeeze %dma_wait3A_158 : memref<1x1x1x80xi32, #tpu.memory_space<hbm>> -> memref<80xi32, #tpu.memory_space<hbm>>
    tpu.wait_dma2 semaphore(%arg29 : memref<!tpu.dma_semaphore, #tpu.memory_space<semaphore_mem>>) src(%dma_wait3A_159 : memref<80xi32, #tpu.memory_space<hbm>>) dst(%arg12 : memref<80xi32, #tpu.memory_space<vmem>>)
    %dma_start3A_160 = arith.constant 0 : i32
    %dma_start3A_161 = arith.constant 0 : i32
    %dma_start3A_162 = tpu.memref_slice %arg2[%dma_start3A_160, %dma_start3A_161] : memref<10000x128xf32, #tpu.memory_space<hbm>> -> memref<10000x128xf32, #tpu.memory_space<hbm>>
    tpu.enqueue_indirect_dma source(%dma_start3A_162 : memref<10000x128xf32, #tpu.memory_space<hbm>>) target(%arg7 : memref<80x128xf32, #tpu.memory_space<vmem>>) offsets(%arg12 : memref<80xi32, #tpu.memory_space<vmem>>) semaphore(%arg39 : memref<!tpu.dma_semaphore, #tpu.memory_space<semaphore_mem>>)
    %dma_wait3A_163 = arith.constant 2 : i32
    %dma_wait3A_164 = arith.constant 0 : i32
    %dma_wait3A_165 = arith.constant 0 : i32
    %dma_wait3A_166 = tpu.memref_slice %arg3[%arg1, %dma_wait3A_163, %dma_wait3A_164, %dma_wait3A_165] : memref<16x250x1x80xi32, #tpu.memory_space<hbm>> -> memref<1x1x1x80xi32, #tpu.memory_space<hbm>>
    %dma_wait3A_167 = tpu.memref_squeeze %dma_wait3A_166 : memref<1x1x1x80xi32, #tpu.memory_space<hbm>> -> memref<80xi32, #tpu.memory_space<hbm>>
    %dma_wait3A_168 = arith.constant 0 : i32
    %dma_wait3A_169 = tpu.memref_slice %arg3[%arg1, %dma_wait3A_163, %dma_wait3A_164, %dma_wait3A_168] : memref<16x250x1x80xi32, #tpu.memory_space<hbm>> -> memref<1x1x1x80xi32, #tpu.memory_space<hbm>>
    %dma_wait3A_170 = tpu.memref_squeeze %dma_wait3A_169 : memref<1x1x1x80xi32, #tpu.memory_space<hbm>> -> memref<80xi32, #tpu.memory_space<hbm>>
    tpu.wait_dma2 semaphore(%arg30 : memref<!tpu.dma_semaphore, #tpu.memory_space<semaphore_mem>>) src(%dma_wait3A_170 : memref<80xi32, #tpu.memory_space<hbm>>) dst(%arg13 : memref<80xi32, #tpu.memory_space<vmem>>)
    %dma_start3A_171 = arith.constant 0 : i32
    %dma_start3A_172 = arith.constant 0 : i32
    %dma_start3A_173 = tpu.memref_slice %arg2[%dma_start3A_171, %dma_start3A_172] : memref<10000x128xf32, #tpu.memory_space<hbm>> -> memref<10000x128xf32, #tpu.memory_space<hbm>>
    tpu.enqueue_indirect_dma source(%dma_start3A_173 : memref<10000x128xf32, #tpu.memory_space<hbm>>) target(%arg8 : memref<80x128xf32, #tpu.memory_space<vmem>>) offsets(%arg13 : memref<80xi32, #tpu.memory_space<vmem>>) semaphore(%arg40 : memref<!tpu.dma_semaphore, #tpu.memory_space<semaphore_mem>>)
    %dma_wait3A_174 = arith.constant 3 : i32
    %dma_wait3A_175 = arith.constant 0 : i32
    %dma_wait3A_176 = arith.constant 0 : i32
    %dma_wait3A_177 = tpu.memref_slice %arg3[%arg1, %dma_wait3A_174, %dma_wait3A_175, %dma_wait3A_176] : memref<16x250x1x80xi32, #tpu.memory_space<hbm>> -> memref<1x1x1x80xi32, #tpu.memory_space<hbm>>
    %dma_wait3A_178 = tpu.memref_squeeze %dma_wait3A_177 : memref<1x1x1x80xi32, #tpu.memory_space<hbm>> -> memref<80xi32, #tpu.memory_space<hbm>>
    %dma_wait3A_179 = arith.constant 0 : i32
    %dma_wait3A_180 = tpu.memref_slice %arg3[%arg1, %dma_wait3A_174, %dma_wait3A_175, %dma_wait3A_179] : memref<16x250x1x80xi32, #tpu.memory_space<hbm>> -> memref<1x1x1x80xi32, #tpu.memory_space<hbm>>
    %dma_wait3A_181 = tpu.memref_squeeze %dma_wait3A_180 : memref<1x1x1x80xi32, #tpu.memory_space<hbm>> -> memref<80xi32, #tpu.memory_space<hbm>>
    tpu.wait_dma2 semaphore(%arg31 : memref<!tpu.dma_semaphore, #tpu.memory_space<semaphore_mem>>) src(%dma_wait3A_181 : memref<80xi32, #tpu.memory_space<hbm>>) dst(%arg14 : memref<80xi32, #tpu.memory_space<vmem>>)
    %dma_start3A_182 = arith.constant 0 : i32
    %dma_start3A_183 = arith.constant 0 : i32
    %dma_start3A_184 = tpu.memref_slice %arg2[%dma_start3A_182, %dma_start3A_183] : memref<10000x128xf32, #tpu.memory_space<hbm>> -> memref<10000x128xf32, #tpu.memory_space<hbm>>
    tpu.enqueue_indirect_dma source(%dma_start3A_184 : memref<10000x128xf32, #tpu.memory_space<hbm>>) target(%arg9 : memref<80x128xf32, #tpu.memory_space<vmem>>) offsets(%arg14 : memref<80xi32, #tpu.memory_space<vmem>>) semaphore(%arg41 : memref<!tpu.dma_semaphore, #tpu.memory_space<semaphore_mem>>)
    %dma_wait3A_185 = arith.constant 4 : i32
    %dma_wait3A_186 = arith.constant 0 : i32
    %dma_wait3A_187 = arith.constant 0 : i32
    %dma_wait3A_188 = tpu.memref_slice %arg3[%arg1, %dma_wait3A_185, %dma_wait3A_186, %dma_wait3A_187] : memref<16x250x1x80xi32, #tpu.memory_space<hbm>> -> memref<1x1x1x80xi32, #tpu.memory_space<hbm>>
    %dma_wait3A_189 = tpu.memref_squeeze %dma_wait3A_188 : memref<1x1x1x80xi32, #tpu.memory_space<hbm>> -> memref<80xi32, #tpu.memory_space<hbm>>
    %dma_wait3A_190 = arith.constant 0 : i32
    %dma_wait3A_191 = tpu.memref_slice %arg3[%arg1, %dma_wait3A_185, %dma_wait3A_186, %dma_wait3A_190] : memref<16x250x1x80xi32, #tpu.memory_space<hbm>> -> memref<1x1x1x80xi32, #tpu.memory_space<hbm>>
    %dma_wait3A_192 = tpu.memref_squeeze %dma_wait3A_191 : memref<1x1x1x80xi32, #tpu.memory_space<hbm>> -> memref<80xi32, #tpu.memory_space<hbm>>
    tpu.wait_dma2 semaphore(%arg32 : memref<!tpu.dma_semaphore, #tpu.memory_space<semaphore_mem>>) src(%dma_wait3A_192 : memref<80xi32, #tpu.memory_space<hbm>>) dst(%arg15 : memref<80xi32, #tpu.memory_space<vmem>>)
    %dma_start3A_193 = arith.constant 0 : i32
    %dma_start3A_194 = arith.constant 0 : i32
    %dma_start3A_195 = tpu.memref_slice %arg2[%dma_start3A_193, %dma_start3A_194] : memref<10000x128xf32, #tpu.memory_space<hbm>> -> memref<10000x128xf32, #tpu.memory_space<hbm>>
    tpu.enqueue_indirect_dma source(%dma_start3A_195 : memref<10000x128xf32, #tpu.memory_space<hbm>>) target(%arg10 : memref<80x128xf32, #tpu.memory_space<vmem>>) offsets(%arg15 : memref<80xi32, #tpu.memory_space<vmem>>) semaphore(%arg42 : memref<!tpu.dma_semaphore, #tpu.memory_space<semaphore_mem>>)
    %dma_wait3A_196 = arith.constant 0 : i32
    %dma_wait3A_197 = arith.constant 0 : i32
    %dma_wait3A_198 = arith.constant 0 : i32
    %dma_wait3A_199 = tpu.memref_slice %arg4[%arg1, %dma_wait3A_196, %dma_wait3A_197, %dma_wait3A_198] : memref<16x250x1x80xi32, #tpu.memory_space<hbm>> -> memref<1x1x1x80xi32, #tpu.memory_space<hbm>>
    %dma_wait3A_200 = tpu.memref_squeeze %dma_wait3A_199 : memref<1x1x1x80xi32, #tpu.memory_space<hbm>> -> memref<80xi32, #tpu.memory_space<hbm>>
    %dma_wait3A_201 = arith.constant 0 : i32
    %dma_wait3A_202 = tpu.memref_slice %arg4[%arg1, %dma_wait3A_196, %dma_wait3A_197, %dma_wait3A_201] : memref<16x250x1x80xi32, #tpu.memory_space<hbm>> -> memref<1x1x1x80xi32, #tpu.memory_space<hbm>>
    %dma_wait3A_203 = tpu.memref_squeeze %dma_wait3A_202 : memref<1x1x1x80xi32, #tpu.memory_space<hbm>> -> memref<80xi32, #tpu.memory_space<hbm>>
    tpu.wait_dma2 semaphore(%arg33 : memref<!tpu.dma_semaphore, #tpu.memory_space<semaphore_mem>>) src(%dma_wait3A_203 : memref<80xi32, #tpu.memory_space<hbm>>) dst(%arg16 : memref<80xi32, #tpu.memory_space<vmem>>)
    %get3A = arith.constant 0 : index
    %get3A_204 = tpu.vector_load %arg16[%get3A] {strides = array<i32>} : memref<80xi32, #tpu.memory_space<vmem>>, vector<16xi32>,
    %get3A_205 = vector.shape_cast %get3A_204 : vector<16xi32> to vector<16xi32>
    %sub3A = vector.broadcast %mul3A_59 : i32 to vector<16xi32>
    %sub3A_206 = arith.subi %get3A_205, %sub3A : vector<16xi32>
    %ge3A = arith.constant 0 : i32
    %ge3A_207 = vector.broadcast %ge3A : i32 to vector<16xi32>
    %ge3A_208 = arith.cmpi sge, %sub3A_206, %ge3A_207 : vector<16xi32>
    %lt3A = arith.constant 5000 : i32
    %lt3A_209 = vector.broadcast %lt3A : i32 to vector<16xi32>
    %lt3A_210 = arith.cmpi slt, %sub3A_206, %lt3A_209 : vector<16xi32>
    %and3A = arith.andi %ge3A_208, %lt3A_210 : vector<16xi1>
    %select_n3A = arith.select %and3A, %sub3A_206, %add3A_62 : vector<16xi1>, vector<16xi32>
    %swap3A = arith.constant 0 : index
    %swap3A_211 = tpu.vector_load %arg21[%swap3A] {strides = array<i32>} : memref<80xi32, #tpu.memory_space<vmem>>, vector<16xi32>,
    %swap3A_212 = vector.shape_cast %swap3A_211 : vector<16xi32> to vector<16xi32>
    %swap3A_213 = vector.shape_cast %select_n3A : vector<16xi32> to vector<16xi32>
    tpu.vector_store %arg21[%swap3A], %swap3A_213 {strides = array<i32>} : memref<80xi32, #tpu.memory_space<vmem>>, vector<16xi32>,
    %get3A_214 = arith.constant 16 : index
    %get3A_215 = tpu.vector_load %arg16[%get3A_214] {strides = array<i32>} : memref<80xi32, #tpu.memory_space<vmem>>, vector<16xi32>,
    %get3A_216 = vector.shape_cast %get3A_215 : vector<16xi32> to vector<16xi32>
    %sub3A_217 = vector.broadcast %mul3A_59 : i32 to vector<16xi32>
    %sub3A_218 = arith.subi %get3A_216, %sub3A_217 : vector<16xi32>
    %ge3A_219 = arith.constant 0 : i32
    %ge3A_220 = vector.broadcast %ge3A_219 : i32 to vector<16xi32>
    %ge3A_221 = arith.cmpi sge, %sub3A_218, %ge3A_220 : vector<16xi32>
    %lt3A_222 = arith.constant 5000 : i32
    %lt3A_223 = vector.broadcast %lt3A_222 : i32 to vector<16xi32>
    %lt3A_224 = arith.cmpi slt, %sub3A_218, %lt3A_223 : vector<16xi32>
    %and3A_225 = arith.andi %ge3A_221, %lt3A_224 : vector<16xi1>
    %select_n3A_226 = arith.select %and3A_225, %sub3A_218, %add3A_62 : vector<16xi1>, vector<16xi32>
    %swap3A_227 = arith.constant 16 : index
    %swap3A_228 = tpu.vector_load %arg21[%swap3A_227] {strides = array<i32>} : memref<80xi32, #tpu.memory_space<vmem>>, vector<16xi32>,
    %swap3A_229 = vector.shape_cast %swap3A_228 : vector<16xi32> to vector<16xi32>
    %swap3A_230 = vector.shape_cast %select_n3A_226 : vector<16xi32> to vector<16xi32>
    tpu.vector_store %arg21[%swap3A_227], %swap3A_230 {strides = array<i32>} : memref<80xi32, #tpu.memory_space<vmem>>, vector<16xi32>,
    %get3A_231 = arith.constant 32 : index
    %get3A_232 = tpu.vector_load %arg16[%get3A_231] {strides = array<i32>} : memref<80xi32, #tpu.memory_space<vmem>>, vector<16xi32>,
    %get3A_233 = vector.shape_cast %get3A_232 : vector<16xi32> to vector<16xi32>
    %sub3A_234 = vector.broadcast %mul3A_59 : i32 to vector<16xi32>
    %sub3A_235 = arith.subi %get3A_233, %sub3A_234 : vector<16xi32>
    %ge3A_236 = arith.constant 0 : i32
    %ge3A_237 = vector.broadcast %ge3A_236 : i32 to vector<16xi32>
    %ge3A_238 = arith.cmpi sge, %sub3A_235, %ge3A_237 : vector<16xi32>
    %lt3A_239 = arith.constant 5000 : i32
    %lt3A_240 = vector.broadcast %lt3A_239 : i32 to vector<16xi32>
    %lt3A_241 = arith.cmpi slt, %sub3A_235, %lt3A_240 : vector<16xi32>
    %and3A_242 = arith.andi %ge3A_238, %lt3A_241 : vector<16xi1>
    %select_n3A_243 = arith.select %and3A_242, %sub3A_235, %add3A_62 : vector<16xi1>, vector<16xi32>
    %swap3A_244 = arith.constant 32 : index
    %swap3A_245 = tpu.vector_load %arg21[%swap3A_244] {strides = array<i32>} : memref<80xi32, #tpu.memory_space<vmem>>, vector<16xi32>,
    %swap3A_246 = vector.shape_cast %swap3A_245 : vector<16xi32> to vector<16xi32>
    %swap3A_247 = vector.shape_cast %select_n3A_243 : vector<16xi32> to vector<16xi32>
    tpu.vector_store %arg21[%swap3A_244], %swap3A_247 {strides = array<i32>} : memref<80xi32, #tpu.memory_space<vmem>>, vector<16xi32>,
    %get3A_248 = arith.constant 48 : index
    %get3A_249 = tpu.vector_load %arg16[%get3A_248] {strides = array<i32>} : memref<80xi32, #tpu.memory_space<vmem>>, vector<16xi32>,
    %get3A_250 = vector.shape_cast %get3A_249 : vector<16xi32> to vector<16xi32>
    %sub3A_251 = vector.broadcast %mul3A_59 : i32 to vector<16xi32>
    %sub3A_252 = arith.subi %get3A_250, %sub3A_251 : vector<16xi32>
    %ge3A_253 = arith.constant 0 : i32
    %ge3A_254 = vector.broadcast %ge3A_253 : i32 to vector<16xi32>
    %ge3A_255 = arith.cmpi sge, %sub3A_252, %ge3A_254 : vector<16xi32>
    %lt3A_256 = arith.constant 5000 : i32
    %lt3A_257 = vector.broadcast %lt3A_256 : i32 to vector<16xi32>
    %lt3A_258 = arith.cmpi slt, %sub3A_252, %lt3A_257 : vector<16xi32>
    %and3A_259 = arith.andi %ge3A_255, %lt3A_258 : vector<16xi1>
    %select_n3A_260 = arith.select %and3A_259, %sub3A_252, %add3A_62 : vector<16xi1>, vector<16xi32>
    %swap3A_261 = arith.constant 48 : index
    %swap3A_262 = tpu.vector_load %arg21[%swap3A_261] {strides = array<i32>} : memref<80xi32, #tpu.memory_space<vmem>>, vector<16xi32>,
    %swap3A_263 = vector.shape_cast %swap3A_262 : vector<16xi32> to vector<16xi32>
    %swap3A_264 = vector.shape_cast %select_n3A_260 : vector<16xi32> to vector<16xi32>
    tpu.vector_store %arg21[%swap3A_261], %swap3A_264 {strides = array<i32>} : memref<80xi32, #tpu.memory_space<vmem>>, vector<16xi32>,
    %get3A_265 = arith.constant 64 : index
    %get3A_266 = tpu.vector_load %arg16[%get3A_265] {strides = array<i32>} : memref<80xi32, #tpu.memory_space<vmem>>, vector<16xi32>,
    %get3A_267 = vector.shape_cast %get3A_266 : vector<16xi32> to vector<16xi32>
    %sub3A_268 = vector.broadcast %mul3A_59 : i32 to vector<16xi32>
    %sub3A_269 = arith.subi %get3A_267, %sub3A_268 : vector<16xi32>
    %ge3A_270 = arith.constant 0 : i32
    %ge3A_271 = vector.broadcast %ge3A_270 : i32 to vector<16xi32>
    %ge3A_272 = arith.cmpi sge, %sub3A_269, %ge3A_271 : vector<16xi32>
    %lt3A_273 = arith.constant 5000 : i32
    %lt3A_274 = vector.broadcast %lt3A_273 : i32 to vector<16xi32>
    %lt3A_275 = arith.cmpi slt, %sub3A_269, %lt3A_274 : vector<16xi32>
    %and3A_276 = arith.andi %ge3A_272, %lt3A_275 : vector<16xi1>
    %select_n3A_277 = arith.select %and3A_276, %sub3A_269, %add3A_62 : vector<16xi1>, vector<16xi32>
    %swap3A_278 = arith.constant 64 : index
    %swap3A_279 = tpu.vector_load %arg21[%swap3A_278] {strides = array<i32>} : memref<80xi32, #tpu.memory_space<vmem>>, vector<16xi32>,
    %swap3A_280 = vector.shape_cast %swap3A_279 : vector<16xi32> to vector<16xi32>
    %swap3A_281 = vector.shape_cast %select_n3A_277 : vector<16xi32> to vector<16xi32>
    tpu.vector_store %arg21[%swap3A_278], %swap3A_281 {strides = array<i32>} : memref<80xi32, #tpu.memory_space<vmem>>, vector<16xi32>,
    %dma_wait3A_282 = arith.constant 1 : i32
    %dma_wait3A_283 = arith.constant 0 : i32
    %dma_wait3A_284 = arith.constant 0 : i32
    %dma_wait3A_285 = tpu.memref_slice %arg4[%arg1, %dma_wait3A_282, %dma_wait3A_283, %dma_wait3A_284] : memref<16x250x1x80xi32, #tpu.memory_space<hbm>> -> memref<1x1x1x80xi32, #tpu.memory_space<hbm>>
    %dma_wait3A_286 = tpu.memref_squeeze %dma_wait3A_285 : memref<1x1x1x80xi32, #tpu.memory_space<hbm>> -> memref<80xi32, #tpu.memory_space<hbm>>
    %dma_wait3A_287 = arith.constant 0 : i32
    %dma_wait3A_288 = tpu.memref_slice %arg4[%arg1, %dma_wait3A_282, %dma_wait3A_283, %dma_wait3A_287] : memref<16x250x1x80xi32, #tpu.memory_space<hbm>> -> memref<1x1x1x80xi32, #tpu.memory_space<hbm>>
    %dma_wait3A_289 = tpu.memref_squeeze %dma_wait3A_288 : memref<1x1x1x80xi32, #tpu.memory_space<hbm>> -> memref<80xi32, #tpu.memory_space<hbm>>
    tpu.wait_dma2 semaphore(%arg34 : memref<!tpu.dma_semaphore, #tpu.memory_space<semaphore_mem>>) src(%dma_wait3A_289 : memref<80xi32, #tpu.memory_space<hbm>>) dst(%arg17 : memref<80xi32, #tpu.memory_space<vmem>>)
    %get3A_290 = arith.constant 0 : index
    %get3A_291 = tpu.vector_load %arg17[%get3A_290] {strides = array<i32>} : memref<80xi32, #tpu.memory_space<vmem>>, vector<16xi32>,
    %get3A_292 = vector.shape_cast %get3A_291 : vector<16xi32> to vector<16xi32>
    %sub3A_293 = vector.broadcast %mul3A_59 : i32 to vector<16xi32>
    %sub3A_294 = arith.subi %get3A_292, %sub3A_293 : vector<16xi32>
    %ge3A_295 = arith.constant 0 : i32
    %ge3A_296 = vector.broadcast %ge3A_295 : i32 to vector<16xi32>
    %ge3A_297 = arith.cmpi sge, %sub3A_294, %ge3A_296 : vector<16xi32>
    %lt3A_298 = arith.constant 5000 : i32
    %lt3A_299 = vector.broadcast %lt3A_298 : i32 to vector<16xi32>
    %lt3A_300 = arith.cmpi slt, %sub3A_294, %lt3A_299 : vector<16xi32>
    %and3A_301 = arith.andi %ge3A_297, %lt3A_300 : vector<16xi1>
    %select_n3A_302 = arith.select %and3A_301, %sub3A_294, %add3A_62 : vector<16xi1>, vector<16xi32>
    %swap3A_303 = arith.constant 0 : index
    %swap3A_304 = tpu.vector_load %arg22[%swap3A_303] {strides = array<i32>} : memref<80xi32, #tpu.memory_space<vmem>>, vector<16xi32>,
    %swap3A_305 = vector.shape_cast %swap3A_304 : vector<16xi32> to vector<16xi32>
    %swap3A_306 = vector.shape_cast %select_n3A_302 : vector<16xi32> to vector<16xi32>
    tpu.vector_store %arg22[%swap3A_303], %swap3A_306 {strides = array<i32>} : memref<80xi32, #tpu.memory_space<vmem>>, vector<16xi32>,
    %get3A_307 = arith.constant 16 : index
    %get3A_308 = tpu.vector_load %arg17[%get3A_307] {strides = array<i32>} : memref<80xi32, #tpu.memory_space<vmem>>, vector<16xi32>,
    %get3A_309 = vector.shape_cast %get3A_308 : vector<16xi32> to vector<16xi32>
    %sub3A_310 = vector.broadcast %mul3A_59 : i32 to vector<16xi32>
    %sub3A_311 = arith.subi %get3A_309, %sub3A_310 : vector<16xi32>
    %ge3A_312 = arith.constant 0 : i32
    %ge3A_313 = vector.broadcast %ge3A_312 : i32 to vector<16xi32>
    %ge3A_314 = arith.cmpi sge, %sub3A_311, %ge3A_313 : vector<16xi32>
    %lt3A_315 = arith.constant 5000 : i32
    %lt3A_316 = vector.broadcast %lt3A_315 : i32 to vector<16xi32>
    %lt3A_317 = arith.cmpi slt, %sub3A_311, %lt3A_316 : vector<16xi32>
    %and3A_318 = arith.andi %ge3A_314, %lt3A_317 : vector<16xi1>
    %select_n3A_319 = arith.select %and3A_318, %sub3A_311, %add3A_62 : vector<16xi1>, vector<16xi32>
    %swap3A_320 = arith.constant 16 : index
    %swap3A_321 = tpu.vector_load %arg22[%swap3A_320] {strides = array<i32>} : memref<80xi32, #tpu.memory_space<vmem>>, vector<16xi32>,
    %swap3A_322 = vector.shape_cast %swap3A_321 : vector<16xi32> to vector<16xi32>
    %swap3A_323 = vector.shape_cast %select_n3A_319 : vector<16xi32> to vector<16xi32>
    tpu.vector_store %arg22[%swap3A_320], %swap3A_323 {strides = array<i32>} : memref<80xi32, #tpu.memory_space<vmem>>, vector<16xi32>,
    %get3A_324 = arith.constant 32 : index
    %get3A_325 = tpu.vector_load %arg17[%get3A_324] {strides = array<i32>} : memref<80xi32, #tpu.memory_space<vmem>>, vector<16xi32>,
    %get3A_326 = vector.shape_cast %get3A_325 : vector<16xi32> to vector<16xi32>
    %sub3A_327 = vector.broadcast %mul3A_59 : i32 to vector<16xi32>
    %sub3A_328 = arith.subi %get3A_326, %sub3A_327 : vector<16xi32>
    %ge3A_329 = arith.constant 0 : i32
    %ge3A_330 = vector.broadcast %ge3A_329 : i32 to vector<16xi32>
    %ge3A_331 = arith.cmpi sge, %sub3A_328, %ge3A_330 : vector<16xi32>
    %lt3A_332 = arith.constant 5000 : i32
    %lt3A_333 = vector.broadcast %lt3A_332 : i32 to vector<16xi32>
    %lt3A_334 = arith.cmpi slt, %sub3A_328, %lt3A_333 : vector<16xi32>
    %and3A_335 = arith.andi %ge3A_331, %lt3A_334 : vector<16xi1>
    %select_n3A_336 = arith.select %and3A_335, %sub3A_328, %add3A_62 : vector<16xi1>, vector<16xi32>
    %swap3A_337 = arith.constant 32 : index
    %swap3A_338 = tpu.vector_load %arg22[%swap3A_337] {strides = array<i32>} : memref<80xi32, #tpu.memory_space<vmem>>, vector<16xi32>,
    %swap3A_339 = vector.shape_cast %swap3A_338 : vector<16xi32> to vector<16xi32>
    %swap3A_340 = vector.shape_cast %select_n3A_336 : vector<16xi32> to vector<16xi32>
    tpu.vector_store %arg22[%swap3A_337], %swap3A_340 {strides = array<i32>} : memref<80xi32, #tpu.memory_space<vmem>>, vector<16xi32>,
    %get3A_341 = arith.constant 48 : index
    %get3A_342 = tpu.vector_load %arg17[%get3A_341] {strides = array<i32>} : memref<80xi32, #tpu.memory_space<vmem>>, vector<16xi32>,
    %get3A_343 = vector.shape_cast %get3A_342 : vector<16xi32> to vector<16xi32>
    %sub3A_344 = vector.broadcast %mul3A_59 : i32 to vector<16xi32>
    %sub3A_345 = arith.subi %get3A_343, %sub3A_344 : vector<16xi32>
    %ge3A_346 = arith.constant 0 : i32
    %ge3A_347 = vector.broadcast %ge3A_346 : i32 to vector<16xi32>
    %ge3A_348 = arith.cmpi sge, %sub3A_345, %ge3A_347 : vector<16xi32>
    %lt3A_349 = arith.constant 5000 : i32
    %lt3A_350 = vector.broadcast %lt3A_349 : i32 to vector<16xi32>
    %lt3A_351 = arith.cmpi slt, %sub3A_345, %lt3A_350 : vector<16xi32>
    %and3A_352 = arith.andi %ge3A_348, %lt3A_351 : vector<16xi1>
    %select_n3A_353 = arith.select %and3A_352, %sub3A_345, %add3A_62 : vector<16xi1>, vector<16xi32>
    %swap3A_354 = arith.constant 48 : index
    %swap3A_355 = tpu.vector_load %arg22[%swap3A_354] {strides = array<i32>} : memref<80xi32, #tpu.memory_space<vmem>>, vector<16xi32>,
    %swap3A_356 = vector.shape_cast %swap3A_355 : vector<16xi32> to vector<16xi32>
    %swap3A_357 = vector.shape_cast %select_n3A_353 : vector<16xi32> to vector<16xi32>
    tpu.vector_store %arg22[%swap3A_354], %swap3A_357 {strides = array<i32>} : memref<80xi32, #tpu.memory_space<vmem>>, vector<16xi32>,
    %get3A_358 = arith.constant 64 : index
    %get3A_359 = tpu.vector_load %arg17[%get3A_358] {strides = array<i32>} : memref<80xi32, #tpu.memory_space<vmem>>, vector<16xi32>,
    %get3A_360 = vector.shape_cast %get3A_359 : vector<16xi32> to vector<16xi32>
    %sub3A_361 = vector.broadcast %mul3A_59 : i32 to vector<16xi32>
    %sub3A_362 = arith.subi %get3A_360, %sub3A_361 : vector<16xi32>
    %ge3A_363 = arith.constant 0 : i32
    %ge3A_364 = vector.broadcast %ge3A_363 : i32 to vector<16xi32>
    %ge3A_365 = arith.cmpi sge, %sub3A_362, %ge3A_364 : vector<16xi32>
    %lt3A_366 = arith.constant 5000 : i32
    %lt3A_367 = vector.broadcast %lt3A_366 : i32 to vector<16xi32>
    %lt3A_368 = arith.cmpi slt, %sub3A_362, %lt3A_367 : vector<16xi32>
    %and3A_369 = arith.andi %ge3A_365, %lt3A_368 : vector<16xi1>
    %select_n3A_370 = arith.select %and3A_369, %sub3A_362, %add3A_62 : vector<16xi1>, vector<16xi32>
    %swap3A_371 = arith.constant 64 : index
    %swap3A_372 = tpu.vector_load %arg22[%swap3A_371] {strides = array<i32>} : memref<80xi32, #tpu.memory_space<vmem>>, vector<16xi32>,
    %swap3A_373 = vector.shape_cast %swap3A_372 : vector<16xi32> to vector<16xi32>
    %swap3A_374 = vector.shape_cast %select_n3A_370 : vector<16xi32> to vector<16xi32>
    tpu.vector_store %arg22[%swap3A_371], %swap3A_374 {strides = array<i32>} : memref<80xi32, #tpu.memory_space<vmem>>, vector<16xi32>,
    %dma_wait3A_375 = arith.constant 2 : i32
    %dma_wait3A_376 = arith.constant 0 : i32
    %dma_wait3A_377 = arith.constant 0 : i32
    %dma_wait3A_378 = tpu.memref_slice %arg4[%arg1, %dma_wait3A_375, %dma_wait3A_376, %dma_wait3A_377] : memref<16x250x1x80xi32, #tpu.memory_space<hbm>> -> memref<1x1x1x80xi32, #tpu.memory_space<hbm>>
    %dma_wait3A_379 = tpu.memref_squeeze %dma_wait3A_378 : memref<1x1x1x80xi32, #tpu.memory_space<hbm>> -> memref<80xi32, #tpu.memory_space<hbm>>
    %dma_wait3A_380 = arith.constant 0 : i32
    %dma_wait3A_381 = tpu.memref_slice %arg4[%arg1, %dma_wait3A_375, %dma_wait3A_376, %dma_wait3A_380] : memref<16x250x1x80xi32, #tpu.memory_space<hbm>> -> memref<1x1x1x80xi32, #tpu.memory_space<hbm>>
    %dma_wait3A_382 = tpu.memref_squeeze %dma_wait3A_381 : memref<1x1x1x80xi32, #tpu.memory_space<hbm>> -> memref<80xi32, #tpu.memory_space<hbm>>
    tpu.wait_dma2 semaphore(%arg35 : memref<!tpu.dma_semaphore, #tpu.memory_space<semaphore_mem>>) src(%dma_wait3A_382 : memref<80xi32, #tpu.memory_space<hbm>>) dst(%arg18 : memref<80xi32, #tpu.memory_space<vmem>>)
    %get3A_383 = arith.constant 0 : index
    %get3A_384 = tpu.vector_load %arg18[%get3A_383] {strides = array<i32>} : memref<80xi32, #tpu.memory_space<vmem>>, vector<16xi32>,
    %get3A_385 = vector.shape_cast %get3A_384 : vector<16xi32> to vector<16xi32>
    %sub3A_386 = vector.broadcast %mul3A_59 : i32 to vector<16xi32>
    %sub3A_387 = arith.subi %get3A_385, %sub3A_386 : vector<16xi32>
    %ge3A_388 = arith.constant 0 : i32
    %ge3A_389 = vector.broadcast %ge3A_388 : i32 to vector<16xi32>
    %ge3A_390 = arith.cmpi sge, %sub3A_387, %ge3A_389 : vector<16xi32>
    %lt3A_391 = arith.constant 5000 : i32
    %lt3A_392 = vector.broadcast %lt3A_391 : i32 to vector<16xi32>
    %lt3A_393 = arith.cmpi slt, %sub3A_387, %lt3A_392 : vector<16xi32>
    %and3A_394 = arith.andi %ge3A_390, %lt3A_393 : vector<16xi1>
    %select_n3A_395 = arith.select %and3A_394, %sub3A_387, %add3A_62 : vector<16xi1>, vector<16xi32>
    %swap3A_396 = arith.constant 0 : index
    %swap3A_397 = tpu.vector_load %arg23[%swap3A_396] {strides = array<i32>} : memref<80xi32, #tpu.memory_space<vmem>>, vector<16xi32>,
    %swap3A_398 = vector.shape_cast %swap3A_397 : vector<16xi32> to vector<16xi32>
    %swap3A_399 = vector.shape_cast %select_n3A_395 : vector<16xi32> to vector<16xi32>
    tpu.vector_store %arg23[%swap3A_396], %swap3A_399 {strides = array<i32>} : memref<80xi32, #tpu.memory_space<vmem>>, vector<16xi32>,
    %get3A_400 = arith.constant 16 : index
    %get3A_401 = tpu.vector_load %arg18[%get3A_400] {strides = array<i32>} : memref<80xi32, #tpu.memory_space<vmem>>, vector<16xi32>,
    %get3A_402 = vector.shape_cast %get3A_401 : vector<16xi32> to vector<16xi32>
    %sub3A_403 = vector.broadcast %mul3A_59 : i32 to vector<16xi32>
    %sub3A_404 = arith.subi %get3A_402, %sub3A_403 : vector<16xi32>
    %ge3A_405 = arith.constant 0 : i32
    %ge3A_406 = vector.broadcast %ge3A_405 : i32 to vector<16xi32>
    %ge3A_407 = arith.cmpi sge, %sub3A_404, %ge3A_406 : vector<16xi32>
    %lt3A_408 = arith.constant 5000 : i32
    %lt3A_409 = vector.broadcast %lt3A_408 : i32 to vector<16xi32>
    %lt3A_410 = arith.cmpi slt, %sub3A_404, %lt3A_409 : vector<16xi32>
    %and3A_411 = arith.andi %ge3A_407, %lt3A_410 : vector<16xi1>
    %select_n3A_412 = arith.select %and3A_411, %sub3A_404, %add3A_62 : vector<16xi1>, vector<16xi32>
    %swap3A_413 = arith.constant 16 : index
    %swap3A_414 = tpu.vector_load %arg23[%swap3A_413] {strides = array<i32>} : memref<80xi32, #tpu.memory_space<vmem>>, vector<16xi32>,
    %swap3A_415 = vector.shape_cast %swap3A_414 : vector<16xi32> to vector<16xi32>
    %swap3A_416 = vector.shape_cast %select_n3A_412 : vector<16xi32> to vector<16xi32>
    tpu.vector_store %arg23[%swap3A_413], %swap3A_416 {strides = array<i32>} : memref<80xi32, #tpu.memory_space<vmem>>, vector<16xi32>,
    %get3A_417 = arith.constant 32 : index
    %get3A_418 = tpu.vector_load %arg18[%get3A_417] {strides = array<i32>} : memref<80xi32, #tpu.memory_space<vmem>>, vector<16xi32>,
    %get3A_419 = vector.shape_cast %get3A_418 : vector<16xi32> to vector<16xi32>
    %sub3A_420 = vector.broadcast %mul3A_59 : i32 to vector<16xi32>
    %sub3A_421 = arith.subi %get3A_419, %sub3A_420 : vector<16xi32>
    %ge3A_422 = arith.constant 0 : i32
    %ge3A_423 = vector.broadcast %ge3A_422 : i32 to vector<16xi32>
    %ge3A_424 = arith.cmpi sge, %sub3A_421, %ge3A_423 : vector<16xi32>
    %lt3A_425 = arith.constant 5000 : i32
    %lt3A_426 = vector.broadcast %lt3A_425 : i32 to vector<16xi32>
    %lt3A_427 = arith.cmpi slt, %sub3A_421, %lt3A_426 : vector<16xi32>
    %and3A_428 = arith.andi %ge3A_424, %lt3A_427 : vector<16xi1>
    %select_n3A_429 = arith.select %and3A_428, %sub3A_421, %add3A_62 : vector<16xi1>, vector<16xi32>
    %swap3A_430 = arith.constant 32 : index
    %swap3A_431 = tpu.vector_load %arg23[%swap3A_430] {strides = array<i32>} : memref<80xi32, #tpu.memory_space<vmem>>, vector<16xi32>,
    %swap3A_432 = vector.shape_cast %swap3A_431 : vector<16xi32> to vector<16xi32>
    %swap3A_433 = vector.shape_cast %select_n3A_429 : vector<16xi32> to vector<16xi32>
    tpu.vector_store %arg23[%swap3A_430], %swap3A_433 {strides = array<i32>} : memref<80xi32, #tpu.memory_space<vmem>>, vector<16xi32>,
    %get3A_434 = arith.constant 48 : index
    %get3A_435 = tpu.vector_load %arg18[%get3A_434] {strides = array<i32>} : memref<80xi32, #tpu.memory_space<vmem>>, vector<16xi32>,
    %get3A_436 = vector.shape_cast %get3A_435 : vector<16xi32> to vector<16xi32>
    %sub3A_437 = vector.broadcast %mul3A_59 : i32 to vector<16xi32>
    %sub3A_438 = arith.subi %get3A_436, %sub3A_437 : vector<16xi32>
    %ge3A_439 = arith.constant 0 : i32
    %ge3A_440 = vector.broadcast %ge3A_439 : i32 to vector<16xi32>
    %ge3A_441 = arith.cmpi sge, %sub3A_438, %ge3A_440 : vector<16xi32>
    %lt3A_442 = arith.constant 5000 : i32
    %lt3A_443 = vector.broadcast %lt3A_442 : i32 to vector<16xi32>
    %lt3A_444 = arith.cmpi slt, %sub3A_438, %lt3A_443 : vector<16xi32>
    %and3A_445 = arith.andi %ge3A_441, %lt3A_444 : vector<16xi1>
    %select_n3A_446 = arith.select %and3A_445, %sub3A_438, %add3A_62 : vector<16xi1>, vector<16xi32>
    %swap3A_447 = arith.constant 48 : index
    %swap3A_448 = tpu.vector_load %arg23[%swap3A_447] {strides = array<i32>} : memref<80xi32, #tpu.memory_space<vmem>>, vector<16xi32>,
    %swap3A_449 = vector.shape_cast %swap3A_448 : vector<16xi32> to vector<16xi32>
    %swap3A_450 = vector.shape_cast %select_n3A_446 : vector<16xi32> to vector<16xi32>
    tpu.vector_store %arg23[%swap3A_447], %swap3A_450 {strides = array<i32>} : memref<80xi32, #tpu.memory_space<vmem>>, vector<16xi32>,
    %get3A_451 = arith.constant 64 : index
    %get3A_452 = tpu.vector_load %arg18[%get3A_451] {strides = array<i32>} : memref<80xi32, #tpu.memory_space<vmem>>, vector<16xi32>,
    %get3A_453 = vector.shape_cast %get3A_452 : vector<16xi32> to vector<16xi32>
    %sub3A_454 = vector.broadcast %mul3A_59 : i32 to vector<16xi32>
    %sub3A_455 = arith.subi %get3A_453, %sub3A_454 : vector<16xi32>
    %ge3A_456 = arith.constant 0 : i32
    %ge3A_457 = vector.broadcast %ge3A_456 : i32 to vector<16xi32>
    %ge3A_458 = arith.cmpi sge, %sub3A_455, %ge3A_457 : vector<16xi32>
    %lt3A_459 = arith.constant 5000 : i32
    %lt3A_460 = vector.broadcast %lt3A_459 : i32 to vector<16xi32>
    %lt3A_461 = arith.cmpi slt, %sub3A_455, %lt3A_460 : vector<16xi32>
    %and3A_462 = arith.andi %ge3A_458, %lt3A_461 : vector<16xi1>
    %select_n3A_463 = arith.select %and3A_462, %sub3A_455, %add3A_62 : vector<16xi1>, vector<16xi32>
    %swap3A_464 = arith.constant 64 : index
    %swap3A_465 = tpu.vector_load %arg23[%swap3A_464] {strides = array<i32>} : memref<80xi32, #tpu.memory_space<vmem>>, vector<16xi32>,
    %swap3A_466 = vector.shape_cast %swap3A_465 : vector<16xi32> to vector<16xi32>
    %swap3A_467 = vector.shape_cast %select_n3A_463 : vector<16xi32> to vector<16xi32>
    tpu.vector_store %arg23[%swap3A_464], %swap3A_467 {strides = array<i32>} : memref<80xi32, #tpu.memory_space<vmem>>, vector<16xi32>,
    %dma_wait3A_468 = arith.constant 3 : i32
    %dma_wait3A_469 = arith.constant 0 : i32
    %dma_wait3A_470 = arith.constant 0 : i32
    %dma_wait3A_471 = tpu.memref_slice %arg4[%arg1, %dma_wait3A_468, %dma_wait3A_469, %dma_wait3A_470] : memref<16x250x1x80xi32, #tpu.memory_space<hbm>> -> memref<1x1x1x80xi32, #tpu.memory_space<hbm>>
    %dma_wait3A_472 = tpu.memref_squeeze %dma_wait3A_471 : memref<1x1x1x80xi32, #tpu.memory_space<hbm>> -> memref<80xi32, #tpu.memory_space<hbm>>
    %dma_wait3A_473 = arith.constant 0 : i32
    %dma_wait3A_474 = tpu.memref_slice %arg4[%arg1, %dma_wait3A_468, %dma_wait3A_469, %dma_wait3A_473] : memref<16x250x1x80xi32, #tpu.memory_space<hbm>> -> memref<1x1x1x80xi32, #tpu.memory_space<hbm>>
    %dma_wait3A_475 = tpu.memref_squeeze %dma_wait3A_474 : memref<1x1x1x80xi32, #tpu.memory_space<hbm>> -> memref<80xi32, #tpu.memory_space<hbm>>
    tpu.wait_dma2 semaphore(%arg36 : memref<!tpu.dma_semaphore, #tpu.memory_space<semaphore_mem>>) src(%dma_wait3A_475 : memref<80xi32, #tpu.memory_space<hbm>>) dst(%arg19 : memref<80xi32, #tpu.memory_space<vmem>>)
    %get3A_476 = arith.constant 0 : index
    %get3A_477 = tpu.vector_load %arg19[%get3A_476] {strides = array<i32>} : memref<80xi32, #tpu.memory_space<vmem>>, vector<16xi32>,
    %get3A_478 = vector.shape_cast %get3A_477 : vector<16xi32> to vector<16xi32>
    %sub3A_479 = vector.broadcast %mul3A_59 : i32 to vector<16xi32>
    %sub3A_480 = arith.subi %get3A_478, %sub3A_479 : vector<16xi32>
    %ge3A_481 = arith.constant 0 : i32
    %ge3A_482 = vector.broadcast %ge3A_481 : i32 to vector<16xi32>
    %ge3A_483 = arith.cmpi sge, %sub3A_480, %ge3A_482 : vector<16xi32>
    %lt3A_484 = arith.constant 5000 : i32
    %lt3A_485 = vector.broadcast %lt3A_484 : i32 to vector<16xi32>
    %lt3A_486 = arith.cmpi slt, %sub3A_480, %lt3A_485 : vector<16xi32>
    %and3A_487 = arith.andi %ge3A_483, %lt3A_486 : vector<16xi1>
    %select_n3A_488 = arith.select %and3A_487, %sub3A_480, %add3A_62 : vector<16xi1>, vector<16xi32>
    %swap3A_489 = arith.constant 0 : index
    %swap3A_490 = tpu.vector_load %arg24[%swap3A_489] {strides = array<i32>} : memref<80xi32, #tpu.memory_space<vmem>>, vector<16xi32>,
    %swap3A_491 = vector.shape_cast %swap3A_490 : vector<16xi32> to vector<16xi32>
    %swap3A_492 = vector.shape_cast %select_n3A_488 : vector<16xi32> to vector<16xi32>
    tpu.vector_store %arg24[%swap3A_489], %swap3A_492 {strides = array<i32>} : memref<80xi32, #tpu.memory_space<vmem>>, vector<16xi32>,
    %get3A_493 = arith.constant 16 : index
    %get3A_494 = tpu.vector_load %arg19[%get3A_493] {strides = array<i32>} : memref<80xi32, #tpu.memory_space<vmem>>, vector<16xi32>,
    %get3A_495 = vector.shape_cast %get3A_494 : vector<16xi32> to vector<16xi32>
    %sub3A_496 = vector.broadcast %mul3A_59 : i32 to vector<16xi32>
    %sub3A_497 = arith.subi %get3A_495, %sub3A_496 : vector<16xi32>
    %ge3A_498 = arith.constant 0 : i32
    %ge3A_499 = vector.broadcast %ge3A_498 : i32 to vector<16xi32>
    %ge3A_500 = arith.cmpi sge, %sub3A_497, %ge3A_499 : vector<16xi32>
    %lt3A_501 = arith.constant 5000 : i32
    %lt3A_502 = vector.broadcast %lt3A_501 : i32 to vector<16xi32>
    %lt3A_503 = arith.cmpi slt, %sub3A_497, %lt3A_502 : vector<16xi32>
    %and3A_504 = arith.andi %ge3A_500, %lt3A_503 : vector<16xi1>
    %select_n3A_505 = arith.select %and3A_504, %sub3A_497, %add3A_62 : vector<16xi1>, vector<16xi32>
    %swap3A_506 = arith.constant 16 : index
    %swap3A_507 = tpu.vector_load %arg24[%swap3A_506] {strides = array<i32>} : memref<80xi32, #tpu.memory_space<vmem>>, vector<16xi32>,
    %swap3A_508 = vector.shape_cast %swap3A_507 : vector<16xi32> to vector<16xi32>
    %swap3A_509 = vector.shape_cast %select_n3A_505 : vector<16xi32> to vector<16xi32>
    tpu.vector_store %arg24[%swap3A_506], %swap3A_509 {strides = array<i32>} : memref<80xi32, #tpu.memory_space<vmem>>, vector<16xi32>,
    %get3A_510 = arith.constant 32 : index
    %get3A_511 = tpu.vector_load %arg19[%get3A_510] {strides = array<i32>} : memref<80xi32, #tpu.memory_space<vmem>>, vector<16xi32>,
    %get3A_512 = vector.shape_cast %get3A_511 : vector<16xi32> to vector<16xi32>
    %sub3A_513 = vector.broadcast %mul3A_59 : i32 to vector<16xi32>
    %sub3A_514 = arith.subi %get3A_512, %sub3A_513 : vector<16xi32>
    %ge3A_515 = arith.constant 0 : i32
    %ge3A_516 = vector.broadcast %ge3A_515 : i32 to vector<16xi32>
    %ge3A_517 = arith.cmpi sge, %sub3A_514, %ge3A_516 : vector<16xi32>
    %lt3A_518 = arith.constant 5000 : i32
    %lt3A_519 = vector.broadcast %lt3A_518 : i32 to vector<16xi32>
    %lt3A_520 = arith.cmpi slt, %sub3A_514, %lt3A_519 : vector<16xi32>
    %and3A_521 = arith.andi %ge3A_517, %lt3A_520 : vector<16xi1>
    %select_n3A_522 = arith.select %and3A_521, %sub3A_514, %add3A_62 : vector<16xi1>, vector<16xi32>
    %swap3A_523 = arith.constant 32 : index
    %swap3A_524 = tpu.vector_load %arg24[%swap3A_523] {strides = array<i32>} : memref<80xi32, #tpu.memory_space<vmem>>, vector<16xi32>,
    %swap3A_525 = vector.shape_cast %swap3A_524 : vector<16xi32> to vector<16xi32>
    %swap3A_526 = vector.shape_cast %select_n3A_522 : vector<16xi32> to vector<16xi32>
    tpu.vector_store %arg24[%swap3A_523], %swap3A_526 {strides = array<i32>} : memref<80xi32, #tpu.memory_space<vmem>>, vector<16xi32>,
    %get3A_527 = arith.constant 48 : index
    %get3A_528 = tpu.vector_load %arg19[%get3A_527] {strides = array<i32>} : memref<80xi32, #tpu.memory_space<vmem>>, vector<16xi32>,
    %get3A_529 = vector.shape_cast %get3A_528 : vector<16xi32> to vector<16xi32>
    %sub3A_530 = vector.broadcast %mul3A_59 : i32 to vector<16xi32>
    %sub3A_531 = arith.subi %get3A_529, %sub3A_530 : vector<16xi32>
    %ge3A_532 = arith.constant 0 : i32
    %ge3A_533 = vector.broadcast %ge3A_532 : i32 to vector<16xi32>
    %ge3A_534 = arith.cmpi sge, %sub3A_531, %ge3A_533 : vector<16xi32>
    %lt3A_535 = arith.constant 5000 : i32
    %lt3A_536 = vector.broadcast %lt3A_535 : i32 to vector<16xi32>
    %lt3A_537 = arith.cmpi slt, %sub3A_531, %lt3A_536 : vector<16xi32>
    %and3A_538 = arith.andi %ge3A_534, %lt3A_537 : vector<16xi1>
    %select_n3A_539 = arith.select %and3A_538, %sub3A_531, %add3A_62 : vector<16xi1>, vector<16xi32>
    %swap3A_540 = arith.constant 48 : index
    %swap3A_541 = tpu.vector_load %arg24[%swap3A_540] {strides = array<i32>} : memref<80xi32, #tpu.memory_space<vmem>>, vector<16xi32>,
    %swap3A_542 = vector.shape_cast %swap3A_541 : vector<16xi32> to vector<16xi32>
    %swap3A_543 = vector.shape_cast %select_n3A_539 : vector<16xi32> to vector<16xi32>
    tpu.vector_store %arg24[%swap3A_540], %swap3A_543 {strides = array<i32>} : memref<80xi32, #tpu.memory_space<vmem>>, vector<16xi32>,
    %get3A_544 = arith.constant 64 : index
    %get3A_545 = tpu.vector_load %arg19[%get3A_544] {strides = array<i32>} : memref<80xi32, #tpu.memory_space<vmem>>, vector<16xi32>,
    %get3A_546 = vector.shape_cast %get3A_545 : vector<16xi32> to vector<16xi32>
    %sub3A_547 = vector.broadcast %mul3A_59 : i32 to vector<16xi32>
    %sub3A_548 = arith.subi %get3A_546, %sub3A_547 : vector<16xi32>
    %ge3A_549 = arith.constant 0 : i32
    %ge3A_550 = vector.broadcast %ge3A_549 : i32 to vector<16xi32>
    %ge3A_551 = arith.cmpi sge, %sub3A_548, %ge3A_550 : vector<16xi32>
    %lt3A_552 = arith.constant 5000 : i32
    %lt3A_553 = vector.broadcast %lt3A_552 : i32 to vector<16xi32>
    %lt3A_554 = arith.cmpi slt, %sub3A_548, %lt3A_553 : vector<16xi32>
    %and3A_555 = arith.andi %ge3A_551, %lt3A_554 : vector<16xi1>
    %select_n3A_556 = arith.select %and3A_555, %sub3A_548, %add3A_62 : vector<16xi1>, vector<16xi32>
    %swap3A_557 = arith.constant 64 : index
    %swap3A_558 = tpu.vector_load %arg24[%swap3A_557] {strides = array<i32>} : memref<80xi32, #tpu.memory_space<vmem>>, vector<16xi32>,
    %swap3A_559 = vector.shape_cast %swap3A_558 : vector<16xi32> to vector<16xi32>
    %swap3A_560 = vector.shape_cast %select_n3A_556 : vector<16xi32> to vector<16xi32>
    tpu.vector_store %arg24[%swap3A_557], %swap3A_560 {strides = array<i32>} : memref<80xi32, #tpu.memory_space<vmem>>, vector<16xi32>,
    %dma_wait3A_561 = arith.constant 4 : i32
    %dma_wait3A_562 = arith.constant 0 : i32
    %dma_wait3A_563 = arith.constant 0 : i32
    %dma_wait3A_564 = tpu.memref_slice %arg4[%arg1, %dma_wait3A_561, %dma_wait3A_562, %dma_wait3A_563] : memref<16x250x1x80xi32, #tpu.memory_space<hbm>> -> memref<1x1x1x80xi32, #tpu.memory_space<hbm>>
    %dma_wait3A_565 = tpu.memref_squeeze %dma_wait3A_564 : memref<1x1x1x80xi32, #tpu.memory_space<hbm>> -> memref<80xi32, #tpu.memory_space<hbm>>
    %dma_wait3A_566 = arith.constant 0 : i32
    %dma_wait3A_567 = tpu.memref_slice %arg4[%arg1, %dma_wait3A_561, %dma_wait3A_562, %dma_wait3A_566] : memref<16x250x1x80xi32, #tpu.memory_space<hbm>> -> memref<1x1x1x80xi32, #tpu.memory_space<hbm>>
    %dma_wait3A_568 = tpu.memref_squeeze %dma_wait3A_567 : memref<1x1x1x80xi32, #tpu.memory_space<hbm>> -> memref<80xi32, #tpu.memory_space<hbm>>
    tpu.wait_dma2 semaphore(%arg37 : memref<!tpu.dma_semaphore, #tpu.memory_space<semaphore_mem>>) src(%dma_wait3A_568 : memref<80xi32, #tpu.memory_space<hbm>>) dst(%arg20 : memref<80xi32, #tpu.memory_space<vmem>>)
    %get3A_569 = arith.constant 0 : index
    %get3A_570 = tpu.vector_load %arg20[%get3A_569] {strides = array<i32>} : memref<80xi32, #tpu.memory_space<vmem>>, vector<16xi32>,
    %get3A_571 = vector.shape_cast %get3A_570 : vector<16xi32> to vector<16xi32>
    %sub3A_572 = vector.broadcast %mul3A_59 : i32 to vector<16xi32>
    %sub3A_573 = arith.subi %get3A_571, %sub3A_572 : vector<16xi32>
    %ge3A_574 = arith.constant 0 : i32
    %ge3A_575 = vector.broadcast %ge3A_574 : i32 to vector<16xi32>
    %ge3A_576 = arith.cmpi sge, %sub3A_573, %ge3A_575 : vector<16xi32>
    %lt3A_577 = arith.constant 5000 : i32
    %lt3A_578 = vector.broadcast %lt3A_577 : i32 to vector<16xi32>
    %lt3A_579 = arith.cmpi slt, %sub3A_573, %lt3A_578 : vector<16xi32>
    %and3A_580 = arith.andi %ge3A_576, %lt3A_579 : vector<16xi1>
    %select_n3A_581 = arith.select %and3A_580, %sub3A_573, %add3A_62 : vector<16xi1>, vector<16xi32>
    %swap3A_582 = arith.constant 0 : index
    %swap3A_583 = tpu.vector_load %arg25[%swap3A_582] {strides = array<i32>} : memref<80xi32, #tpu.memory_space<vmem>>, vector<16xi32>,
    %swap3A_584 = vector.shape_cast %swap3A_583 : vector<16xi32> to vector<16xi32>
    %swap3A_585 = vector.shape_cast %select_n3A_581 : vector<16xi32> to vector<16xi32>
    tpu.vector_store %arg25[%swap3A_582], %swap3A_585 {strides = array<i32>} : memref<80xi32, #tpu.memory_space<vmem>>, vector<16xi32>,
    %get3A_586 = arith.constant 16 : index
    %get3A_587 = tpu.vector_load %arg20[%get3A_586] {strides = array<i32>} : memref<80xi32, #tpu.memory_space<vmem>>, vector<16xi32>,
    %get3A_588 = vector.shape_cast %get3A_587 : vector<16xi32> to vector<16xi32>
    %sub3A_589 = vector.broadcast %mul3A_59 : i32 to vector<16xi32>
    %sub3A_590 = arith.subi %get3A_588, %sub3A_589 : vector<16xi32>
    %ge3A_591 = arith.constant 0 : i32
    %ge3A_592 = vector.broadcast %ge3A_591 : i32 to vector<16xi32>
    %ge3A_593 = arith.cmpi sge, %sub3A_590, %ge3A_592 : vector<16xi32>
    %lt3A_594 = arith.constant 5000 : i32
    %lt3A_595 = vector.broadcast %lt3A_594 : i32 to vector<16xi32>
    %lt3A_596 = arith.cmpi slt, %sub3A_590, %lt3A_595 : vector<16xi32>
    %and3A_597 = arith.andi %ge3A_593, %lt3A_596 : vector<16xi1>
    %select_n3A_598 = arith.select %and3A_597, %sub3A_590, %add3A_62 : vector<16xi1>, vector<16xi32>
    %swap3A_599 = arith.constant 16 : index
    %swap3A_600 = tpu.vector_load %arg25[%swap3A_599] {strides = array<i32>} : memref<80xi32, #tpu.memory_space<vmem>>, vector<16xi32>,
    %swap3A_601 = vector.shape_cast %swap3A_600 : vector<16xi32> to vector<16xi32>
    %swap3A_602 = vector.shape_cast %select_n3A_598 : vector<16xi32> to vector<16xi32>
    tpu.vector_store %arg25[%swap3A_599], %swap3A_602 {strides = array<i32>} : memref<80xi32, #tpu.memory_space<vmem>>, vector<16xi32>,
    %get3A_603 = arith.constant 32 : index
    %get3A_604 = tpu.vector_load %arg20[%get3A_603] {strides = array<i32>} : memref<80xi32, #tpu.memory_space<vmem>>, vector<16xi32>,
    %get3A_605 = vector.shape_cast %get3A_604 : vector<16xi32> to vector<16xi32>
    %sub3A_606 = vector.broadcast %mul3A_59 : i32 to vector<16xi32>
    %sub3A_607 = arith.subi %get3A_605, %sub3A_606 : vector<16xi32>
    %ge3A_608 = arith.constant 0 : i32
    %ge3A_609 = vector.broadcast %ge3A_608 : i32 to vector<16xi32>
    %ge3A_610 = arith.cmpi sge, %sub3A_607, %ge3A_609 : vector<16xi32>
    %lt3A_611 = arith.constant 5000 : i32
    %lt3A_612 = vector.broadcast %lt3A_611 : i32 to vector<16xi32>
    %lt3A_613 = arith.cmpi slt, %sub3A_607, %lt3A_612 : vector<16xi32>
    %and3A_614 = arith.andi %ge3A_610, %lt3A_613 : vector<16xi1>
    %select_n3A_615 = arith.select %and3A_614, %sub3A_607, %add3A_62 : vector<16xi1>, vector<16xi32>
    %swap3A_616 = arith.constant 32 : index
    %swap3A_617 = tpu.vector_load %arg25[%swap3A_616] {strides = array<i32>} : memref<80xi32, #tpu.memory_space<vmem>>, vector<16xi32>,
    %swap3A_618 = vector.shape_cast %swap3A_617 : vector<16xi32> to vector<16xi32>
    %swap3A_619 = vector.shape_cast %select_n3A_615 : vector<16xi32> to vector<16xi32>
    tpu.vector_store %arg25[%swap3A_616], %swap3A_619 {strides = array<i32>} : memref<80xi32, #tpu.memory_space<vmem>>, vector<16xi32>,
    %get3A_620 = arith.constant 48 : index
    %get3A_621 = tpu.vector_load %arg20[%get3A_620] {strides = array<i32>} : memref<80xi32, #tpu.memory_space<vmem>>, vector<16xi32>,
    %get3A_622 = vector.shape_cast %get3A_621 : vector<16xi32> to vector<16xi32>
    %sub3A_623 = vector.broadcast %mul3A_59 : i32 to vector<16xi32>
    %sub3A_624 = arith.subi %get3A_622, %sub3A_623 : vector<16xi32>
    %ge3A_625 = arith.constant 0 : i32
    %ge3A_626 = vector.broadcast %ge3A_625 : i32 to vector<16xi32>
    %ge3A_627 = arith.cmpi sge, %sub3A_624, %ge3A_626 : vector<16xi32>
    %lt3A_628 = arith.constant 5000 : i32
    %lt3A_629 = vector.broadcast %lt3A_628 : i32 to vector<16xi32>
    %lt3A_630 = arith.cmpi slt, %sub3A_624, %lt3A_629 : vector<16xi32>
    %and3A_631 = arith.andi %ge3A_627, %lt3A_630 : vector<16xi1>
    %select_n3A_632 = arith.select %and3A_631, %sub3A_624, %add3A_62 : vector<16xi1>, vector<16xi32>
    %swap3A_633 = arith.constant 48 : index
    %swap3A_634 = tpu.vector_load %arg25[%swap3A_633] {strides = array<i32>} : memref<80xi32, #tpu.memory_space<vmem>>, vector<16xi32>,
    %swap3A_635 = vector.shape_cast %swap3A_634 : vector<16xi32> to vector<16xi32>
    %swap3A_636 = vector.shape_cast %select_n3A_632 : vector<16xi32> to vector<16xi32>
    tpu.vector_store %arg25[%swap3A_633], %swap3A_636 {strides = array<i32>} : memref<80xi32, #tpu.memory_space<vmem>>, vector<16xi32>,
    %get3A_637 = arith.constant 64 : index
    %get3A_638 = tpu.vector_load %arg20[%get3A_637] {strides = array<i32>} : memref<80xi32, #tpu.memory_space<vmem>>, vector<16xi32>,
    %get3A_639 = vector.shape_cast %get3A_638 : vector<16xi32> to vector<16xi32>
    %sub3A_640 = vector.broadcast %mul3A_59 : i32 to vector<16xi32>
    %sub3A_641 = arith.subi %get3A_639, %sub3A_640 : vector<16xi32>
    %ge3A_642 = arith.constant 0 : i32
    %ge3A_643 = vector.broadcast %ge3A_642 : i32 to vector<16xi32>
    %ge3A_644 = arith.cmpi sge, %sub3A_641, %ge3A_643 : vector<16xi32>
    %lt3A_645 = arith.constant 5000 : i32
    %lt3A_646 = vector.broadcast %lt3A_645 : i32 to vector<16xi32>
    %lt3A_647 = arith.cmpi slt, %sub3A_641, %lt3A_646 : vector<16xi32>
    %and3A_648 = arith.andi %ge3A_644, %lt3A_647 : vector<16xi1>
    %select_n3A_649 = arith.select %and3A_648, %sub3A_641, %add3A_62 : vector<16xi1>, vector<16xi32>
    %swap3A_650 = arith.constant 64 : index
    %swap3A_651 = tpu.vector_load %arg25[%swap3A_650] {strides = array<i32>} : memref<80xi32, #tpu.memory_space<vmem>>, vector<16xi32>,
    %swap3A_652 = vector.shape_cast %swap3A_651 : vector<16xi32> to vector<16xi32>
    %swap3A_653 = vector.shape_cast %select_n3A_649 : vector<16xi32> to vector<16xi32>
    tpu.vector_store %arg25[%swap3A_650], %swap3A_653 {strides = array<i32>} : memref<80xi32, #tpu.memory_space<vmem>>, vector<16xi32>,
    %dma_wait3A_654 = arith.constant 0 : i32
    %dma_wait3A_655 = arith.constant 0 : i32
    %dma_wait3A_656 = tpu.memref_slice %arg2[%dma_wait3A_654, %dma_wait3A_655] : memref<10000x128xf32, #tpu.memory_space<hbm>> -> memref<10000x128xf32, #tpu.memory_space<hbm>>
    tpu.wait_indirect_dma semaphore(%arg38 : memref<!tpu.dma_semaphore, #tpu.memory_space<semaphore_mem>>) src(%dma_wait3A_656 : memref<10000x128xf32, #tpu.memory_space<hbm>>) dst(%arg6 : memref<80x128xf32, #tpu.memory_space<vmem>>)
    %dma_start3A_657 = arith.constant 0 : i32
    %dma_start3A_658 = arith.constant 0 : i32
    %dma_start3A_659 = tpu.memref_slice %arg27[%dma_start3A_657, %dma_start3A_658] : memref<5016x128xf32, #tpu.memory_space<vmem_shared>> -> memref<5016x128xf32, #tpu.memory_space<vmem_shared>>
    tpu.enqueue_indirect_dma source(%arg6 : memref<80x128xf32, #tpu.memory_space<vmem>>) target(%dma_start3A_659 : memref<5016x128xf32, #tpu.memory_space<vmem_shared>>) offsets(%arg21 : memref<80xi32, #tpu.memory_space<vmem>>) semaphore(%arg43 : memref<!tpu.dma_semaphore, #tpu.memory_space<semaphore_mem>>) {add = true}
    %dma_wait3A_660 = arith.constant 0 : i32
    %dma_wait3A_661 = arith.constant 0 : i32
    %dma_wait3A_662 = tpu.memref_slice %arg2[%dma_wait3A_660, %dma_wait3A_661] : memref<10000x128xf32, #tpu.memory_space<hbm>> -> memref<10000x128xf32, #tpu.memory_space<hbm>>
    tpu.wait_indirect_dma semaphore(%arg39 : memref<!tpu.dma_semaphore, #tpu.memory_space<semaphore_mem>>) src(%dma_wait3A_662 : memref<10000x128xf32, #tpu.memory_space<hbm>>) dst(%arg7 : memref<80x128xf32, #tpu.memory_space<vmem>>)
    %dma_start3A_663 = arith.constant 0 : i32
    %dma_start3A_664 = arith.constant 0 : i32
    %dma_start3A_665 = tpu.memref_slice %arg27[%dma_start3A_663, %dma_start3A_664] : memref<5016x128xf32, #tpu.memory_space<vmem_shared>> -> memref<5016x128xf32, #tpu.memory_space<vmem_shared>>
    tpu.enqueue_indirect_dma source(%arg7 : memref<80x128xf32, #tpu.memory_space<vmem>>) target(%dma_start3A_665 : memref<5016x128xf32, #tpu.memory_space<vmem_shared>>) offsets(%arg22 : memref<80xi32, #tpu.memory_space<vmem>>) semaphore(%arg44 : memref<!tpu.dma_semaphore, #tpu.memory_space<semaphore_mem>>) {add = true}
    %dma_wait3A_666 = arith.constant 0 : i32
    %dma_wait3A_667 = arith.constant 0 : i32
    %dma_wait3A_668 = tpu.memref_slice %arg2[%dma_wait3A_666, %dma_wait3A_667] : memref<10000x128xf32, #tpu.memory_space<hbm>> -> memref<10000x128xf32, #tpu.memory_space<hbm>>
    tpu.wait_indirect_dma semaphore(%arg40 : memref<!tpu.dma_semaphore, #tpu.memory_space<semaphore_mem>>) src(%dma_wait3A_668 : memref<10000x128xf32, #tpu.memory_space<hbm>>) dst(%arg8 : memref<80x128xf32, #tpu.memory_space<vmem>>)
    %dma_start3A_669 = arith.constant 0 : i32
    %dma_start3A_670 = arith.constant 0 : i32
    %dma_start3A_671 = tpu.memref_slice %arg27[%dma_start3A_669, %dma_start3A_670] : memref<5016x128xf32, #tpu.memory_space<vmem_shared>> -> memref<5016x128xf32, #tpu.memory_space<vmem_shared>>
    tpu.enqueue_indirect_dma source(%arg8 : memref<80x128xf32, #tpu.memory_space<vmem>>) target(%dma_start3A_671 : memref<5016x128xf32, #tpu.memory_space<vmem_shared>>) offsets(%arg23 : memref<80xi32, #tpu.memory_space<vmem>>) semaphore(%arg45 : memref<!tpu.dma_semaphore, #tpu.memory_space<semaphore_mem>>) {add = true}
    %dma_wait3A_672 = arith.constant 0 : i32
    %dma_wait3A_673 = arith.constant 0 : i32
    %dma_wait3A_674 = tpu.memref_slice %arg2[%dma_wait3A_672, %dma_wait3A_673] : memref<10000x128xf32, #tpu.memory_space<hbm>> -> memref<10000x128xf32, #tpu.memory_space<hbm>>
    tpu.wait_indirect_dma semaphore(%arg41 : memref<!tpu.dma_semaphore, #tpu.memory_space<semaphore_mem>>) src(%dma_wait3A_674 : memref<10000x128xf32, #tpu.memory_space<hbm>>) dst(%arg9 : memref<80x128xf32, #tpu.memory_space<vmem>>)
    %dma_start3A_675 = arith.constant 0 : i32
    %dma_start3A_676 = arith.constant 0 : i32
    %dma_start3A_677 = tpu.memref_slice %arg27[%dma_start3A_675, %dma_start3A_676] : memref<5016x128xf32, #tpu.memory_space<vmem_shared>> -> memref<5016x128xf32, #tpu.memory_space<vmem_shared>>
    tpu.enqueue_indirect_dma source(%arg9 : memref<80x128xf32, #tpu.memory_space<vmem>>) target(%dma_start3A_677 : memref<5016x128xf32, #tpu.memory_space<vmem_shared>>) offsets(%arg24 : memref<80xi32, #tpu.memory_space<vmem>>) semaphore(%arg46 : memref<!tpu.dma_semaphore, #tpu.memory_space<semaphore_mem>>) {add = true}
    %dma_wait3A_678 = arith.constant 0 : i32
    %dma_wait3A_679 = arith.constant 0 : i32
    %dma_wait3A_680 = tpu.memref_slice %arg2[%dma_wait3A_678, %dma_wait3A_679] : memref<10000x128xf32, #tpu.memory_space<hbm>> -> memref<10000x128xf32, #tpu.memory_space<hbm>>
    tpu.wait_indirect_dma semaphore(%arg42 : memref<!tpu.dma_semaphore, #tpu.memory_space<semaphore_mem>>) src(%dma_wait3A_680 : memref<10000x128xf32, #tpu.memory_space<hbm>>) dst(%arg10 : memref<80x128xf32, #tpu.memory_space<vmem>>)
    %dma_start3A_681 = arith.constant 0 : i32
    %dma_start3A_682 = arith.constant 0 : i32
    %dma_start3A_683 = tpu.memref_slice %arg27[%dma_start3A_681, %dma_start3A_682] : memref<5016x128xf32, #tpu.memory_space<vmem_shared>> -> memref<5016x128xf32, #tpu.memory_space<vmem_shared>>
    tpu.enqueue_indirect_dma source(%arg10 : memref<80x128xf32, #tpu.memory_space<vmem>>) target(%dma_start3A_683 : memref<5016x128xf32, #tpu.memory_space<vmem_shared>>) offsets(%arg25 : memref<80xi32, #tpu.memory_space<vmem>>) semaphore(%arg47 : memref<!tpu.dma_semaphore, #tpu.memory_space<semaphore_mem>>) {add = true}
    %scan3A_684 = arith.constant 0 : i32
    %scan3A_685 = arith.constant 1 : i32
    %scan3A_686 = arith.constant 49 : i32
    %scan3A_687 = arith.addi %scan3A_685, %scan3A_686 : i32
    %scan3A_688 = arith.constant 1 : i32
    %scan3A_689 = scf.for %scan3A_716 = %scan3A_685 to %scan3A_687 step %scan3A_688 iter_args(%scan3A_717 = %scan3A_684) -> (i32)  : i32 {
      %mul3A_718 = arith.constant 5 : i32
      %mul3A_719 = arith.muli %mul3A_718, %scan3A_716 : i32
      %add3A_720 = arith.constant 0 : i32
      %add3A_721 = arith.addi %mul3A_719, %add3A_720 : i32
      %dma_start3A_722 = arith.constant 0 : i32
      %dma_start3A_723 = arith.constant 0 : i32
      %dma_start3A_724 = tpu.memref_slice %arg3[%arg1, %add3A_721, %dma_start3A_722, %dma_start3A_723] : memref<16x250x1x80xi32, #tpu.memory_space<hbm>> -> memref<1x1x1x80xi32, #tpu.memory_space<hbm>>
      %dma_start3A_725 = tpu.memref_squeeze %dma_start3A_724 : memref<1x1x1x80xi32, #tpu.memory_space<hbm>> -> memref<80xi32, #tpu.memory_space<hbm>>
      %dma_start3A_726 = arith.constant 0 : i32
      %dma_start3A_727 = tpu.memref_slice %arg3[%arg1, %add3A_721, %dma_start3A_722, %dma_start3A_726] : memref<16x250x1x80xi32, #tpu.memory_space<hbm>> -> memref<1x1x1x80xi32, #tpu.memory_space<hbm>>
      %dma_start3A_728 = tpu.memref_squeeze %dma_start3A_727 : memref<1x1x1x80xi32, #tpu.memory_space<hbm>> -> memref<80xi32, #tpu.memory_space<hbm>>
      tpu.enqueue_dma source(%dma_start3A_728 : memref<80xi32, #tpu.memory_space<hbm>>) target(%arg11 : memref<80xi32, #tpu.memory_space<vmem>>) target_semaphore(%arg28 : memref<!tpu.dma_semaphore, #tpu.memory_space<semaphore_mem>>)
      %add3A_729 = arith.constant 1 : i32
      %add3A_730 = arith.addi %mul3A_719, %add3A_729 : i32
      %dma_start3A_731 = arith.constant 0 : i32
      %dma_start3A_732 = arith.constant 0 : i32
      %dma_start3A_733 = tpu.memref_slice %arg3[%arg1, %add3A_730, %dma_start3A_731, %dma_start3A_732] : memref<16x250x1x80xi32, #tpu.memory_space<hbm>> -> memref<1x1x1x80xi32, #tpu.memory_space<hbm>>
      %dma_start3A_734 = tpu.memref_squeeze %dma_start3A_733 : memref<1x1x1x80xi32, #tpu.memory_space<hbm>> -> memref<80xi32, #tpu.memory_space<hbm>>
      %dma_start3A_735 = arith.constant 0 : i32
      %dma_start3A_736 = tpu.memref_slice %arg3[%arg1, %add3A_730, %dma_start3A_731, %dma_start3A_735] : memref<16x250x1x80xi32, #tpu.memory_space<hbm>> -> memref<1x1x1x80xi32, #tpu.memory_space<hbm>>
      %dma_start3A_737 = tpu.memref_squeeze %dma_start3A_736 : memref<1x1x1x80xi32, #tpu.memory_space<hbm>> -> memref<80xi32, #tpu.memory_space<hbm>>
      tpu.enqueue_dma source(%dma_start3A_737 : memref<80xi32, #tpu.memory_space<hbm>>) target(%arg12 : memref<80xi32, #tpu.memory_space<vmem>>) target_semaphore(%arg29 : memref<!tpu.dma_semaphore, #tpu.memory_space<semaphore_mem>>)
      %add3A_738 = arith.constant 2 : i32
      %add3A_739 = arith.addi %mul3A_719, %add3A_738 : i32
      %dma_start3A_740 = arith.constant 0 : i32
      %dma_start3A_741 = arith.constant 0 : i32
      %dma_start3A_742 = tpu.memref_slice %arg3[%arg1, %add3A_739, %dma_start3A_740, %dma_start3A_741] : memref<16x250x1x80xi32, #tpu.memory_space<hbm>> -> memref<1x1x1x80xi32, #tpu.memory_space<hbm>>
      %dma_start3A_743 = tpu.memref_squeeze %dma_start3A_742 : memref<1x1x1x80xi32, #tpu.memory_space<hbm>> -> memref<80xi32, #tpu.memory_space<hbm>>
      %dma_start3A_744 = arith.constant 0 : i32
      %dma_start3A_745 = tpu.memref_slice %arg3[%arg1, %add3A_739, %dma_start3A_740, %dma_start3A_744] : memref<16x250x1x80xi32, #tpu.memory_space<hbm>> -> memref<1x1x1x80xi32, #tpu.memory_space<hbm>>
      %dma_start3A_746 = tpu.memref_squeeze %dma_start3A_745 : memref<1x1x1x80xi32, #tpu.memory_space<hbm>> -> memref<80xi32, #tpu.memory_space<hbm>>
      tpu.enqueue_dma source(%dma_start3A_746 : memref<80xi32, #tpu.memory_space<hbm>>) target(%arg13 : memref<80xi32, #tpu.memory_space<vmem>>) target_semaphore(%arg30 : memref<!tpu.dma_semaphore, #tpu.memory_space<semaphore_mem>>)
      %add3A_747 = arith.constant 3 : i32
      %add3A_748 = arith.addi %mul3A_719, %add3A_747 : i32
      %dma_start3A_749 = arith.constant 0 : i32
      %dma_start3A_750 = arith.constant 0 : i32
      %dma_start3A_751 = tpu.memref_slice %arg3[%arg1, %add3A_748, %dma_start3A_749, %dma_start3A_750] : memref<16x250x1x80xi32, #tpu.memory_space<hbm>> -> memref<1x1x1x80xi32, #tpu.memory_space<hbm>>
      %dma_start3A_752 = tpu.memref_squeeze %dma_start3A_751 : memref<1x1x1x80xi32, #tpu.memory_space<hbm>> -> memref<80xi32, #tpu.memory_space<hbm>>
      %dma_start3A_753 = arith.constant 0 : i32
      %dma_start3A_754 = tpu.memref_slice %arg3[%arg1, %add3A_748, %dma_start3A_749, %dma_start3A_753] : memref<16x250x1x80xi32, #tpu.memory_space<hbm>> -> memref<1x1x1x80xi32, #tpu.memory_space<hbm>>
      %dma_start3A_755 = tpu.memref_squeeze %dma_start3A_754 : memref<1x1x1x80xi32, #tpu.memory_space<hbm>> -> memref<80xi32, #tpu.memory_space<hbm>>
      tpu.enqueue_dma source(%dma_start3A_755 : memref<80xi32, #tpu.memory_space<hbm>>) target(%arg14 : memref<80xi32, #tpu.memory_space<vmem>>) target_semaphore(%arg31 : memref<!tpu.dma_semaphore, #tpu.memory_space<semaphore_mem>>)
      %add3A_756 = arith.constant 4 : i32
      %add3A_757 = arith.addi %mul3A_719, %add3A_756 : i32
      %dma_start3A_758 = arith.constant 0 : i32
      %dma_start3A_759 = arith.constant 0 : i32
      %dma_start3A_760 = tpu.memref_slice %arg3[%arg1, %add3A_757, %dma_start3A_758, %dma_start3A_759] : memref<16x250x1x80xi32, #tpu.memory_space<hbm>> -> memref<1x1x1x80xi32, #tpu.memory_space<hbm>>
      %dma_start3A_761 = tpu.memref_squeeze %dma_start3A_760 : memref<1x1x1x80xi32, #tpu.memory_space<hbm>> -> memref<80xi32, #tpu.memory_space<hbm>>
      %dma_start3A_762 = arith.constant 0 : i32
      %dma_start3A_763 = tpu.memref_slice %arg3[%arg1, %add3A_757, %dma_start3A_758, %dma_start3A_762] : memref<16x250x1x80xi32, #tpu.memory_space<hbm>> -> memref<1x1x1x80xi32, #tpu.memory_space<hbm>>
      %dma_start3A_764 = tpu.memref_squeeze %dma_start3A_763 : memref<1x1x1x80xi32, #tpu.memory_space<hbm>> -> memref<80xi32, #tpu.memory_space<hbm>>
      tpu.enqueue_dma source(%dma_start3A_764 : memref<80xi32, #tpu.memory_space<hbm>>) target(%arg15 : memref<80xi32, #tpu.memory_space<vmem>>) target_semaphore(%arg32 : memref<!tpu.dma_semaphore, #tpu.memory_space<semaphore_mem>>)
      %add3A_765 = arith.constant 0 : i32
      %add3A_766 = arith.addi %mul3A_719, %add3A_765 : i32
      %dma_start3A_767 = arith.constant 0 : i32
      %dma_start3A_768 = arith.constant 0 : i32
      %dma_start3A_769 = tpu.memref_slice %arg4[%arg1, %add3A_766, %dma_start3A_767, %dma_start3A_768] : memref<16x250x1x80xi32, #tpu.memory_space<hbm>> -> memref<1x1x1x80xi32, #tpu.memory_space<hbm>>
      %dma_start3A_770 = tpu.memref_squeeze %dma_start3A_769 : memref<1x1x1x80xi32, #tpu.memory_space<hbm>> -> memref<80xi32, #tpu.memory_space<hbm>>
      %dma_start3A_771 = arith.constant 0 : i32
      %dma_start3A_772 = tpu.memref_slice %arg4[%arg1, %add3A_766, %dma_start3A_767, %dma_start3A_771] : memref<16x250x1x80xi32, #tpu.memory_space<hbm>> -> memref<1x1x1x80xi32, #tpu.memory_space<hbm>>
      %dma_start3A_773 = tpu.memref_squeeze %dma_start3A_772 : memref<1x1x1x80xi32, #tpu.memory_space<hbm>> -> memref<80xi32, #tpu.memory_space<hbm>>
      tpu.enqueue_dma source(%dma_start3A_773 : memref<80xi32, #tpu.memory_space<hbm>>) target(%arg16 : memref<80xi32, #tpu.memory_space<vmem>>) target_semaphore(%arg33 : memref<!tpu.dma_semaphore, #tpu.memory_space<semaphore_mem>>)
      %add3A_774 = arith.constant 1 : i32
      %add3A_775 = arith.addi %mul3A_719, %add3A_774 : i32
      %dma_start3A_776 = arith.constant 0 : i32
      %dma_start3A_777 = arith.constant 0 : i32
      %dma_start3A_778 = tpu.memref_slice %arg4[%arg1, %add3A_775, %dma_start3A_776, %dma_start3A_777] : memref<16x250x1x80xi32, #tpu.memory_space<hbm>> -> memref<1x1x1x80xi32, #tpu.memory_space<hbm>>
      %dma_start3A_779 = tpu.memref_squeeze %dma_start3A_778 : memref<1x1x1x80xi32, #tpu.memory_space<hbm>> -> memref<80xi32, #tpu.memory_space<hbm>>
      %dma_start3A_780 = arith.constant 0 : i32
      %dma_start3A_781 = tpu.memref_slice %arg4[%arg1, %add3A_775, %dma_start3A_776, %dma_start3A_780] : memref<16x250x1x80xi32, #tpu.memory_space<hbm>> -> memref<1x1x1x80xi32, #tpu.memory_space<hbm>>
      %dma_start3A_782 = tpu.memref_squeeze %dma_start3A_781 : memref<1x1x1x80xi32, #tpu.memory_space<hbm>> -> memref<80xi32, #tpu.memory_space<hbm>>
      tpu.enqueue_dma source(%dma_start3A_782 : memref<80xi32, #tpu.memory_space<hbm>>) target(%arg17 : memref<80xi32, #tpu.memory_space<vmem>>) target_semaphore(%arg34 : memref<!tpu.dma_semaphore, #tpu.memory_space<semaphore_mem>>)
      %add3A_783 = arith.constant 2 : i32
      %add3A_784 = arith.addi %mul3A_719, %add3A_783 : i32
      %dma_start3A_785 = arith.constant 0 : i32
      %dma_start3A_786 = arith.constant 0 : i32
      %dma_start3A_787 = tpu.memref_slice %arg4[%arg1, %add3A_784, %dma_start3A_785, %dma_start3A_786] : memref<16x250x1x80xi32, #tpu.memory_space<hbm>> -> memref<1x1x1x80xi32, #tpu.memory_space<hbm>>
      %dma_start3A_788 = tpu.memref_squeeze %dma_start3A_787 : memref<1x1x1x80xi32, #tpu.memory_space<hbm>> -> memref<80xi32, #tpu.memory_space<hbm>>
      %dma_start3A_789 = arith.constant 0 : i32
      %dma_start3A_790 = tpu.memref_slice %arg4[%arg1, %add3A_784, %dma_start3A_785, %dma_start3A_789] : memref<16x250x1x80xi32, #tpu.memory_space<hbm>> -> memref<1x1x1x80xi32, #tpu.memory_space<hbm>>
      %dma_start3A_791 = tpu.memref_squeeze %dma_start3A_790 : memref<1x1x1x80xi32, #tpu.memory_space<hbm>> -> memref<80xi32, #tpu.memory_space<hbm>>
      tpu.enqueue_dma source(%dma_start3A_791 : memref<80xi32, #tpu.memory_space<hbm>>) target(%arg18 : memref<80xi32, #tpu.memory_space<vmem>>) target_semaphore(%arg35 : memref<!tpu.dma_semaphore, #tpu.memory_space<semaphore_mem>>)
      %add3A_792 = arith.constant 3 : i32
      %add3A_793 = arith.addi %mul3A_719, %add3A_792 : i32
      %dma_start3A_794 = arith.constant 0 : i32
      %dma_start3A_795 = arith.constant 0 : i32
      %dma_start3A_796 = tpu.memref_slice %arg4[%arg1, %add3A_793, %dma_start3A_794, %dma_start3A_795] : memref<16x250x1x80xi32, #tpu.memory_space<hbm>> -> memref<1x1x1x80xi32, #tpu.memory_space<hbm>>
      %dma_start3A_797 = tpu.memref_squeeze %dma_start3A_796 : memref<1x1x1x80xi32, #tpu.memory_space<hbm>> -> memref<80xi32, #tpu.memory_space<hbm>>
      %dma_start3A_798 = arith.constant 0 : i32
      %dma_start3A_799 = tpu.memref_slice %arg4[%arg1, %add3A_793, %dma_start3A_794, %dma_start3A_798] : memref<16x250x1x80xi32, #tpu.memory_space<hbm>> -> memref<1x1x1x80xi32, #tpu.memory_space<hbm>>
      %dma_start3A_800 = tpu.memref_squeeze %dma_start3A_799 : memref<1x1x1x80xi32, #tpu.memory_space<hbm>> -> memref<80xi32, #tpu.memory_space<hbm>>
      tpu.enqueue_dma source(%dma_start3A_800 : memref<80xi32, #tpu.memory_space<hbm>>) target(%arg19 : memref<80xi32, #tpu.memory_space<vmem>>) target_semaphore(%arg36 : memref<!tpu.dma_semaphore, #tpu.memory_space<semaphore_mem>>)
      %add3A_801 = arith.constant 4 : i32
      %add3A_802 = arith.addi %mul3A_719, %add3A_801 : i32
      %dma_start3A_803 = arith.constant 0 : i32
      %dma_start3A_804 = arith.constant 0 : i32
      %dma_start3A_805 = tpu.memref_slice %arg4[%arg1, %add3A_802, %dma_start3A_803, %dma_start3A_804] : memref<16x250x1x80xi32, #tpu.memory_space<hbm>> -> memref<1x1x1x80xi32, #tpu.memory_space<hbm>>
      %dma_start3A_806 = tpu.memref_squeeze %dma_start3A_805 : memref<1x1x1x80xi32, #tpu.memory_space<hbm>> -> memref<80xi32, #tpu.memory_space<hbm>>
      %dma_start3A_807 = arith.constant 0 : i32
      %dma_start3A_808 = tpu.memref_slice %arg4[%arg1, %add3A_802, %dma_start3A_803, %dma_start3A_807] : memref<16x250x1x80xi32, #tpu.memory_space<hbm>> -> memref<1x1x1x80xi32, #tpu.memory_space<hbm>>
      %dma_start3A_809 = tpu.memref_squeeze %dma_start3A_808 : memref<1x1x1x80xi32, #tpu.memory_space<hbm>> -> memref<80xi32, #tpu.memory_space<hbm>>
      tpu.enqueue_dma source(%dma_start3A_809 : memref<80xi32, #tpu.memory_space<hbm>>) target(%arg20 : memref<80xi32, #tpu.memory_space<vmem>>) target_semaphore(%arg37 : memref<!tpu.dma_semaphore, #tpu.memory_space<semaphore_mem>>)
      %dma_wait3A_810 = arith.constant 0 : i32
      %dma_wait3A_811 = arith.constant 0 : i32
      %dma_wait3A_812 = tpu.memref_slice %arg3[%arg1, %add3A_721, %dma_wait3A_810, %dma_wait3A_811] : memref<16x250x1x80xi32, #tpu.memory_space<hbm>> -> memref<1x1x1x80xi32, #tpu.memory_space<hbm>>
      %dma_wait3A_813 = tpu.memref_squeeze %dma_wait3A_812 : memref<1x1x1x80xi32, #tpu.memory_space<hbm>> -> memref<80xi32, #tpu.memory_space<hbm>>
      %dma_wait3A_814 = arith.constant 0 : i32
      %dma_wait3A_815 = tpu.memref_slice %arg3[%arg1, %add3A_721, %dma_wait3A_810, %dma_wait3A_814] : memref<16x250x1x80xi32, #tpu.memory_space<hbm>> -> memref<1x1x1x80xi32, #tpu.memory_space<hbm>>
      %dma_wait3A_816 = tpu.memref_squeeze %dma_wait3A_815 : memref<1x1x1x80xi32, #tpu.memory_space<hbm>> -> memref<80xi32, #tpu.memory_space<hbm>>
      tpu.wait_dma2 semaphore(%arg28 : memref<!tpu.dma_semaphore, #tpu.memory_space<semaphore_mem>>) src(%dma_wait3A_816 : memref<80xi32, #tpu.memory_space<hbm>>) dst(%arg11 : memref<80xi32, #tpu.memory_space<vmem>>)
      %dma_wait3A_817 = arith.constant 0 : i32
      %dma_wait3A_818 = arith.constant 0 : i32
      %dma_wait3A_819 = tpu.memref_slice %arg27[%dma_wait3A_817, %dma_wait3A_818] : memref<5016x128xf32, #tpu.memory_space<vmem_shared>> -> memref<5016x128xf32, #tpu.memory_space<vmem_shared>>
      tpu.wait_indirect_dma semaphore(%arg43 : memref<!tpu.dma_semaphore, #tpu.memory_space<semaphore_mem>>) src(%arg6 : memref<80x128xf32, #tpu.memory_space<vmem>>) dst(%dma_wait3A_819 : memref<5016x128xf32, #tpu.memory_space<vmem_shared>>)
      %dma_start3A_820 = arith.constant 0 : i32
      %dma_start3A_821 = arith.constant 0 : i32
      %dma_start3A_822 = tpu.memref_slice %arg2[%dma_start3A_820, %dma_start3A_821] : memref<10000x128xf32, #tpu.memory_space<hbm>> -> memref<10000x128xf32, #tpu.memory_space<hbm>>
      tpu.enqueue_indirect_dma source(%dma_start3A_822 : memref<10000x128xf32, #tpu.memory_space<hbm>>) target(%arg6 : memref<80x128xf32, #tpu.memory_space<vmem>>) offsets(%arg11 : memref<80xi32, #tpu.memory_space<vmem>>) semaphore(%arg38 : memref<!tpu.dma_semaphore, #tpu.memory_space<semaphore_mem>>)
      %dma_wait3A_823 = arith.constant 0 : i32
      %dma_wait3A_824 = arith.constant 0 : i32
      %dma_wait3A_825 = tpu.memref_slice %arg3[%arg1, %add3A_730, %dma_wait3A_823, %dma_wait3A_824] : memref<16x250x1x80xi32, #tpu.memory_space<hbm>> -> memref<1x1x1x80xi32, #tpu.memory_space<hbm>>
      %dma_wait3A_826 = tpu.memref_squeeze %dma_wait3A_825 : memref<1x1x1x80xi32, #tpu.memory_space<hbm>> -> memref<80xi32, #tpu.memory_space<hbm>>
      %dma_wait3A_827 = arith.constant 0 : i32
      %dma_wait3A_828 = tpu.memref_slice %arg3[%arg1, %add3A_730, %dma_wait3A_823, %dma_wait3A_827] : memref<16x250x1x80xi32, #tpu.memory_space<hbm>> -> memref<1x1x1x80xi32, #tpu.memory_space<hbm>>
      %dma_wait3A_829 = tpu.memref_squeeze %dma_wait3A_828 : memref<1x1x1x80xi32, #tpu.memory_space<hbm>> -> memref<80xi32, #tpu.memory_space<hbm>>
      tpu.wait_dma2 semaphore(%arg29 : memref<!tpu.dma_semaphore, #tpu.memory_space<semaphore_mem>>) src(%dma_wait3A_829 : memref<80xi32, #tpu.memory_space<hbm>>) dst(%arg12 : memref<80xi32, #tpu.memory_space<vmem>>)
      %dma_wait3A_830 = arith.constant 0 : i32
      %dma_wait3A_831 = arith.constant 0 : i32
      %dma_wait3A_832 = tpu.memref_slice %arg27[%dma_wait3A_830, %dma_wait3A_831] : memref<5016x128xf32, #tpu.memory_space<vmem_shared>> -> memref<5016x128xf32, #tpu.memory_space<vmem_shared>>
      tpu.wait_indirect_dma semaphore(%arg44 : memref<!tpu.dma_semaphore, #tpu.memory_space<semaphore_mem>>) src(%arg7 : memref<80x128xf32, #tpu.memory_space<vmem>>) dst(%dma_wait3A_832 : memref<5016x128xf32, #tpu.memory_space<vmem_shared>>)
      %dma_start3A_833 = arith.constant 0 : i32
      %dma_start3A_834 = arith.constant 0 : i32
      %dma_start3A_835 = tpu.memref_slice %arg2[%dma_start3A_833, %dma_start3A_834] : memref<10000x128xf32, #tpu.memory_space<hbm>> -> memref<10000x128xf32, #tpu.memory_space<hbm>>
      tpu.enqueue_indirect_dma source(%dma_start3A_835 : memref<10000x128xf32, #tpu.memory_space<hbm>>) target(%arg7 : memref<80x128xf32, #tpu.memory_space<vmem>>) offsets(%arg12 : memref<80xi32, #tpu.memory_space<vmem>>) semaphore(%arg39 : memref<!tpu.dma_semaphore, #tpu.memory_space<semaphore_mem>>)
      %dma_wait3A_836 = arith.constant 0 : i32
      %dma_wait3A_837 = arith.constant 0 : i32
      %dma_wait3A_838 = tpu.memref_slice %arg3[%arg1, %add3A_739, %dma_wait3A_836, %dma_wait3A_837] : memref<16x250x1x80xi32, #tpu.memory_space<hbm>> -> memref<1x1x1x80xi32, #tpu.memory_space<hbm>>
      %dma_wait3A_839 = tpu.memref_squeeze %dma_wait3A_838 : memref<1x1x1x80xi32, #tpu.memory_space<hbm>> -> memref<80xi32, #tpu.memory_space<hbm>>
      %dma_wait3A_840 = arith.constant 0 : i32
      %dma_wait3A_841 = tpu.memref_slice %arg3[%arg1, %add3A_739, %dma_wait3A_836, %dma_wait3A_840] : memref<16x250x1x80xi32, #tpu.memory_space<hbm>> -> memref<1x1x1x80xi32, #tpu.memory_space<hbm>>
      %dma_wait3A_842 = tpu.memref_squeeze %dma_wait3A_841 : memref<1x1x1x80xi32, #tpu.memory_space<hbm>> -> memref<80xi32, #tpu.memory_space<hbm>>
      tpu.wait_dma2 semaphore(%arg30 : memref<!tpu.dma_semaphore, #tpu.memory_space<semaphore_mem>>) src(%dma_wait3A_842 : memref<80xi32, #tpu.memory_space<hbm>>) dst(%arg13 : memref<80xi32, #tpu.memory_space<vmem>>)
      %dma_wait3A_843 = arith.constant 0 : i32
      %dma_wait3A_844 = arith.constant 0 : i32
      %dma_wait3A_845 = tpu.memref_slice %arg27[%dma_wait3A_843, %dma_wait3A_844] : memref<5016x128xf32, #tpu.memory_space<vmem_shared>> -> memref<5016x128xf32, #tpu.memory_space<vmem_shared>>
      tpu.wait_indirect_dma semaphore(%arg45 : memref<!tpu.dma_semaphore, #tpu.memory_space<semaphore_mem>>) src(%arg8 : memref<80x128xf32, #tpu.memory_space<vmem>>) dst(%dma_wait3A_845 : memref<5016x128xf32, #tpu.memory_space<vmem_shared>>)
      %dma_start3A_846 = arith.constant 0 : i32
      %dma_start3A_847 = arith.constant 0 : i32
      %dma_start3A_848 = tpu.memref_slice %arg2[%dma_start3A_846, %dma_start3A_847] : memref<10000x128xf32, #tpu.memory_space<hbm>> -> memref<10000x128xf32, #tpu.memory_space<hbm>>
      tpu.enqueue_indirect_dma source(%dma_start3A_848 : memref<10000x128xf32, #tpu.memory_space<hbm>>) target(%arg8 : memref<80x128xf32, #tpu.memory_space<vmem>>) offsets(%arg13 : memref<80xi32, #tpu.memory_space<vmem>>) semaphore(%arg40 : memref<!tpu.dma_semaphore, #tpu.memory_space<semaphore_mem>>)
      %dma_wait3A_849 = arith.constant 0 : i32
      %dma_wait3A_850 = arith.constant 0 : i32
      %dma_wait3A_851 = tpu.memref_slice %arg3[%arg1, %add3A_748, %dma_wait3A_849, %dma_wait3A_850] : memref<16x250x1x80xi32, #tpu.memory_space<hbm>> -> memref<1x1x1x80xi32, #tpu.memory_space<hbm>>
      %dma_wait3A_852 = tpu.memref_squeeze %dma_wait3A_851 : memref<1x1x1x80xi32, #tpu.memory_space<hbm>> -> memref<80xi32, #tpu.memory_space<hbm>>
      %dma_wait3A_853 = arith.constant 0 : i32
      %dma_wait3A_854 = tpu.memref_slice %arg3[%arg1, %add3A_748, %dma_wait3A_849, %dma_wait3A_853] : memref<16x250x1x80xi32, #tpu.memory_space<hbm>> -> memref<1x1x1x80xi32, #tpu.memory_space<hbm>>
      %dma_wait3A_855 = tpu.memref_squeeze %dma_wait3A_854 : memref<1x1x1x80xi32, #tpu.memory_space<hbm>> -> memref<80xi32, #tpu.memory_space<hbm>>
      tpu.wait_dma2 semaphore(%arg31 : memref<!tpu.dma_semaphore, #tpu.memory_space<semaphore_mem>>) src(%dma_wait3A_855 : memref<80xi32, #tpu.memory_space<hbm>>) dst(%arg14 : memref<80xi32, #tpu.memory_space<vmem>>)
      %dma_wait3A_856 = arith.constant 0 : i32
      %dma_wait3A_857 = arith.constant 0 : i32
      %dma_wait3A_858 = tpu.memref_slice %arg27[%dma_wait3A_856, %dma_wait3A_857] : memref<5016x128xf32, #tpu.memory_space<vmem_shared>> -> memref<5016x128xf32, #tpu.memory_space<vmem_shared>>
      tpu.wait_indirect_dma semaphore(%arg46 : memref<!tpu.dma_semaphore, #tpu.memory_space<semaphore_mem>>) src(%arg9 : memref<80x128xf32, #tpu.memory_space<vmem>>) dst(%dma_wait3A_858 : memref<5016x128xf32, #tpu.memory_space<vmem_shared>>)
      %dma_start3A_859 = arith.constant 0 : i32
      %dma_start3A_860 = arith.constant 0 : i32
      %dma_start3A_861 = tpu.memref_slice %arg2[%dma_start3A_859, %dma_start3A_860] : memref<10000x128xf32, #tpu.memory_space<hbm>> -> memref<10000x128xf32, #tpu.memory_space<hbm>>
      tpu.enqueue_indirect_dma source(%dma_start3A_861 : memref<10000x128xf32, #tpu.memory_space<hbm>>) target(%arg9 : memref<80x128xf32, #tpu.memory_space<vmem>>) offsets(%arg14 : memref<80xi32, #tpu.memory_space<vmem>>) semaphore(%arg41 : memref<!tpu.dma_semaphore, #tpu.memory_space<semaphore_mem>>)
      %dma_wait3A_862 = arith.constant 0 : i32
      %dma_wait3A_863 = arith.constant 0 : i32
      %dma_wait3A_864 = tpu.memref_slice %arg3[%arg1, %add3A_757, %dma_wait3A_862, %dma_wait3A_863] : memref<16x250x1x80xi32, #tpu.memory_space<hbm>> -> memref<1x1x1x80xi32, #tpu.memory_space<hbm>>
      %dma_wait3A_865 = tpu.memref_squeeze %dma_wait3A_864 : memref<1x1x1x80xi32, #tpu.memory_space<hbm>> -> memref<80xi32, #tpu.memory_space<hbm>>
      %dma_wait3A_866 = arith.constant 0 : i32
      %dma_wait3A_867 = tpu.memref_slice %arg3[%arg1, %add3A_757, %dma_wait3A_862, %dma_wait3A_866] : memref<16x250x1x80xi32, #tpu.memory_space<hbm>> -> memref<1x1x1x80xi32, #tpu.memory_space<hbm>>
      %dma_wait3A_868 = tpu.memref_squeeze %dma_wait3A_867 : memref<1x1x1x80xi32, #tpu.memory_space<hbm>> -> memref<80xi32, #tpu.memory_space<hbm>>
      tpu.wait_dma2 semaphore(%arg32 : memref<!tpu.dma_semaphore, #tpu.memory_space<semaphore_mem>>) src(%dma_wait3A_868 : memref<80xi32, #tpu.memory_space<hbm>>) dst(%arg15 : memref<80xi32, #tpu.memory_space<vmem>>)
      %dma_wait3A_869 = arith.constant 0 : i32
      %dma_wait3A_870 = arith.constant 0 : i32
      %dma_wait3A_871 = tpu.memref_slice %arg27[%dma_wait3A_869, %dma_wait3A_870] : memref<5016x128xf32, #tpu.memory_space<vmem_shared>> -> memref<5016x128xf32, #tpu.memory_space<vmem_shared>>
      tpu.wait_indirect_dma semaphore(%arg47 : memref<!tpu.dma_semaphore, #tpu.memory_space<semaphore_mem>>) src(%arg10 : memref<80x128xf32, #tpu.memory_space<vmem>>) dst(%dma_wait3A_871 : memref<5016x128xf32, #tpu.memory_space<vmem_shared>>)
      %dma_start3A_872 = arith.constant 0 : i32
      %dma_start3A_873 = arith.constant 0 : i32
      %dma_start3A_874 = tpu.memref_slice %arg2[%dma_start3A_872, %dma_start3A_873] : memref<10000x128xf32, #tpu.memory_space<hbm>> -> memref<10000x128xf32, #tpu.memory_space<hbm>>
      tpu.enqueue_indirect_dma source(%dma_start3A_874 : memref<10000x128xf32, #tpu.memory_space<hbm>>) target(%arg10 : memref<80x128xf32, #tpu.memory_space<vmem>>) offsets(%arg15 : memref<80xi32, #tpu.memory_space<vmem>>) semaphore(%arg42 : memref<!tpu.dma_semaphore, #tpu.memory_space<semaphore_mem>>)
      %dma_wait3A_875 = arith.constant 0 : i32
      %dma_wait3A_876 = arith.constant 0 : i32
      %dma_wait3A_877 = tpu.memref_slice %arg4[%arg1, %add3A_766, %dma_wait3A_875, %dma_wait3A_876] : memref<16x250x1x80xi32, #tpu.memory_space<hbm>> -> memref<1x1x1x80xi32, #tpu.memory_space<hbm>>
      %dma_wait3A_878 = tpu.memref_squeeze %dma_wait3A_877 : memref<1x1x1x80xi32, #tpu.memory_space<hbm>> -> memref<80xi32, #tpu.memory_space<hbm>>
      %dma_wait3A_879 = arith.constant 0 : i32
      %dma_wait3A_880 = tpu.memref_slice %arg4[%arg1, %add3A_766, %dma_wait3A_875, %dma_wait3A_879] : memref<16x250x1x80xi32, #tpu.memory_space<hbm>> -> memref<1x1x1x80xi32, #tpu.memory_space<hbm>>
      %dma_wait3A_881 = tpu.memref_squeeze %dma_wait3A_880 : memref<1x1x1x80xi32, #tpu.memory_space<hbm>> -> memref<80xi32, #tpu.memory_space<hbm>>
      tpu.wait_dma2 semaphore(%arg33 : memref<!tpu.dma_semaphore, #tpu.memory_space<semaphore_mem>>) src(%dma_wait3A_881 : memref<80xi32, #tpu.memory_space<hbm>>) dst(%arg16 : memref<80xi32, #tpu.memory_space<vmem>>)
      %get3A_882 = arith.constant 0 : index
      %get3A_883 = tpu.vector_load %arg16[%get3A_882] {strides = array<i32>} : memref<80xi32, #tpu.memory_space<vmem>>, vector<16xi32>,
      %get3A_884 = vector.shape_cast %get3A_883 : vector<16xi32> to vector<16xi32>
      %sub3A_885 = vector.broadcast %mul3A_59 : i32 to vector<16xi32>
      %sub3A_886 = arith.subi %get3A_884, %sub3A_885 : vector<16xi32>
      %ge3A_887 = arith.constant 0 : i32
      %ge3A_888 = vector.broadcast %ge3A_887 : i32 to vector<16xi32>
      %ge3A_889 = arith.cmpi sge, %sub3A_886, %ge3A_888 : vector<16xi32>
      %lt3A_890 = arith.constant 5000 : i32
      %lt3A_891 = vector.broadcast %lt3A_890 : i32 to vector<16xi32>
      %lt3A_892 = arith.cmpi slt, %sub3A_886, %lt3A_891 : vector<16xi32>
      %and3A_893 = arith.andi %ge3A_889, %lt3A_892 : vector<16xi1>
      %select_n3A_894 = arith.select %and3A_893, %sub3A_886, %add3A_62 : vector<16xi1>, vector<16xi32>
      %swap3A_895 = arith.constant 0 : index
      %swap3A_896 = tpu.vector_load %arg21[%swap3A_895] {strides = array<i32>} : memref<80xi32, #tpu.memory_space<vmem>>, vector<16xi32>,
      %swap3A_897 = vector.shape_cast %swap3A_896 : vector<16xi32> to vector<16xi32>
      %swap3A_898 = vector.shape_cast %select_n3A_894 : vector<16xi32> to vector<16xi32>
      tpu.vector_store %arg21[%swap3A_895], %swap3A_898 {strides = array<i32>} : memref<80xi32, #tpu.memory_space<vmem>>, vector<16xi32>,
      %get3A_899 = arith.constant 16 : index
      %get3A_900 = tpu.vector_load %arg16[%get3A_899] {strides = array<i32>} : memref<80xi32, #tpu.memory_space<vmem>>, vector<16xi32>,
      %get3A_901 = vector.shape_cast %get3A_900 : vector<16xi32> to vector<16xi32>
      %sub3A_902 = vector.broadcast %mul3A_59 : i32 to vector<16xi32>
      %sub3A_903 = arith.subi %get3A_901, %sub3A_902 : vector<16xi32>
      %ge3A_904 = arith.constant 0 : i32
      %ge3A_905 = vector.broadcast %ge3A_904 : i32 to vector<16xi32>
      %ge3A_906 = arith.cmpi sge, %sub3A_903, %ge3A_905 : vector<16xi32>
      %lt3A_907 = arith.constant 5000 : i32
      %lt3A_908 = vector.broadcast %lt3A_907 : i32 to vector<16xi32>
      %lt3A_909 = arith.cmpi slt, %sub3A_903, %lt3A_908 : vector<16xi32>
      %and3A_910 = arith.andi %ge3A_906, %lt3A_909 : vector<16xi1>
      %select_n3A_911 = arith.select %and3A_910, %sub3A_903, %add3A_62 : vector<16xi1>, vector<16xi32>
      %swap3A_912 = arith.constant 16 : index
      %swap3A_913 = tpu.vector_load %arg21[%swap3A_912] {strides = array<i32>} : memref<80xi32, #tpu.memory_space<vmem>>, vector<16xi32>,
      %swap3A_914 = vector.shape_cast %swap3A_913 : vector<16xi32> to vector<16xi32>
      %swap3A_915 = vector.shape_cast %select_n3A_911 : vector<16xi32> to vector<16xi32>
      tpu.vector_store %arg21[%swap3A_912], %swap3A_915 {strides = array<i32>} : memref<80xi32, #tpu.memory_space<vmem>>, vector<16xi32>,
      %get3A_916 = arith.constant 32 : index
      %get3A_917 = tpu.vector_load %arg16[%get3A_916] {strides = array<i32>} : memref<80xi32, #tpu.memory_space<vmem>>, vector<16xi32>,
      %get3A_918 = vector.shape_cast %get3A_917 : vector<16xi32> to vector<16xi32>
      %sub3A_919 = vector.broadcast %mul3A_59 : i32 to vector<16xi32>
      %sub3A_920 = arith.subi %get3A_918, %sub3A_919 : vector<16xi32>
      %ge3A_921 = arith.constant 0 : i32
      %ge3A_922 = vector.broadcast %ge3A_921 : i32 to vector<16xi32>
      %ge3A_923 = arith.cmpi sge, %sub3A_920, %ge3A_922 : vector<16xi32>
      %lt3A_924 = arith.constant 5000 : i32
      %lt3A_925 = vector.broadcast %lt3A_924 : i32 to vector<16xi32>
      %lt3A_926 = arith.cmpi slt, %sub3A_920, %lt3A_925 : vector<16xi32>
      %and3A_927 = arith.andi %ge3A_923, %lt3A_926 : vector<16xi1>
      %select_n3A_928 = arith.select %and3A_927, %sub3A_920, %add3A_62 : vector<16xi1>, vector<16xi32>
      %swap3A_929 = arith.constant 32 : index
      %swap3A_930 = tpu.vector_load %arg21[%swap3A_929] {strides = array<i32>} : memref<80xi32, #tpu.memory_space<vmem>>, vector<16xi32>,
      %swap3A_931 = vector.shape_cast %swap3A_930 : vector<16xi32> to vector<16xi32>
      %swap3A_932 = vector.shape_cast %select_n3A_928 : vector<16xi32> to vector<16xi32>
      tpu.vector_store %arg21[%swap3A_929], %swap3A_932 {strides = array<i32>} : memref<80xi32, #tpu.memory_space<vmem>>, vector<16xi32>,
      %get3A_933 = arith.constant 48 : index
      %get3A_934 = tpu.vector_load %arg16[%get3A_933] {strides = array<i32>} : memref<80xi32, #tpu.memory_space<vmem>>, vector<16xi32>,
      %get3A_935 = vector.shape_cast %get3A_934 : vector<16xi32> to vector<16xi32>
      %sub3A_936 = vector.broadcast %mul3A_59 : i32 to vector<16xi32>
      %sub3A_937 = arith.subi %get3A_935, %sub3A_936 : vector<16xi32>
      %ge3A_938 = arith.constant 0 : i32
      %ge3A_939 = vector.broadcast %ge3A_938 : i32 to vector<16xi32>
      %ge3A_940 = arith.cmpi sge, %sub3A_937, %ge3A_939 : vector<16xi32>
      %lt3A_941 = arith.constant 5000 : i32
      %lt3A_942 = vector.broadcast %lt3A_941 : i32 to vector<16xi32>
      %lt3A_943 = arith.cmpi slt, %sub3A_937, %lt3A_942 : vector<16xi32>
      %and3A_944 = arith.andi %ge3A_940, %lt3A_943 : vector<16xi1>
      %select_n3A_945 = arith.select %and3A_944, %sub3A_937, %add3A_62 : vector<16xi1>, vector<16xi32>
      %swap3A_946 = arith.constant 48 : index
      %swap3A_947 = tpu.vector_load %arg21[%swap3A_946] {strides = array<i32>} : memref<80xi32, #tpu.memory_space<vmem>>, vector<16xi32>,
      %swap3A_948 = vector.shape_cast %swap3A_947 : vector<16xi32> to vector<16xi32>
      %swap3A_949 = vector.shape_cast %select_n3A_945 : vector<16xi32> to vector<16xi32>
      tpu.vector_store %arg21[%swap3A_946], %swap3A_949 {strides = array<i32>} : memref<80xi32, #tpu.memory_space<vmem>>, vector<16xi32>,
      %get3A_950 = arith.constant 64 : index
      %get3A_951 = tpu.vector_load %arg16[%get3A_950] {strides = array<i32>} : memref<80xi32, #tpu.memory_space<vmem>>, vector<16xi32>,
      %get3A_952 = vector.shape_cast %get3A_951 : vector<16xi32> to vector<16xi32>
      %sub3A_953 = vector.broadcast %mul3A_59 : i32 to vector<16xi32>
      %sub3A_954 = arith.subi %get3A_952, %sub3A_953 : vector<16xi32>
      %ge3A_955 = arith.constant 0 : i32
      %ge3A_956 = vector.broadcast %ge3A_955 : i32 to vector<16xi32>
      %ge3A_957 = arith.cmpi sge, %sub3A_954, %ge3A_956 : vector<16xi32>
      %lt3A_958 = arith.constant 5000 : i32
      %lt3A_959 = vector.broadcast %lt3A_958 : i32 to vector<16xi32>
      %lt3A_960 = arith.cmpi slt, %sub3A_954, %lt3A_959 : vector<16xi32>
      %and3A_961 = arith.andi %ge3A_957, %lt3A_960 : vector<16xi1>
      %select_n3A_962 = arith.select %and3A_961, %sub3A_954, %add3A_62 : vector<16xi1>, vector<16xi32>
      %swap3A_963 = arith.constant 64 : index
      %swap3A_964 = tpu.vector_load %arg21[%swap3A_963] {strides = array<i32>} : memref<80xi32, #tpu.memory_space<vmem>>, vector<16xi32>,
      %swap3A_965 = vector.shape_cast %swap3A_964 : vector<16xi32> to vector<16xi32>
      %swap3A_966 = vector.shape_cast %select_n3A_962 : vector<16xi32> to vector<16xi32>
      tpu.vector_store %arg21[%swap3A_963], %swap3A_966 {strides = array<i32>} : memref<80xi32, #tpu.memory_space<vmem>>, vector<16xi32>,
      %dma_wait3A_967 = arith.constant 0 : i32
      %dma_wait3A_968 = arith.constant 0 : i32
      %dma_wait3A_969 = tpu.memref_slice %arg4[%arg1, %add3A_775, %dma_wait3A_967, %dma_wait3A_968] : memref<16x250x1x80xi32, #tpu.memory_space<hbm>> -> memref<1x1x1x80xi32, #tpu.memory_space<hbm>>
      %dma_wait3A_970 = tpu.memref_squeeze %dma_wait3A_969 : memref<1x1x1x80xi32, #tpu.memory_space<hbm>> -> memref<80xi32, #tpu.memory_space<hbm>>
      %dma_wait3A_971 = arith.constant 0 : i32
      %dma_wait3A_972 = tpu.memref_slice %arg4[%arg1, %add3A_775, %dma_wait3A_967, %dma_wait3A_971] : memref<16x250x1x80xi32, #tpu.memory_space<hbm>> -> memref<1x1x1x80xi32, #tpu.memory_space<hbm>>
      %dma_wait3A_973 = tpu.memref_squeeze %dma_wait3A_972 : memref<1x1x1x80xi32, #tpu.memory_space<hbm>> -> memref<80xi32, #tpu.memory_space<hbm>>
      tpu.wait_dma2 semaphore(%arg34 : memref<!tpu.dma_semaphore, #tpu.memory_space<semaphore_mem>>) src(%dma_wait3A_973 : memref<80xi32, #tpu.memory_space<hbm>>) dst(%arg17 : memref<80xi32, #tpu.memory_space<vmem>>)
      %get3A_974 = arith.constant 0 : index
      %get3A_975 = tpu.vector_load %arg17[%get3A_974] {strides = array<i32>} : memref<80xi32, #tpu.memory_space<vmem>>, vector<16xi32>,
      %get3A_976 = vector.shape_cast %get3A_975 : vector<16xi32> to vector<16xi32>
      %sub3A_977 = vector.broadcast %mul3A_59 : i32 to vector<16xi32>
      %sub3A_978 = arith.subi %get3A_976, %sub3A_977 : vector<16xi32>
      %ge3A_979 = arith.constant 0 : i32
      %ge3A_980 = vector.broadcast %ge3A_979 : i32 to vector<16xi32>
      %ge3A_981 = arith.cmpi sge, %sub3A_978, %ge3A_980 : vector<16xi32>
      %lt3A_982 = arith.constant 5000 : i32
      %lt3A_983 = vector.broadcast %lt3A_982 : i32 to vector<16xi32>
      %lt3A_984 = arith.cmpi slt, %sub3A_978, %lt3A_983 : vector<16xi32>
      %and3A_985 = arith.andi %ge3A_981, %lt3A_984 : vector<16xi1>
      %select_n3A_986 = arith.select %and3A_985, %sub3A_978, %add3A_62 : vector<16xi1>, vector<16xi32>
      %swap3A_987 = arith.constant 0 : index
      %swap3A_988 = tpu.vector_load %arg22[%swap3A_987] {strides = array<i32>} : memref<80xi32, #tpu.memory_space<vmem>>, vector<16xi32>,
      %swap3A_989 = vector.shape_cast %swap3A_988 : vector<16xi32> to vector<16xi32>
      %swap3A_990 = vector.shape_cast %select_n3A_986 : vector<16xi32> to vector<16xi32>
      tpu.vector_store %arg22[%swap3A_987], %swap3A_990 {strides = array<i32>} : memref<80xi32, #tpu.memory_space<vmem>>, vector<16xi32>,
      %get3A_991 = arith.constant 16 : index
      %get3A_992 = tpu.vector_load %arg17[%get3A_991] {strides = array<i32>} : memref<80xi32, #tpu.memory_space<vmem>>, vector<16xi32>,
      %get3A_993 = vector.shape_cast %get3A_992 : vector<16xi32> to vector<16xi32>
      %sub3A_994 = vector.broadcast %mul3A_59 : i32 to vector<16xi32>
      %sub3A_995 = arith.subi %get3A_993, %sub3A_994 : vector<16xi32>
      %ge3A_996 = arith.constant 0 : i32
      %ge3A_997 = vector.broadcast %ge3A_996 : i32 to vector<16xi32>
      %ge3A_998 = arith.cmpi sge, %sub3A_995, %ge3A_997 : vector<16xi32>
      %lt3A_999 = arith.constant 5000 : i32
      %lt3A_1000 = vector.broadcast %lt3A_999 : i32 to vector<16xi32>
      %lt3A_1001 = arith.cmpi slt, %sub3A_995, %lt3A_1000 : vector<16xi32>
      %and3A_1002 = arith.andi %ge3A_998, %lt3A_1001 : vector<16xi1>
      %select_n3A_1003 = arith.select %and3A_1002, %sub3A_995, %add3A_62 : vector<16xi1>, vector<16xi32>
      %swap3A_1004 = arith.constant 16 : index
      %swap3A_1005 = tpu.vector_load %arg22[%swap3A_1004] {strides = array<i32>} : memref<80xi32, #tpu.memory_space<vmem>>, vector<16xi32>,
      %swap3A_1006 = vector.shape_cast %swap3A_1005 : vector<16xi32> to vector<16xi32>
      %swap3A_1007 = vector.shape_cast %select_n3A_1003 : vector<16xi32> to vector<16xi32>
      tpu.vector_store %arg22[%swap3A_1004], %swap3A_1007 {strides = array<i32>} : memref<80xi32, #tpu.memory_space<vmem>>, vector<16xi32>,
      %get3A_1008 = arith.constant 32 : index
      %get3A_1009 = tpu.vector_load %arg17[%get3A_1008] {strides = array<i32>} : memref<80xi32, #tpu.memory_space<vmem>>, vector<16xi32>,
      %get3A_1010 = vector.shape_cast %get3A_1009 : vector<16xi32> to vector<16xi32>
      %sub3A_1011 = vector.broadcast %mul3A_59 : i32 to vector<16xi32>
      %sub3A_1012 = arith.subi %get3A_1010, %sub3A_1011 : vector<16xi32>
      %ge3A_1013 = arith.constant 0 : i32
      %ge3A_1014 = vector.broadcast %ge3A_1013 : i32 to vector<16xi32>
      %ge3A_1015 = arith.cmpi sge, %sub3A_1012, %ge3A_1014 : vector<16xi32>
      %lt3A_1016 = arith.constant 5000 : i32
      %lt3A_1017 = vector.broadcast %lt3A_1016 : i32 to vector<16xi32>
      %lt3A_1018 = arith.cmpi slt, %sub3A_1012, %lt3A_1017 : vector<16xi32>
      %and3A_1019 = arith.andi %ge3A_1015, %lt3A_1018 : vector<16xi1>
      %select_n3A_1020 = arith.select %and3A_1019, %sub3A_1012, %add3A_62 : vector<16xi1>, vector<16xi32>
      %swap3A_1021 = arith.constant 32 : index
      %swap3A_1022 = tpu.vector_load %arg22[%swap3A_1021] {strides = array<i32>} : memref<80xi32, #tpu.memory_space<vmem>>, vector<16xi32>,
      %swap3A_1023 = vector.shape_cast %swap3A_1022 : vector<16xi32> to vector<16xi32>
      %swap3A_1024 = vector.shape_cast %select_n3A_1020 : vector<16xi32> to vector<16xi32>
      tpu.vector_store %arg22[%swap3A_1021], %swap3A_1024 {strides = array<i32>} : memref<80xi32, #tpu.memory_space<vmem>>, vector<16xi32>,
      %get3A_1025 = arith.constant 48 : index
      %get3A_1026 = tpu.vector_load %arg17[%get3A_1025] {strides = array<i32>} : memref<80xi32, #tpu.memory_space<vmem>>, vector<16xi32>,
      %get3A_1027 = vector.shape_cast %get3A_1026 : vector<16xi32> to vector<16xi32>
      %sub3A_1028 = vector.broadcast %mul3A_59 : i32 to vector<16xi32>
      %sub3A_1029 = arith.subi %get3A_1027, %sub3A_1028 : vector<16xi32>
      %ge3A_1030 = arith.constant 0 : i32
      %ge3A_1031 = vector.broadcast %ge3A_1030 : i32 to vector<16xi32>
      %ge3A_1032 = arith.cmpi sge, %sub3A_1029, %ge3A_1031 : vector<16xi32>
      %lt3A_1033 = arith.constant 5000 : i32
      %lt3A_1034 = vector.broadcast %lt3A_1033 : i32 to vector<16xi32>
      %lt3A_1035 = arith.cmpi slt, %sub3A_1029, %lt3A_1034 : vector<16xi32>
      %and3A_1036 = arith.andi %ge3A_1032, %lt3A_1035 : vector<16xi1>
      %select_n3A_1037 = arith.select %and3A_1036, %sub3A_1029, %add3A_62 : vector<16xi1>, vector<16xi32>
      %swap3A_1038 = arith.constant 48 : index
      %swap3A_1039 = tpu.vector_load %arg22[%swap3A_1038] {strides = array<i32>} : memref<80xi32, #tpu.memory_space<vmem>>, vector<16xi32>,
      %swap3A_1040 = vector.shape_cast %swap3A_1039 : vector<16xi32> to vector<16xi32>
      %swap3A_1041 = vector.shape_cast %select_n3A_1037 : vector<16xi32> to vector<16xi32>
      tpu.vector_store %arg22[%swap3A_1038], %swap3A_1041 {strides = array<i32>} : memref<80xi32, #tpu.memory_space<vmem>>, vector<16xi32>,
      %get3A_1042 = arith.constant 64 : index
      %get3A_1043 = tpu.vector_load %arg17[%get3A_1042] {strides = array<i32>} : memref<80xi32, #tpu.memory_space<vmem>>, vector<16xi32>,
      %get3A_1044 = vector.shape_cast %get3A_1043 : vector<16xi32> to vector<16xi32>
      %sub3A_1045 = vector.broadcast %mul3A_59 : i32 to vector<16xi32>
      %sub3A_1046 = arith.subi %get3A_1044, %sub3A_1045 : vector<16xi32>
      %ge3A_1047 = arith.constant 0 : i32
      %ge3A_1048 = vector.broadcast %ge3A_1047 : i32 to vector<16xi32>
      %ge3A_1049 = arith.cmpi sge, %sub3A_1046, %ge3A_1048 : vector<16xi32>
      %lt3A_1050 = arith.constant 5000 : i32
      %lt3A_1051 = vector.broadcast %lt3A_1050 : i32 to vector<16xi32>
      %lt3A_1052 = arith.cmpi slt, %sub3A_1046, %lt3A_1051 : vector<16xi32>
      %and3A_1053 = arith.andi %ge3A_1049, %lt3A_1052 : vector<16xi1>
      %select_n3A_1054 = arith.select %and3A_1053, %sub3A_1046, %add3A_62 : vector<16xi1>, vector<16xi32>
      %swap3A_1055 = arith.constant 64 : index
      %swap3A_1056 = tpu.vector_load %arg22[%swap3A_1055] {strides = array<i32>} : memref<80xi32, #tpu.memory_space<vmem>>, vector<16xi32>,
      %swap3A_1057 = vector.shape_cast %swap3A_1056 : vector<16xi32> to vector<16xi32>
      %swap3A_1058 = vector.shape_cast %select_n3A_1054 : vector<16xi32> to vector<16xi32>
      tpu.vector_store %arg22[%swap3A_1055], %swap3A_1058 {strides = array<i32>} : memref<80xi32, #tpu.memory_space<vmem>>, vector<16xi32>,
      %dma_wait3A_1059 = arith.constant 0 : i32
      %dma_wait3A_1060 = arith.constant 0 : i32
      %dma_wait3A_1061 = tpu.memref_slice %arg4[%arg1, %add3A_784, %dma_wait3A_1059, %dma_wait3A_1060] : memref<16x250x1x80xi32, #tpu.memory_space<hbm>> -> memref<1x1x1x80xi32, #tpu.memory_space<hbm>>
      %dma_wait3A_1062 = tpu.memref_squeeze %dma_wait3A_1061 : memref<1x1x1x80xi32, #tpu.memory_space<hbm>> -> memref<80xi32, #tpu.memory_space<hbm>>
      %dma_wait3A_1063 = arith.constant 0 : i32
      %dma_wait3A_1064 = tpu.memref_slice %arg4[%arg1, %add3A_784, %dma_wait3A_1059, %dma_wait3A_1063] : memref<16x250x1x80xi32, #tpu.memory_space<hbm>> -> memref<1x1x1x80xi32, #tpu.memory_space<hbm>>
      %dma_wait3A_1065 = tpu.memref_squeeze %dma_wait3A_1064 : memref<1x1x1x80xi32, #tpu.memory_space<hbm>> -> memref<80xi32, #tpu.memory_space<hbm>>
      tpu.wait_dma2 semaphore(%arg35 : memref<!tpu.dma_semaphore, #tpu.memory_space<semaphore_mem>>) src(%dma_wait3A_1065 : memref<80xi32, #tpu.memory_space<hbm>>) dst(%arg18 : memref<80xi32, #tpu.memory_space<vmem>>)
      %get3A_1066 = arith.constant 0 : index
      %get3A_1067 = tpu.vector_load %arg18[%get3A_1066] {strides = array<i32>} : memref<80xi32, #tpu.memory_space<vmem>>, vector<16xi32>,
      %get3A_1068 = vector.shape_cast %get3A_1067 : vector<16xi32> to vector<16xi32>
      %sub3A_1069 = vector.broadcast %mul3A_59 : i32 to vector<16xi32>
      %sub3A_1070 = arith.subi %get3A_1068, %sub3A_1069 : vector<16xi32>
      %ge3A_1071 = arith.constant 0 : i32
      %ge3A_1072 = vector.broadcast %ge3A_1071 : i32 to vector<16xi32>
      %ge3A_1073 = arith.cmpi sge, %sub3A_1070, %ge3A_1072 : vector<16xi32>
      %lt3A_1074 = arith.constant 5000 : i32
      %lt3A_1075 = vector.broadcast %lt3A_1074 : i32 to vector<16xi32>
      %lt3A_1076 = arith.cmpi slt, %sub3A_1070, %lt3A_1075 : vector<16xi32>
      %and3A_1077 = arith.andi %ge3A_1073, %lt3A_1076 : vector<16xi1>
      %select_n3A_1078 = arith.select %and3A_1077, %sub3A_1070, %add3A_62 : vector<16xi1>, vector<16xi32>
      %swap3A_1079 = arith.constant 0 : index
      %swap3A_1080 = tpu.vector_load %arg23[%swap3A_1079] {strides = array<i32>} : memref<80xi32, #tpu.memory_space<vmem>>, vector<16xi32>,
      %swap3A_1081 = vector.shape_cast %swap3A_1080 : vector<16xi32> to vector<16xi32>
      %swap3A_1082 = vector.shape_cast %select_n3A_1078 : vector<16xi32> to vector<16xi32>
      tpu.vector_store %arg23[%swap3A_1079], %swap3A_1082 {strides = array<i32>} : memref<80xi32, #tpu.memory_space<vmem>>, vector<16xi32>,
      %get3A_1083 = arith.constant 16 : index
      %get3A_1084 = tpu.vector_load %arg18[%get3A_1083] {strides = array<i32>} : memref<80xi32, #tpu.memory_space<vmem>>, vector<16xi32>,
      %get3A_1085 = vector.shape_cast %get3A_1084 : vector<16xi32> to vector<16xi32>
      %sub3A_1086 = vector.broadcast %mul3A_59 : i32 to vector<16xi32>
      %sub3A_1087 = arith.subi %get3A_1085, %sub3A_1086 : vector<16xi32>
      %ge3A_1088 = arith.constant 0 : i32
      %ge3A_1089 = vector.broadcast %ge3A_1088 : i32 to vector<16xi32>
      %ge3A_1090 = arith.cmpi sge, %sub3A_1087, %ge3A_1089 : vector<16xi32>
      %lt3A_1091 = arith.constant 5000 : i32
      %lt3A_1092 = vector.broadcast %lt3A_1091 : i32 to vector<16xi32>
      %lt3A_1093 = arith.cmpi slt, %sub3A_1087, %lt3A_1092 : vector<16xi32>
      %and3A_1094 = arith.andi %ge3A_1090, %lt3A_1093 : vector<16xi1>
      %select_n3A_1095 = arith.select %and3A_1094, %sub3A_1087, %add3A_62 : vector<16xi1>, vector<16xi32>
      %swap3A_1096 = arith.constant 16 : index
      %swap3A_1097 = tpu.vector_load %arg23[%swap3A_1096] {strides = array<i32>} : memref<80xi32, #tpu.memory_space<vmem>>, vector<16xi32>,
      %swap3A_1098 = vector.shape_cast %swap3A_1097 : vector<16xi32> to vector<16xi32>
      %swap3A_1099 = vector.shape_cast %select_n3A_1095 : vector<16xi32> to vector<16xi32>
      tpu.vector_store %arg23[%swap3A_1096], %swap3A_1099 {strides = array<i32>} : memref<80xi32, #tpu.memory_space<vmem>>, vector<16xi32>,
      %get3A_1100 = arith.constant 32 : index
      %get3A_1101 = tpu.vector_load %arg18[%get3A_1100] {strides = array<i32>} : memref<80xi32, #tpu.memory_space<vmem>>, vector<16xi32>,
      %get3A_1102 = vector.shape_cast %get3A_1101 : vector<16xi32> to vector<16xi32>
      %sub3A_1103 = vector.broadcast %mul3A_59 : i32 to vector<16xi32>
      %sub3A_1104 = arith.subi %get3A_1102, %sub3A_1103 : vector<16xi32>
      %ge3A_1105 = arith.constant 0 : i32
      %ge3A_1106 = vector.broadcast %ge3A_1105 : i32 to vector<16xi32>
      %ge3A_1107 = arith.cmpi sge, %sub3A_1104, %ge3A_1106 : vector<16xi32>
      %lt3A_1108 = arith.constant 5000 : i32
      %lt3A_1109 = vector.broadcast %lt3A_1108 : i32 to vector<16xi32>
      %lt3A_1110 = arith.cmpi slt, %sub3A_1104, %lt3A_1109 : vector<16xi32>
      %and3A_1111 = arith.andi %ge3A_1107, %lt3A_1110 : vector<16xi1>
      %select_n3A_1112 = arith.select %and3A_1111, %sub3A_1104, %add3A_62 : vector<16xi1>, vector<16xi32>
      %swap3A_1113 = arith.constant 32 : index
      %swap3A_1114 = tpu.vector_load %arg23[%swap3A_1113] {strides = array<i32>} : memref<80xi32, #tpu.memory_space<vmem>>, vector<16xi32>,
      %swap3A_1115 = vector.shape_cast %swap3A_1114 : vector<16xi32> to vector<16xi32>
      %swap3A_1116 = vector.shape_cast %select_n3A_1112 : vector<16xi32> to vector<16xi32>
      tpu.vector_store %arg23[%swap3A_1113], %swap3A_1116 {strides = array<i32>} : memref<80xi32, #tpu.memory_space<vmem>>, vector<16xi32>,
      %get3A_1117 = arith.constant 48 : index
      %get3A_1118 = tpu.vector_load %arg18[%get3A_1117] {strides = array<i32>} : memref<80xi32, #tpu.memory_space<vmem>>, vector<16xi32>,
      %get3A_1119 = vector.shape_cast %get3A_1118 : vector<16xi32> to vector<16xi32>
      %sub3A_1120 = vector.broadcast %mul3A_59 : i32 to vector<16xi32>
      %sub3A_1121 = arith.subi %get3A_1119, %sub3A_1120 : vector<16xi32>
      %ge3A_1122 = arith.constant 0 : i32
      %ge3A_1123 = vector.broadcast %ge3A_1122 : i32 to vector<16xi32>
      %ge3A_1124 = arith.cmpi sge, %sub3A_1121, %ge3A_1123 : vector<16xi32>
      %lt3A_1125 = arith.constant 5000 : i32
      %lt3A_1126 = vector.broadcast %lt3A_1125 : i32 to vector<16xi32>
      %lt3A_1127 = arith.cmpi slt, %sub3A_1121, %lt3A_1126 : vector<16xi32>
      %and3A_1128 = arith.andi %ge3A_1124, %lt3A_1127 : vector<16xi1>
      %select_n3A_1129 = arith.select %and3A_1128, %sub3A_1121, %add3A_62 : vector<16xi1>, vector<16xi32>
      %swap3A_1130 = arith.constant 48 : index
      %swap3A_1131 = tpu.vector_load %arg23[%swap3A_1130] {strides = array<i32>} : memref<80xi32, #tpu.memory_space<vmem>>, vector<16xi32>,
      %swap3A_1132 = vector.shape_cast %swap3A_1131 : vector<16xi32> to vector<16xi32>
      %swap3A_1133 = vector.shape_cast %select_n3A_1129 : vector<16xi32> to vector<16xi32>
      tpu.vector_store %arg23[%swap3A_1130], %swap3A_1133 {strides = array<i32>} : memref<80xi32, #tpu.memory_space<vmem>>, vector<16xi32>,
      %get3A_1134 = arith.constant 64 : index
      %get3A_1135 = tpu.vector_load %arg18[%get3A_1134] {strides = array<i32>} : memref<80xi32, #tpu.memory_space<vmem>>, vector<16xi32>,
      %get3A_1136 = vector.shape_cast %get3A_1135 : vector<16xi32> to vector<16xi32>
      %sub3A_1137 = vector.broadcast %mul3A_59 : i32 to vector<16xi32>
      %sub3A_1138 = arith.subi %get3A_1136, %sub3A_1137 : vector<16xi32>
      %ge3A_1139 = arith.constant 0 : i32
      %ge3A_1140 = vector.broadcast %ge3A_1139 : i32 to vector<16xi32>
      %ge3A_1141 = arith.cmpi sge, %sub3A_1138, %ge3A_1140 : vector<16xi32>
      %lt3A_1142 = arith.constant 5000 : i32
      %lt3A_1143 = vector.broadcast %lt3A_1142 : i32 to vector<16xi32>
      %lt3A_1144 = arith.cmpi slt, %sub3A_1138, %lt3A_1143 : vector<16xi32>
      %and3A_1145 = arith.andi %ge3A_1141, %lt3A_1144 : vector<16xi1>
      %select_n3A_1146 = arith.select %and3A_1145, %sub3A_1138, %add3A_62 : vector<16xi1>, vector<16xi32>
      %swap3A_1147 = arith.constant 64 : index
      %swap3A_1148 = tpu.vector_load %arg23[%swap3A_1147] {strides = array<i32>} : memref<80xi32, #tpu.memory_space<vmem>>, vector<16xi32>,
      %swap3A_1149 = vector.shape_cast %swap3A_1148 : vector<16xi32> to vector<16xi32>
      %swap3A_1150 = vector.shape_cast %select_n3A_1146 : vector<16xi32> to vector<16xi32>
      tpu.vector_store %arg23[%swap3A_1147], %swap3A_1150 {strides = array<i32>} : memref<80xi32, #tpu.memory_space<vmem>>, vector<16xi32>,
      %dma_wait3A_1151 = arith.constant 0 : i32
      %dma_wait3A_1152 = arith.constant 0 : i32
      %dma_wait3A_1153 = tpu.memref_slice %arg4[%arg1, %add3A_793, %dma_wait3A_1151, %dma_wait3A_1152] : memref<16x250x1x80xi32, #tpu.memory_space<hbm>> -> memref<1x1x1x80xi32, #tpu.memory_space<hbm>>
      %dma_wait3A_1154 = tpu.memref_squeeze %dma_wait3A_1153 : memref<1x1x1x80xi32, #tpu.memory_space<hbm>> -> memref<80xi32, #tpu.memory_space<hbm>>
      %dma_wait3A_1155 = arith.constant 0 : i32
      %dma_wait3A_1156 = tpu.memref_slice %arg4[%arg1, %add3A_793, %dma_wait3A_1151, %dma_wait3A_1155] : memref<16x250x1x80xi32, #tpu.memory_space<hbm>> -> memref<1x1x1x80xi32, #tpu.memory_space<hbm>>
      %dma_wait3A_1157 = tpu.memref_squeeze %dma_wait3A_1156 : memref<1x1x1x80xi32, #tpu.memory_space<hbm>> -> memref<80xi32, #tpu.memory_space<hbm>>
      tpu.wait_dma2 semaphore(%arg36 : memref<!tpu.dma_semaphore, #tpu.memory_space<semaphore_mem>>) src(%dma_wait3A_1157 : memref<80xi32, #tpu.memory_space<hbm>>) dst(%arg19 : memref<80xi32, #tpu.memory_space<vmem>>)
      %get3A_1158 = arith.constant 0 : index
      %get3A_1159 = tpu.vector_load %arg19[%get3A_1158] {strides = array<i32>} : memref<80xi32, #tpu.memory_space<vmem>>, vector<16xi32>,
      %get3A_1160 = vector.shape_cast %get3A_1159 : vector<16xi32> to vector<16xi32>
      %sub3A_1161 = vector.broadcast %mul3A_59 : i32 to vector<16xi32>
      %sub3A_1162 = arith.subi %get3A_1160, %sub3A_1161 : vector<16xi32>
      %ge3A_1163 = arith.constant 0 : i32
      %ge3A_1164 = vector.broadcast %ge3A_1163 : i32 to vector<16xi32>
      %ge3A_1165 = arith.cmpi sge, %sub3A_1162, %ge3A_1164 : vector<16xi32>
      %lt3A_1166 = arith.constant 5000 : i32
      %lt3A_1167 = vector.broadcast %lt3A_1166 : i32 to vector<16xi32>
      %lt3A_1168 = arith.cmpi slt, %sub3A_1162, %lt3A_1167 : vector<16xi32>
      %and3A_1169 = arith.andi %ge3A_1165, %lt3A_1168 : vector<16xi1>
      %select_n3A_1170 = arith.select %and3A_1169, %sub3A_1162, %add3A_62 : vector<16xi1>, vector<16xi32>
      %swap3A_1171 = arith.constant 0 : index
      %swap3A_1172 = tpu.vector_load %arg24[%swap3A_1171] {strides = array<i32>} : memref<80xi32, #tpu.memory_space<vmem>>, vector<16xi32>,
      %swap3A_1173 = vector.shape_cast %swap3A_1172 : vector<16xi32> to vector<16xi32>
      %swap3A_1174 = vector.shape_cast %select_n3A_1170 : vector<16xi32> to vector<16xi32>
      tpu.vector_store %arg24[%swap3A_1171], %swap3A_1174 {strides = array<i32>} : memref<80xi32, #tpu.memory_space<vmem>>, vector<16xi32>,
      %get3A_1175 = arith.constant 16 : index
      %get3A_1176 = tpu.vector_load %arg19[%get3A_1175] {strides = array<i32>} : memref<80xi32, #tpu.memory_space<vmem>>, vector<16xi32>,
      %get3A_1177 = vector.shape_cast %get3A_1176 : vector<16xi32> to vector<16xi32>
      %sub3A_1178 = vector.broadcast %mul3A_59 : i32 to vector<16xi32>
      %sub3A_1179 = arith.subi %get3A_1177, %sub3A_1178 : vector<16xi32>
      %ge3A_1180 = arith.constant 0 : i32
      %ge3A_1181 = vector.broadcast %ge3A_1180 : i32 to vector<16xi32>
      %ge3A_1182 = arith.cmpi sge, %sub3A_1179, %ge3A_1181 : vector<16xi32>
      %lt3A_1183 = arith.constant 5000 : i32
      %lt3A_1184 = vector.broadcast %lt3A_1183 : i32 to vector<16xi32>
      %lt3A_1185 = arith.cmpi slt, %sub3A_1179, %lt3A_1184 : vector<16xi32>
      %and3A_1186 = arith.andi %ge3A_1182, %lt3A_1185 : vector<16xi1>
      %select_n3A_1187 = arith.select %and3A_1186, %sub3A_1179, %add3A_62 : vector<16xi1>, vector<16xi32>
      %swap3A_1188 = arith.constant 16 : index
      %swap3A_1189 = tpu.vector_load %arg24[%swap3A_1188] {strides = array<i32>} : memref<80xi32, #tpu.memory_space<vmem>>, vector<16xi32>,
      %swap3A_1190 = vector.shape_cast %swap3A_1189 : vector<16xi32> to vector<16xi32>
      %swap3A_1191 = vector.shape_cast %select_n3A_1187 : vector<16xi32> to vector<16xi32>
      tpu.vector_store %arg24[%swap3A_1188], %swap3A_1191 {strides = array<i32>} : memref<80xi32, #tpu.memory_space<vmem>>, vector<16xi32>,
      %get3A_1192 = arith.constant 32 : index
      %get3A_1193 = tpu.vector_load %arg19[%get3A_1192] {strides = array<i32>} : memref<80xi32, #tpu.memory_space<vmem>>, vector<16xi32>,
      %get3A_1194 = vector.shape_cast %get3A_1193 : vector<16xi32> to vector<16xi32>
      %sub3A_1195 = vector.broadcast %mul3A_59 : i32 to vector<16xi32>
      %sub3A_1196 = arith.subi %get3A_1194, %sub3A_1195 : vector<16xi32>
      %ge3A_1197 = arith.constant 0 : i32
      %ge3A_1198 = vector.broadcast %ge3A_1197 : i32 to vector<16xi32>
      %ge3A_1199 = arith.cmpi sge, %sub3A_1196, %ge3A_1198 : vector<16xi32>
      %lt3A_1200 = arith.constant 5000 : i32
      %lt3A_1201 = vector.broadcast %lt3A_1200 : i32 to vector<16xi32>
      %lt3A_1202 = arith.cmpi slt, %sub3A_1196, %lt3A_1201 : vector<16xi32>
      %and3A_1203 = arith.andi %ge3A_1199, %lt3A_1202 : vector<16xi1>
      %select_n3A_1204 = arith.select %and3A_1203, %sub3A_1196, %add3A_62 : vector<16xi1>, vector<16xi32>
      %swap3A_1205 = arith.constant 32 : index
      %swap3A_1206 = tpu.vector_load %arg24[%swap3A_1205] {strides = array<i32>} : memref<80xi32, #tpu.memory_space<vmem>>, vector<16xi32>,
      %swap3A_1207 = vector.shape_cast %swap3A_1206 : vector<16xi32> to vector<16xi32>
      %swap3A_1208 = vector.shape_cast %select_n3A_1204 : vector<16xi32> to vector<16xi32>
      tpu.vector_store %arg24[%swap3A_1205], %swap3A_1208 {strides = array<i32>} : memref<80xi32, #tpu.memory_space<vmem>>, vector<16xi32>,
      %get3A_1209 = arith.constant 48 : index
      %get3A_1210 = tpu.vector_load %arg19[%get3A_1209] {strides = array<i32>} : memref<80xi32, #tpu.memory_space<vmem>>, vector<16xi32>,
      %get3A_1211 = vector.shape_cast %get3A_1210 : vector<16xi32> to vector<16xi32>
      %sub3A_1212 = vector.broadcast %mul3A_59 : i32 to vector<16xi32>
      %sub3A_1213 = arith.subi %get3A_1211, %sub3A_1212 : vector<16xi32>
      %ge3A_1214 = arith.constant 0 : i32
      %ge3A_1215 = vector.broadcast %ge3A_1214 : i32 to vector<16xi32>
      %ge3A_1216 = arith.cmpi sge, %sub3A_1213, %ge3A_1215 : vector<16xi32>
      %lt3A_1217 = arith.constant 5000 : i32
      %lt3A_1218 = vector.broadcast %lt3A_1217 : i32 to vector<16xi32>
      %lt3A_1219 = arith.cmpi slt, %sub3A_1213, %lt3A_1218 : vector<16xi32>
      %and3A_1220 = arith.andi %ge3A_1216, %lt3A_1219 : vector<16xi1>
      %select_n3A_1221 = arith.select %and3A_1220, %sub3A_1213, %add3A_62 : vector<16xi1>, vector<16xi32>
      %swap3A_1222 = arith.constant 48 : index
      %swap3A_1223 = tpu.vector_load %arg24[%swap3A_1222] {strides = array<i32>} : memref<80xi32, #tpu.memory_space<vmem>>, vector<16xi32>,
      %swap3A_1224 = vector.shape_cast %swap3A_1223 : vector<16xi32> to vector<16xi32>
      %swap3A_1225 = vector.shape_cast %select_n3A_1221 : vector<16xi32> to vector<16xi32>
      tpu.vector_store %arg24[%swap3A_1222], %swap3A_1225 {strides = array<i32>} : memref<80xi32, #tpu.memory_space<vmem>>, vector<16xi32>,
      %get3A_1226 = arith.constant 64 : index
      %get3A_1227 = tpu.vector_load %arg19[%get3A_1226] {strides = array<i32>} : memref<80xi32, #tpu.memory_space<vmem>>, vector<16xi32>,
      %get3A_1228 = vector.shape_cast %get3A_1227 : vector<16xi32> to vector<16xi32>
      %sub3A_1229 = vector.broadcast %mul3A_59 : i32 to vector<16xi32>
      %sub3A_1230 = arith.subi %get3A_1228, %sub3A_1229 : vector<16xi32>
      %ge3A_1231 = arith.constant 0 : i32
      %ge3A_1232 = vector.broadcast %ge3A_1231 : i32 to vector<16xi32>
      %ge3A_1233 = arith.cmpi sge, %sub3A_1230, %ge3A_1232 : vector<16xi32>
      %lt3A_1234 = arith.constant 5000 : i32
      %lt3A_1235 = vector.broadcast %lt3A_1234 : i32 to vector<16xi32>
      %lt3A_1236 = arith.cmpi slt, %sub3A_1230, %lt3A_1235 : vector<16xi32>
      %and3A_1237 = arith.andi %ge3A_1233, %lt3A_1236 : vector<16xi1>
      %select_n3A_1238 = arith.select %and3A_1237, %sub3A_1230, %add3A_62 : vector<16xi1>, vector<16xi32>
      %swap3A_1239 = arith.constant 64 : index
      %swap3A_1240 = tpu.vector_load %arg24[%swap3A_1239] {strides = array<i32>} : memref<80xi32, #tpu.memory_space<vmem>>, vector<16xi32>,
      %swap3A_1241 = vector.shape_cast %swap3A_1240 : vector<16xi32> to vector<16xi32>
      %swap3A_1242 = vector.shape_cast %select_n3A_1238 : vector<16xi32> to vector<16xi32>
      tpu.vector_store %arg24[%swap3A_1239], %swap3A_1242 {strides = array<i32>} : memref<80xi32, #tpu.memory_space<vmem>>, vector<16xi32>,
      %dma_wait3A_1243 = arith.constant 0 : i32
      %dma_wait3A_1244 = arith.constant 0 : i32
      %dma_wait3A_1245 = tpu.memref_slice %arg4[%arg1, %add3A_802, %dma_wait3A_1243, %dma_wait3A_1244] : memref<16x250x1x80xi32, #tpu.memory_space<hbm>> -> memref<1x1x1x80xi32, #tpu.memory_space<hbm>>
      %dma_wait3A_1246 = tpu.memref_squeeze %dma_wait3A_1245 : memref<1x1x1x80xi32, #tpu.memory_space<hbm>> -> memref<80xi32, #tpu.memory_space<hbm>>
      %dma_wait3A_1247 = arith.constant 0 : i32
      %dma_wait3A_1248 = tpu.memref_slice %arg4[%arg1, %add3A_802, %dma_wait3A_1243, %dma_wait3A_1247] : memref<16x250x1x80xi32, #tpu.memory_space<hbm>> -> memref<1x1x1x80xi32, #tpu.memory_space<hbm>>
      %dma_wait3A_1249 = tpu.memref_squeeze %dma_wait3A_1248 : memref<1x1x1x80xi32, #tpu.memory_space<hbm>> -> memref<80xi32, #tpu.memory_space<hbm>>
      tpu.wait_dma2 semaphore(%arg37 : memref<!tpu.dma_semaphore, #tpu.memory_space<semaphore_mem>>) src(%dma_wait3A_1249 : memref<80xi32, #tpu.memory_space<hbm>>) dst(%arg20 : memref<80xi32, #tpu.memory_space<vmem>>)
      %get3A_1250 = arith.constant 0 : index
      %get3A_1251 = tpu.vector_load %arg20[%get3A_1250] {strides = array<i32>} : memref<80xi32, #tpu.memory_space<vmem>>, vector<16xi32>,
      %get3A_1252 = vector.shape_cast %get3A_1251 : vector<16xi32> to vector<16xi32>
      %sub3A_1253 = vector.broadcast %mul3A_59 : i32 to vector<16xi32>
      %sub3A_1254 = arith.subi %get3A_1252, %sub3A_1253 : vector<16xi32>
      %ge3A_1255 = arith.constant 0 : i32
      %ge3A_1256 = vector.broadcast %ge3A_1255 : i32 to vector<16xi32>
      %ge3A_1257 = arith.cmpi sge, %sub3A_1254, %ge3A_1256 : vector<16xi32>
      %lt3A_1258 = arith.constant 5000 : i32
      %lt3A_1259 = vector.broadcast %lt3A_1258 : i32 to vector<16xi32>
      %lt3A_1260 = arith.cmpi slt, %sub3A_1254, %lt3A_1259 : vector<16xi32>
      %and3A_1261 = arith.andi %ge3A_1257, %lt3A_1260 : vector<16xi1>
      %select_n3A_1262 = arith.select %and3A_1261, %sub3A_1254, %add3A_62 : vector<16xi1>, vector<16xi32>
      %swap3A_1263 = arith.constant 0 : index
      %swap3A_1264 = tpu.vector_load %arg25[%swap3A_1263] {strides = array<i32>} : memref<80xi32, #tpu.memory_space<vmem>>, vector<16xi32>,
      %swap3A_1265 = vector.shape_cast %swap3A_1264 : vector<16xi32> to vector<16xi32>
      %swap3A_1266 = vector.shape_cast %select_n3A_1262 : vector<16xi32> to vector<16xi32>
      tpu.vector_store %arg25[%swap3A_1263], %swap3A_1266 {strides = array<i32>} : memref<80xi32, #tpu.memory_space<vmem>>, vector<16xi32>,
      %get3A_1267 = arith.constant 16 : index
      %get3A_1268 = tpu.vector_load %arg20[%get3A_1267] {strides = array<i32>} : memref<80xi32, #tpu.memory_space<vmem>>, vector<16xi32>,
      %get3A_1269 = vector.shape_cast %get3A_1268 : vector<16xi32> to vector<16xi32>
      %sub3A_1270 = vector.broadcast %mul3A_59 : i32 to vector<16xi32>
      %sub3A_1271 = arith.subi %get3A_1269, %sub3A_1270 : vector<16xi32>
      %ge3A_1272 = arith.constant 0 : i32
      %ge3A_1273 = vector.broadcast %ge3A_1272 : i32 to vector<16xi32>
      %ge3A_1274 = arith.cmpi sge, %sub3A_1271, %ge3A_1273 : vector<16xi32>
      %lt3A_1275 = arith.constant 5000 : i32
      %lt3A_1276 = vector.broadcast %lt3A_1275 : i32 to vector<16xi32>
      %lt3A_1277 = arith.cmpi slt, %sub3A_1271, %lt3A_1276 : vector<16xi32>
      %and3A_1278 = arith.andi %ge3A_1274, %lt3A_1277 : vector<16xi1>
      %select_n3A_1279 = arith.select %and3A_1278, %sub3A_1271, %add3A_62 : vector<16xi1>, vector<16xi32>
      %swap3A_1280 = arith.constant 16 : index
      %swap3A_1281 = tpu.vector_load %arg25[%swap3A_1280] {strides = array<i32>} : memref<80xi32, #tpu.memory_space<vmem>>, vector<16xi32>,
      %swap3A_1282 = vector.shape_cast %swap3A_1281 : vector<16xi32> to vector<16xi32>
      %swap3A_1283 = vector.shape_cast %select_n3A_1279 : vector<16xi32> to vector<16xi32>
      tpu.vector_store %arg25[%swap3A_1280], %swap3A_1283 {strides = array<i32>} : memref<80xi32, #tpu.memory_space<vmem>>, vector<16xi32>,
      %get3A_1284 = arith.constant 32 : index
      %get3A_1285 = tpu.vector_load %arg20[%get3A_1284] {strides = array<i32>} : memref<80xi32, #tpu.memory_space<vmem>>, vector<16xi32>,
      %get3A_1286 = vector.shape_cast %get3A_1285 : vector<16xi32> to vector<16xi32>
      %sub3A_1287 = vector.broadcast %mul3A_59 : i32 to vector<16xi32>
      %sub3A_1288 = arith.subi %get3A_1286, %sub3A_1287 : vector<16xi32>
      %ge3A_1289 = arith.constant 0 : i32
      %ge3A_1290 = vector.broadcast %ge3A_1289 : i32 to vector<16xi32>
      %ge3A_1291 = arith.cmpi sge, %sub3A_1288, %ge3A_1290 : vector<16xi32>
      %lt3A_1292 = arith.constant 5000 : i32
      %lt3A_1293 = vector.broadcast %lt3A_1292 : i32 to vector<16xi32>
      %lt3A_1294 = arith.cmpi slt, %sub3A_1288, %lt3A_1293 : vector<16xi32>
      %and3A_1295 = arith.andi %ge3A_1291, %lt3A_1294 : vector<16xi1>
      %select_n3A_1296 = arith.select %and3A_1295, %sub3A_1288, %add3A_62 : vector<16xi1>, vector<16xi32>
      %swap3A_1297 = arith.constant 32 : index
      %swap3A_1298 = tpu.vector_load %arg25[%swap3A_1297] {strides = array<i32>} : memref<80xi32, #tpu.memory_space<vmem>>, vector<16xi32>,
      %swap3A_1299 = vector.shape_cast %swap3A_1298 : vector<16xi32> to vector<16xi32>
      %swap3A_1300 = vector.shape_cast %select_n3A_1296 : vector<16xi32> to vector<16xi32>
      tpu.vector_store %arg25[%swap3A_1297], %swap3A_1300 {strides = array<i32>} : memref<80xi32, #tpu.memory_space<vmem>>, vector<16xi32>,
      %get3A_1301 = arith.constant 48 : index
      %get3A_1302 = tpu.vector_load %arg20[%get3A_1301] {strides = array<i32>} : memref<80xi32, #tpu.memory_space<vmem>>, vector<16xi32>,
      %get3A_1303 = vector.shape_cast %get3A_1302 : vector<16xi32> to vector<16xi32>
      %sub3A_1304 = vector.broadcast %mul3A_59 : i32 to vector<16xi32>
      %sub3A_1305 = arith.subi %get3A_1303, %sub3A_1304 : vector<16xi32>
      %ge3A_1306 = arith.constant 0 : i32
      %ge3A_1307 = vector.broadcast %ge3A_1306 : i32 to vector<16xi32>
      %ge3A_1308 = arith.cmpi sge, %sub3A_1305, %ge3A_1307 : vector<16xi32>
      %lt3A_1309 = arith.constant 5000 : i32
      %lt3A_1310 = vector.broadcast %lt3A_1309 : i32 to vector<16xi32>
      %lt3A_1311 = arith.cmpi slt, %sub3A_1305, %lt3A_1310 : vector<16xi32>
      %and3A_1312 = arith.andi %ge3A_1308, %lt3A_1311 : vector<16xi1>
      %select_n3A_1313 = arith.select %and3A_1312, %sub3A_1305, %add3A_62 : vector<16xi1>, vector<16xi32>
      %swap3A_1314 = arith.constant 48 : index
      %swap3A_1315 = tpu.vector_load %arg25[%swap3A_1314] {strides = array<i32>} : memref<80xi32, #tpu.memory_space<vmem>>, vector<16xi32>,
      %swap3A_1316 = vector.shape_cast %swap3A_1315 : vector<16xi32> to vector<16xi32>
      %swap3A_1317 = vector.shape_cast %select_n3A_1313 : vector<16xi32> to vector<16xi32>
      tpu.vector_store %arg25[%swap3A_1314], %swap3A_1317 {strides = array<i32>} : memref<80xi32, #tpu.memory_space<vmem>>, vector<16xi32>,
      %get3A_1318 = arith.constant 64 : index
      %get3A_1319 = tpu.vector_load %arg20[%get3A_1318] {strides = array<i32>} : memref<80xi32, #tpu.memory_space<vmem>>, vector<16xi32>,
      %get3A_1320 = vector.shape_cast %get3A_1319 : vector<16xi32> to vector<16xi32>
      %sub3A_1321 = vector.broadcast %mul3A_59 : i32 to vector<16xi32>
      %sub3A_1322 = arith.subi %get3A_1320, %sub3A_1321 : vector<16xi32>
      %ge3A_1323 = arith.constant 0 : i32
      %ge3A_1324 = vector.broadcast %ge3A_1323 : i32 to vector<16xi32>
      %ge3A_1325 = arith.cmpi sge, %sub3A_1322, %ge3A_1324 : vector<16xi32>
      %lt3A_1326 = arith.constant 5000 : i32
      %lt3A_1327 = vector.broadcast %lt3A_1326 : i32 to vector<16xi32>
      %lt3A_1328 = arith.cmpi slt, %sub3A_1322, %lt3A_1327 : vector<16xi32>
      %and3A_1329 = arith.andi %ge3A_1325, %lt3A_1328 : vector<16xi1>
      %select_n3A_1330 = arith.select %and3A_1329, %sub3A_1322, %add3A_62 : vector<16xi1>, vector<16xi32>
      %swap3A_1331 = arith.constant 64 : index
      %swap3A_1332 = tpu.vector_load %arg25[%swap3A_1331] {strides = array<i32>} : memref<80xi32, #tpu.memory_space<vmem>>, vector<16xi32>,
      %swap3A_1333 = vector.shape_cast %swap3A_1332 : vector<16xi32> to vector<16xi32>
      %swap3A_1334 = vector.shape_cast %select_n3A_1330 : vector<16xi32> to vector<16xi32>
      tpu.vector_store %arg25[%swap3A_1331], %swap3A_1334 {strides = array<i32>} : memref<80xi32, #tpu.memory_space<vmem>>, vector<16xi32>,
      %dma_wait3A_1335 = arith.constant 0 : i32
      %dma_wait3A_1336 = arith.constant 0 : i32
      %dma_wait3A_1337 = tpu.memref_slice %arg2[%dma_wait3A_1335, %dma_wait3A_1336] : memref<10000x128xf32, #tpu.memory_space<hbm>> -> memref<10000x128xf32, #tpu.memory_space<hbm>>
      tpu.wait_indirect_dma semaphore(%arg38 : memref<!tpu.dma_semaphore, #tpu.memory_space<semaphore_mem>>) src(%dma_wait3A_1337 : memref<10000x128xf32, #tpu.memory_space<hbm>>) dst(%arg6 : memref<80x128xf32, #tpu.memory_space<vmem>>)
      %dma_start3A_1338 = arith.constant 0 : i32
      %dma_start3A_1339 = arith.constant 0 : i32
      %dma_start3A_1340 = tpu.memref_slice %arg27[%dma_start3A_1338, %dma_start3A_1339] : memref<5016x128xf32, #tpu.memory_space<vmem_shared>> -> memref<5016x128xf32, #tpu.memory_space<vmem_shared>>
      tpu.enqueue_indirect_dma source(%arg6 : memref<80x128xf32, #tpu.memory_space<vmem>>) target(%dma_start3A_1340 : memref<5016x128xf32, #tpu.memory_space<vmem_shared>>) offsets(%arg21 : memref<80xi32, #tpu.memory_space<vmem>>) semaphore(%arg43 : memref<!tpu.dma_semaphore, #tpu.memory_space<semaphore_mem>>) {add = true}
      %dma_wait3A_1341 = arith.constant 0 : i32
      %dma_wait3A_1342 = arith.constant 0 : i32
      %dma_wait3A_1343 = tpu.memref_slice %arg2[%dma_wait3A_1341, %dma_wait3A_1342] : memref<10000x128xf32, #tpu.memory_space<hbm>> -> memref<10000x128xf32, #tpu.memory_space<hbm>>
      tpu.wait_indirect_dma semaphore(%arg39 : memref<!tpu.dma_semaphore, #tpu.memory_space<semaphore_mem>>) src(%dma_wait3A_1343 : memref<10000x128xf32, #tpu.memory_space<hbm>>) dst(%arg7 : memref<80x128xf32, #tpu.memory_space<vmem>>)
      %dma_start3A_1344 = arith.constant 0 : i32
      %dma_start3A_1345 = arith.constant 0 : i32
      %dma_start3A_1346 = tpu.memref_slice %arg27[%dma_start3A_1344, %dma_start3A_1345] : memref<5016x128xf32, #tpu.memory_space<vmem_shared>> -> memref<5016x128xf32, #tpu.memory_space<vmem_shared>>
      tpu.enqueue_indirect_dma source(%arg7 : memref<80x128xf32, #tpu.memory_space<vmem>>) target(%dma_start3A_1346 : memref<5016x128xf32, #tpu.memory_space<vmem_shared>>) offsets(%arg22 : memref<80xi32, #tpu.memory_space<vmem>>) semaphore(%arg44 : memref<!tpu.dma_semaphore, #tpu.memory_space<semaphore_mem>>) {add = true}
      %dma_wait3A_1347 = arith.constant 0 : i32
      %dma_wait3A_1348 = arith.constant 0 : i32
      %dma_wait3A_1349 = tpu.memref_slice %arg2[%dma_wait3A_1347, %dma_wait3A_1348] : memref<10000x128xf32, #tpu.memory_space<hbm>> -> memref<10000x128xf32, #tpu.memory_space<hbm>>
      tpu.wait_indirect_dma semaphore(%arg40 : memref<!tpu.dma_semaphore, #tpu.memory_space<semaphore_mem>>) src(%dma_wait3A_1349 : memref<10000x128xf32, #tpu.memory_space<hbm>>) dst(%arg8 : memref<80x128xf32, #tpu.memory_space<vmem>>)
      %dma_start3A_1350 = arith.constant 0 : i32
      %dma_start3A_1351 = arith.constant 0 : i32
      %dma_start3A_1352 = tpu.memref_slice %arg27[%dma_start3A_1350, %dma_start3A_1351] : memref<5016x128xf32, #tpu.memory_space<vmem_shared>> -> memref<5016x128xf32, #tpu.memory_space<vmem_shared>>
      tpu.enqueue_indirect_dma source(%arg8 : memref<80x128xf32, #tpu.memory_space<vmem>>) target(%dma_start3A_1352 : memref<5016x128xf32, #tpu.memory_space<vmem_shared>>) offsets(%arg23 : memref<80xi32, #tpu.memory_space<vmem>>) semaphore(%arg45 : memref<!tpu.dma_semaphore, #tpu.memory_space<semaphore_mem>>) {add = true}
      %dma_wait3A_1353 = arith.constant 0 : i32
      %dma_wait3A_1354 = arith.constant 0 : i32
      %dma_wait3A_1355 = tpu.memref_slice %arg2[%dma_wait3A_1353, %dma_wait3A_1354] : memref<10000x128xf32, #tpu.memory_space<hbm>> -> memref<10000x128xf32, #tpu.memory_space<hbm>>
      tpu.wait_indirect_dma semaphore(%arg41 : memref<!tpu.dma_semaphore, #tpu.memory_space<semaphore_mem>>) src(%dma_wait3A_1355 : memref<10000x128xf32, #tpu.memory_space<hbm>>) dst(%arg9 : memref<80x128xf32, #tpu.memory_space<vmem>>)
      %dma_start3A_1356 = arith.constant 0 : i32
      %dma_start3A_1357 = arith.constant 0 : i32
      %dma_start3A_1358 = tpu.memref_slice %arg27[%dma_start3A_1356, %dma_start3A_1357] : memref<5016x128xf32, #tpu.memory_space<vmem_shared>> -> memref<5016x128xf32, #tpu.memory_space<vmem_shared>>
      tpu.enqueue_indirect_dma source(%arg9 : memref<80x128xf32, #tpu.memory_space<vmem>>) target(%dma_start3A_1358 : memref<5016x128xf32, #tpu.memory_space<vmem_shared>>) offsets(%arg24 : memref<80xi32, #tpu.memory_space<vmem>>) semaphore(%arg46 : memref<!tpu.dma_semaphore, #tpu.memory_space<semaphore_mem>>) {add = true}
      %dma_wait3A_1359 = arith.constant 0 : i32
      %dma_wait3A_1360 = arith.constant 0 : i32
      %dma_wait3A_1361 = tpu.memref_slice %arg2[%dma_wait3A_1359, %dma_wait3A_1360] : memref<10000x128xf32, #tpu.memory_space<hbm>> -> memref<10000x128xf32, #tpu.memory_space<hbm>>
      tpu.wait_indirect_dma semaphore(%arg42 : memref<!tpu.dma_semaphore, #tpu.memory_space<semaphore_mem>>) src(%dma_wait3A_1361 : memref<10000x128xf32, #tpu.memory_space<hbm>>) dst(%arg10 : memref<80x128xf32, #tpu.memory_space<vmem>>)
      %dma_start3A_1362 = arith.constant 0 : i32
      %dma_start3A_1363 = arith.constant 0 : i32
      %dma_start3A_1364 = tpu.memref_slice %arg27[%dma_start3A_1362, %dma_start3A_1363] : memref<5016x128xf32, #tpu.memory_space<vmem_shared>> -> memref<5016x128xf32, #tpu.memory_space<vmem_shared>>
      tpu.enqueue_indirect_dma source(%arg10 : memref<80x128xf32, #tpu.memory_space<vmem>>) target(%dma_start3A_1364 : memref<5016x128xf32, #tpu.memory_space<vmem_shared>>) offsets(%arg25 : memref<80xi32, #tpu.memory_space<vmem>>) semaphore(%arg47 : memref<!tpu.dma_semaphore, #tpu.memory_space<semaphore_mem>>) {add = true}
      %scan3A_1365 = arith.constant 0 : i32
      scf.yield %scan3A_1365 : i32
    }
    %scan3A_690 = arith.constant 49 : i32
    %dma_wait3A_691 = arith.constant 0 : i32
    %dma_wait3A_692 = arith.constant 0 : i32
    %dma_wait3A_693 = tpu.memref_slice %arg27[%dma_wait3A_691, %dma_wait3A_692] : memref<5016x128xf32, #tpu.memory_space<vmem_shared>> -> memref<5016x128xf32, #tpu.memory_space<vmem_shared>>
    tpu.wait_indirect_dma semaphore(%arg43 : memref<!tpu.dma_semaphore, #tpu.memory_space<semaphore_mem>>) src(%arg6 : memref<80x128xf32, #tpu.memory_space<vmem>>) dst(%dma_wait3A_693 : memref<5016x128xf32, #tpu.memory_space<vmem_shared>>)
    %dma_wait3A_694 = arith.constant 0 : i32
    %dma_wait3A_695 = arith.constant 0 : i32
    %dma_wait3A_696 = tpu.memref_slice %arg27[%dma_wait3A_694, %dma_wait3A_695] : memref<5016x128xf32, #tpu.memory_space<vmem_shared>> -> memref<5016x128xf32, #tpu.memory_space<vmem_shared>>
    tpu.wait_indirect_dma semaphore(%arg44 : memref<!tpu.dma_semaphore, #tpu.memory_space<semaphore_mem>>) src(%arg7 : memref<80x128xf32, #tpu.memory_space<vmem>>) dst(%dma_wait3A_696 : memref<5016x128xf32, #tpu.memory_space<vmem_shared>>)
    %dma_wait3A_697 = arith.constant 0 : i32
    %dma_wait3A_698 = arith.constant 0 : i32
    %dma_wait3A_699 = tpu.memref_slice %arg27[%dma_wait3A_697, %dma_wait3A_698] : memref<5016x128xf32, #tpu.memory_space<vmem_shared>> -> memref<5016x128xf32, #tpu.memory_space<vmem_shared>>
    tpu.wait_indirect_dma semaphore(%arg45 : memref<!tpu.dma_semaphore, #tpu.memory_space<semaphore_mem>>) src(%arg8 : memref<80x128xf32, #tpu.memory_space<vmem>>) dst(%dma_wait3A_699 : memref<5016x128xf32, #tpu.memory_space<vmem_shared>>)
    %dma_wait3A_700 = arith.constant 0 : i32
    %dma_wait3A_701 = arith.constant 0 : i32
    %dma_wait3A_702 = tpu.memref_slice %arg27[%dma_wait3A_700, %dma_wait3A_701] : memref<5016x128xf32, #tpu.memory_space<vmem_shared>> -> memref<5016x128xf32, #tpu.memory_space<vmem_shared>>
    tpu.wait_indirect_dma semaphore(%arg46 : memref<!tpu.dma_semaphore, #tpu.memory_space<semaphore_mem>>) src(%arg9 : memref<80x128xf32, #tpu.memory_space<vmem>>) dst(%dma_wait3A_702 : memref<5016x128xf32, #tpu.memory_space<vmem_shared>>)
    %dma_wait3A_703 = arith.constant 0 : i32
    %dma_wait3A_704 = arith.constant 0 : i32
    %dma_wait3A_705 = tpu.memref_slice %arg27[%dma_wait3A_703, %dma_wait3A_704] : memref<5016x128xf32, #tpu.memory_space<vmem_shared>> -> memref<5016x128xf32, #tpu.memory_space<vmem_shared>>
    tpu.wait_indirect_dma semaphore(%arg47 : memref<!tpu.dma_semaphore, #tpu.memory_space<semaphore_mem>>) src(%arg10 : memref<80x128xf32, #tpu.memory_space<vmem>>) dst(%dma_wait3A_705 : memref<5016x128xf32, #tpu.memory_space<vmem_shared>>)
    %barrier3A_706 = arith.constant 0 : index
    tpu.barrier barrier_id(%barrier3A_706)
    %mul3A_707 = arith.constant 312 : i32
    %mul3A_708 = arith.muli %arg1, %mul3A_707 : i32
    %mul3A_709 = arith.constant 312 : i32
    %mul3A_710 = arith.muli %arg1, %mul3A_709 : i32
    "tpu.region"() ({
      %run_scoped3A = tpu.sem_alloc : memref<!tpu.dma_semaphore, #tpu.memory_space<semaphore_mem>>
      %dma_start3A_716 = arith.constant 0 : i32
      %dma_start3A_717 = tpu.memref_slice %arg5[%arg0, %mul3A_710, %dma_start3A_716] : memref<2x5000x128xf32, #tpu.memory_space<hbm>> -> memref<1x312x128xf32, #tpu.memory_space<hbm>>
      %dma_start3A_718 = tpu.memref_squeeze %dma_start3A_717 : memref<1x312x128xf32, #tpu.memory_space<hbm>> -> memref<312x128xf32, #tpu.memory_space<hbm>>
      %dma_start3A_719 = arith.constant 0 : i32
      %dma_start3A_720 = tpu.memref_slice %arg27[%mul3A_708, %dma_start3A_719] : memref<5016x128xf32, #tpu.memory_space<vmem_shared>> -> memref<312x128xf32, #tpu.memory_space<vmem_shared>>
      tpu.enqueue_dma source(%dma_start3A_720 : memref<312x128xf32, #tpu.memory_space<vmem_shared>>) target(%dma_start3A_718 : memref<312x128xf32, #tpu.memory_space<hbm>>) target_semaphore(%run_scoped3A : memref<!tpu.dma_semaphore, #tpu.memory_space<semaphore_mem>>)
      %dma_wait3A_721 = arith.constant 0 : i32
      %dma_wait3A_722 = tpu.memref_slice %arg5[%arg0, %mul3A_710, %dma_wait3A_721] : memref<2x5000x128xf32, #tpu.memory_space<hbm>> -> memref<1x312x128xf32, #tpu.memory_space<hbm>>
      %dma_wait3A_723 = tpu.memref_squeeze %dma_wait3A_722 : memref<1x312x128xf32, #tpu.memory_space<hbm>> -> memref<312x128xf32, #tpu.memory_space<hbm>>
      %dma_wait3A_724 = arith.constant 0 : i32
      %dma_wait3A_725 = tpu.memref_slice %arg27[%mul3A_708, %dma_wait3A_724] : memref<5016x128xf32, #tpu.memory_space<vmem_shared>> -> memref<312x128xf32, #tpu.memory_space<vmem_shared>>
      tpu.wait_dma2 semaphore(%run_scoped3A : memref<!tpu.dma_semaphore, #tpu.memory_space<semaphore_mem>>) src(%dma_wait3A_725 : memref<312x128xf32, #tpu.memory_space<vmem_shared>>) dst(%dma_wait3A_723 : memref<312x128xf32, #tpu.memory_space<hbm>>)
      tpu.yield
    }) : () -> ()
    %eq3A_711 = arith.constant 0 : i32
    %eq3A_712 = arith.cmpi eq, %arg1, %eq3A_711 : i32
    %convert_element_type3A_713 = arith.extui %eq3A_712 : i1 to i32
    %cond3A_714 = arith.constant 0 : i32
    %cond3A_715 = arith.cmpi ne, %convert_element_type3A_713, %cond3A_714 : i32
    scf.if %cond3A_715 {
      "tpu.region"() ({
        %run_scoped3A = tpu.sem_alloc : memref<!tpu.dma_semaphore, #tpu.memory_space<semaphore_mem>>
        %dma_start3A_716 = arith.constant 4992 : i32
        %dma_start3A_717 = arith.constant 0 : i32
        %dma_start3A_718 = tpu.memref_slice %arg5[%arg0, %dma_start3A_716, %dma_start3A_717] : memref<2x5000x128xf32, #tpu.memory_space<hbm>> -> memref<1x8x128xf32, #tpu.memory_space<hbm>>
        %dma_start3A_719 = tpu.memref_squeeze %dma_start3A_718 : memref<1x8x128xf32, #tpu.memory_space<hbm>> -> memref<8x128xf32, #tpu.memory_space<hbm>>
        %dma_start3A_720 = arith.constant 4992 : i32
        %dma_start3A_721 = arith.constant 0 : i32
        %dma_start3A_722 = tpu.memref_slice %arg27[%dma_start3A_720, %dma_start3A_721] : memref<5016x128xf32, #tpu.memory_space<vmem_shared>> -> memref<8x128xf32, #tpu.memory_space<vmem_shared>>
        tpu.enqueue_dma source(%dma_start3A_722 : memref<8x128xf32, #tpu.memory_space<vmem_shared>>) target(%dma_start3A_719 : memref<8x128xf32, #tpu.memory_space<hbm>>) target_semaphore(%run_scoped3A : memref<!tpu.dma_semaphore, #tpu.memory_space<semaphore_mem>>)
        %dma_wait3A_723 = arith.constant 4992 : i32
        %dma_wait3A_724 = arith.constant 0 : i32
        %dma_wait3A_725 = tpu.memref_slice %arg5[%arg0, %dma_wait3A_723, %dma_wait3A_724] : memref<2x5000x128xf32, #tpu.memory_space<hbm>> -> memref<1x8x128xf32, #tpu.memory_space<hbm>>
        %dma_wait3A_726 = tpu.memref_squeeze %dma_wait3A_725 : memref<1x8x128xf32, #tpu.memory_space<hbm>> -> memref<8x128xf32, #tpu.memory_space<hbm>>
        %dma_wait3A_727 = arith.constant 4992 : i32
        %dma_wait3A_728 = arith.constant 0 : i32
        %dma_wait3A_729 = tpu.memref_slice %arg27[%dma_wait3A_727, %dma_wait3A_728] : memref<5016x128xf32, #tpu.memory_space<vmem_shared>> -> memref<8x128xf32, #tpu.memory_space<vmem_shared>>
        tpu.wait_dma2 semaphore(%run_scoped3A : memref<!tpu.dma_semaphore, #tpu.memory_space<semaphore_mem>>) src(%dma_wait3A_729 : memref<8x128xf32, #tpu.memory_space<vmem_shared>>) dst(%dma_wait3A_726 : memref<8x128xf32, #tpu.memory_space<hbm>>)
        tpu.yield
      }) : () -> ()
    } else {
    }
    return
  }
}

module attributes {stable_mosaic.version = 14 : i64} {
  func.func @body(%arg0: i32, %arg1: i32, %arg2: memref<2000x1024xf32, #tpu.memory_space<vmem>>, %arg3: memref<1024x128xf32, #tpu.memory_space<vmem>>, %arg4: memref<1x1024xf32, #tpu.memory_space<vmem>>, %arg5: memref<2000x2xf32, #tpu.memory_space<vmem>>, %arg6: memref<2000x128xf32, #tpu.memory_space<vmem>>, %arg7: memref<2000x1xf32, #tpu.memory_space<vmem>>, %arg8: memref<2000x128xf32, #tpu.memory_space<vmem>>) attributes {dimension_semantics = [#tpu.dimension_semantics<arbitrary>, #tpu.dimension_semantics<arbitrary>], iteration_bounds = array<i64: 5, 15>, scalar_prefetch = 0 : i64, scratch_operands = 1 : i64, tpu.core_type = #tpu.core_type<tc>, window_params = [{transform_indices = @transform_0, window_bounds = array<i64: 2000, 1024>}, {transform_indices = @transform_1, window_bounds = array<i64: 1024, 128>}, {transform_indices = @transform_2, window_bounds = array<i64: 1, 1024>}, {transform_indices = @transform_3, window_bounds = array<i64: 2000, 2>}, {transform_indices = @transform_4, window_bounds = array<i64: 2000, 128>}, {transform_indices = @transform_5, window_bounds = array<i64: 2000, 1>}]} {
    %eq3A = arith.constant 0 : i32
    %eq3A_0 = arith.cmpi eq, %arg1, %eq3A : i32
    %convert_element_type3A = arith.extui %eq3A_0 : i1 to i32
    %cond3A = arith.constant 0 : i32
    %cond3A_1 = arith.cmpi ne, %convert_element_type3A, %cond3A : i32
    scf.if %cond3A_1 {
      %broadcast_in_dim3A = arith.constant 0.000000e+00 : f32
      %broadcast_in_dim3A_16 = vector.broadcast %broadcast_in_dim3A : f32 to vector<2000x128xf32>
      %swap3A = arith.constant 0 : index
      %swap3A_17 = arith.constant 0 : index
      %swap3A_18 = vector.load %arg8[%swap3A, %swap3A_17] : memref<2000x128xf32, #tpu.memory_space<vmem>>, vector<2000x128xf32>
      tpu.vector_store %arg8[%swap3A, %swap3A_17], %broadcast_in_dim3A_16 {strides = array<i32>} : memref<2000x128xf32, #tpu.memory_space<vmem>>, vector<2000x128xf32>,
    } else {
    }
    %lt3A = arith.constant 14 : i32
    %lt3A_2 = arith.cmpi slt, %arg1, %lt3A : i32
    %convert_element_type3A_3 = arith.extui %lt3A_2 : i1 to i32
    %cond3A_4 = arith.constant 0 : i32
    %cond3A_5 = arith.cmpi ne, %convert_element_type3A_3, %cond3A_4 : i32
    scf.if %cond3A_5 {
      %get3A = arith.constant 0 : index
      %get3A_16 = arith.constant 0 : index
      %get3A_17 = vector.load %arg8[%get3A, %get3A_16] : memref<2000x128xf32, #tpu.memory_space<vmem>>, vector<2000x128xf32>
      %get3A_18 = arith.constant 0 : index
      %get3A_19 = arith.constant 0 : index
      %get3A_20 = vector.load %arg2[%get3A_18, %get3A_19] : memref<2000x1024xf32, #tpu.memory_space<vmem>>, vector<2000x1024xf32>
      %get3A_21 = arith.constant 0 : index
      %get3A_22 = arith.constant 0 : index
      %get3A_23 = vector.load %arg3[%get3A_21, %get3A_22] : memref<1024x128xf32, #tpu.memory_space<vmem>>, vector<1024x128xf32>
      %dot_general3A = arith.constant dense<0.000000e+00> : vector<2000x128xf32>
      %dot_general3A_24 = tpu.matmul %get3A_20, %get3A_23, %dot_general3A {dimension_numbers = #tpu.dot_dimension_numbers<[1], [0], [0], [1], [0, 0, 1, 1], [], []>, transpose_lhs_hint = false} : vector<2000x1024xf32>, vector<1024x128xf32>, vector<2000x128xf32> -> vector<2000x128xf32>
      %add3A = arith.addf %get3A_17, %dot_general3A_24 : vector<2000x128xf32>
      %swap3A = arith.constant 0 : index
      %swap3A_25 = arith.constant 0 : index
      %swap3A_26 = vector.load %arg8[%swap3A, %swap3A_25] : memref<2000x128xf32, #tpu.memory_space<vmem>>, vector<2000x128xf32>
      tpu.vector_store %arg8[%swap3A, %swap3A_25], %add3A {strides = array<i32>} : memref<2000x128xf32, #tpu.memory_space<vmem>>, vector<2000x128xf32>,
    } else {
    }
    %eq3A_6 = arith.constant 14 : i32
    %eq3A_7 = arith.cmpi eq, %arg1, %eq3A_6 : i32
    %convert_element_type3A_8 = arith.extui %eq3A_7 : i1 to i32
    %cond3A_9 = arith.constant 0 : i32
    %cond3A_10 = arith.cmpi ne, %convert_element_type3A_8, %cond3A_9 : i32
    scf.if %cond3A_10 {
      %get3A = arith.constant 0 : index
      %get3A_16 = arith.constant 0 : index
      %get3A_17 = vector.load %arg2[%get3A, %get3A_16] : memref<2000x1024xf32, #tpu.memory_space<vmem>>, vector<2000x1024xf32>
      %get3A_18 = arith.constant 0 : index
      %get3A_19 = arith.constant 0 : index
      %get3A_20 = vector.load %arg4[%get3A_18, %get3A_19] : memref<1x1024xf32, #tpu.memory_space<vmem>>, vector<1x1024xf32>
      %mul3A = vector.broadcast %get3A_20 : vector<1x1024xf32> to vector<2000x1024xf32>
      %mul3A_21 = arith.mulf %get3A_17, %mul3A : vector<2000x1024xf32>
      %get3A_22 = arith.constant 0 : index
      %get3A_23 = arith.constant 0 : index
      %get3A_24 = vector.load %arg8[%get3A_22, %get3A_23] : memref<2000x128xf32, #tpu.memory_space<vmem>>, vector<2000x128xf32>
      %get3A_25 = arith.constant 0 : index
      %get3A_26 = arith.constant 0 : index
      %get3A_27 = vector.load %arg3[%get3A_25, %get3A_26] : memref<1024x128xf32, #tpu.memory_space<vmem>>, vector<1024x128xf32>
      %dot_general3A = arith.constant dense<0.000000e+00> : vector<2000x128xf32>
      %dot_general3A_28 = tpu.matmul %mul3A_21, %get3A_27, %dot_general3A {dimension_numbers = #tpu.dot_dimension_numbers<[1], [0], [0], [1], [0, 0, 1, 1], [], []>, transpose_lhs_hint = false} : vector<2000x1024xf32>, vector<1024x128xf32>, vector<2000x128xf32> -> vector<2000x128xf32>
      %add3A = arith.addf %get3A_24, %dot_general3A_28 : vector<2000x128xf32>
      %swap3A = arith.constant 0 : index
      %swap3A_29 = arith.constant 0 : index
      %swap3A_30 = vector.load %arg8[%swap3A, %swap3A_29] : memref<2000x128xf32, #tpu.memory_space<vmem>>, vector<2000x128xf32>
      tpu.vector_store %arg8[%swap3A, %swap3A_29], %add3A {strides = array<i32>} : memref<2000x128xf32, #tpu.memory_space<vmem>>, vector<2000x128xf32>,
    } else {
    }
    %eq3A_11 = arith.constant 14 : i32
    %eq3A_12 = arith.cmpi eq, %arg1, %eq3A_11 : i32
    %convert_element_type3A_13 = arith.extui %eq3A_12 : i1 to i32
    %cond3A_14 = arith.constant 0 : i32
    %cond3A_15 = arith.cmpi ne, %convert_element_type3A_13, %cond3A_14 : i32
    scf.if %cond3A_15 {
      %get3A = arith.constant 0 : index
      %get3A_16 = arith.constant 0 : index
      %get3A_17 = vector.load %arg5[%get3A, %get3A_16] : memref<2000x2xf32, #tpu.memory_space<vmem>>, vector<2000x1xf32>
      %get3A_18 = vector.shape_cast %get3A_17 : vector<2000x1xf32> to vector<2000xf32>
      %get3A_19 = arith.constant 0 : index
      %get3A_20 = arith.constant 1 : index
      %get3A_21 = vector.load %arg5[%get3A_19, %get3A_20] : memref<2000x2xf32, #tpu.memory_space<vmem>>, vector<2000x1xf32>
      %get3A_22 = vector.shape_cast %get3A_21 : vector<2000x1xf32> to vector<2000xf32>
      %add3A = arith.addf %get3A_18, %get3A_22 : vector<2000xf32>
      %add3A_23 = arith.constant 1.000000e+00 : f32
      %add3A_24 = vector.broadcast %add3A_23 : f32 to vector<2000xf32>
      %add3A_25 = arith.addf %add3A, %add3A_24 : vector<2000xf32>
      %max3A = arith.constant 9.99999996E-13 : f32
      %max3A_26 = vector.broadcast %max3A : f32 to vector<2000xf32>
      %max3A_27 = arith.maximumf %add3A_25, %max3A_26 : vector<2000xf32>
      %rsqrt3A = math.rsqrt %max3A_27 : vector<2000xf32>
      %broadcast_in_dim3A = vector.shape_cast %rsqrt3A : vector<2000xf32> to vector<2000x1xf32>
      %swap3A = arith.constant 0 : index
      %swap3A_28 = arith.constant 0 : index
      %swap3A_29 = vector.load %arg7[%swap3A, %swap3A_28] : memref<2000x1xf32, #tpu.memory_space<vmem>>, vector<2000x1xf32>
      tpu.vector_store %arg7[%swap3A, %swap3A_28], %broadcast_in_dim3A {strides = array<i32>} : memref<2000x1xf32, #tpu.memory_space<vmem>>, vector<2000x1xf32>,
      %get3A_30 = arith.constant 0 : index
      %get3A_31 = arith.constant 0 : index
      %get3A_32 = vector.load %arg8[%get3A_30, %get3A_31] : memref<2000x128xf32, #tpu.memory_space<vmem>>, vector<2000x128xf32>
      %broadcast_in_dim3A_33 = vector.shape_cast %rsqrt3A : vector<2000xf32> to vector<2000x1xf32>
      %mul3A = vector.broadcast %broadcast_in_dim3A_33 : vector<2000x1xf32> to vector<2000x128xf32>
      %mul3A_34 = arith.mulf %get3A_32, %mul3A : vector<2000x128xf32>
      %swap3A_35 = arith.constant 0 : index
      %swap3A_36 = arith.constant 0 : index
      %swap3A_37 = vector.load %arg6[%swap3A_35, %swap3A_36] : memref<2000x128xf32, #tpu.memory_space<vmem>>, vector<2000x128xf32>
      tpu.vector_store %arg6[%swap3A_35, %swap3A_36], %mul3A_34 {strides = array<i32>} : memref<2000x128xf32, #tpu.memory_space<vmem>>, vector<2000x128xf32>,
    } else {
    }
    return
  }
  func.func @transform_0(%arg0: i32, %arg1: i32) -> (i32, i32) {
    %c0_i32 = arith.constant 0 : i32
    return %arg0, %arg1 : i32, i32
  }
  func.func @transform_1(%arg0: i32, %arg1: i32) -> (i32, i32) {
    %c0_i32 = arith.constant 0 : i32
    %c0_i32_0 = arith.constant 0 : i32
    return %arg1, %c0_i32 : i32, i32
  }
  func.func @transform_2(%arg0: i32, %arg1: i32) -> (i32, i32) {
    %c0_i32 = arith.constant 0 : i32
    %c0_i32_0 = arith.constant 0 : i32
    return %c0_i32, %arg1 : i32, i32
  }
  func.func @transform_3(%arg0: i32, %arg1: i32) -> (i32, i32) {
    %c0_i32 = arith.constant 0 : i32
    %c0_i32_0 = arith.constant 0 : i32
    return %arg0, %c0_i32 : i32, i32
  }
  func.func @transform_4(%arg0: i32, %arg1: i32) -> (i32, i32) {
    %c0_i32 = arith.constant 0 : i32
    %c0_i32_0 = arith.constant 0 : i32
    return %arg0, %c0_i32 : i32, i32
  }
  func.func @transform_5(%arg0: i32, %arg1: i32) -> (i32, i32) {
    %c0_i32 = arith.constant 0 : i32
    %c0_i32_0 = arith.constant 0 : i32
    return %arg0, %c0_i32 : i32, i32
  }
}

module attributes {stable_mosaic.version = 14 : i64} {
  func.func @body(%arg0: i32, %arg1: memref<2000x128xf32, #tpu.memory_space<vmem>>, %arg2: memref<2000x128xf32, #tpu.memory_space<vmem>>, %arg3: memref<2000x1xf32, #tpu.memory_space<vmem>>, %arg4: memref<1x128xf32, #tpu.memory_space<vmem>>, %arg5: memref<1024x29xf32, #tpu.memory_space<vmem>>, %arg6: memref<29x256xf32, #tpu.memory_space<vmem>>, %arg7: memref<1x256xf32, #tpu.memory_space<vmem>>, %arg8: memref<256x128xf32, #tpu.memory_space<vmem>>, %arg9: memref<1x128xf32, #tpu.memory_space<vmem>>, %arg10: memref<256x128xf32, #tpu.memory_space<vmem>>, %arg11: memref<1x128xf32, #tpu.memory_space<vmem>>, %arg12: memref<2000x128xf32, #tpu.memory_space<vmem>>, %arg13: memref<1x128xf32, #tpu.memory_space<vmem>>, %arg14: memref<128x2xf32, #tpu.memory_space<vmem>>, %arg15: memref<1x2xf32, #tpu.memory_space<vmem>>, %arg16: memref<1024x2xf32, #tpu.memory_space<vmem>>, %arg17: memref<128x128xf32, #tpu.memory_space<vmem>>) attributes {dimension_semantics = [#tpu.dimension_semantics<arbitrary>], iteration_bounds = array<i64: 5>, scalar_prefetch = 0 : i64, scratch_operands = 1 : i64, tpu.core_type = #tpu.core_type<tc>, window_params = [{transform_indices = @transform_0, window_bounds = array<i64: 2000, 128>}, {transform_indices = @transform_1, window_bounds = array<i64: 2000, 128>}, {transform_indices = @transform_2, window_bounds = array<i64: 2000, 1>}, {pipeline_mode = #tpu.pipeline_mode<synchronous>, transform_indices = @transform_3, window_bounds = array<i64: 1, 128>}, {pipeline_mode = #tpu.pipeline_mode<synchronous>, transform_indices = @transform_4, window_bounds = array<i64: 1024, 29>}, {pipeline_mode = #tpu.pipeline_mode<synchronous>, transform_indices = @transform_5, window_bounds = array<i64: 29, 256>}, {pipeline_mode = #tpu.pipeline_mode<synchronous>, transform_indices = @transform_6, window_bounds = array<i64: 1, 256>}, {pipeline_mode = #tpu.pipeline_mode<synchronous>, transform_indices = @transform_7, window_bounds = array<i64: 256, 128>}, {pipeline_mode = #tpu.pipeline_mode<synchronous>, transform_indices = @transform_8, window_bounds = array<i64: 1, 128>}, {pipeline_mode = #tpu.pipeline_mode<synchronous>, transform_indices = @transform_9, window_bounds = array<i64: 256, 128>}, {pipeline_mode = #tpu.pipeline_mode<synchronous>, transform_indices = @transform_10, window_bounds = array<i64: 1, 128>}, {transform_indices = @transform_11, window_bounds = array<i64: 2000, 128>}, {pipeline_mode = #tpu.pipeline_mode<synchronous>, transform_indices = @transform_12, window_bounds = array<i64: 1, 128>}, {pipeline_mode = #tpu.pipeline_mode<synchronous>, transform_indices = @transform_13, window_bounds = array<i64: 128, 2>}, {pipeline_mode = #tpu.pipeline_mode<synchronous>, transform_indices = @transform_14, window_bounds = array<i64: 1, 2>}, {pipeline_mode = #tpu.pipeline_mode<synchronous>, transform_indices = @transform_15, window_bounds = array<i64: 1024, 2>}]} {
    %eq3A = arith.constant 0 : i32
    %eq3A_0 = arith.cmpi eq, %arg0, %eq3A : i32
    %convert_element_type3A = arith.extui %eq3A_0 : i1 to i32
    %cond3A = arith.constant 0 : i32
    %cond3A_1 = arith.cmpi ne, %convert_element_type3A, %cond3A : i32
    scf.if %cond3A_1 {
      %broadcast_in_dim3A_36 = arith.constant 0.000000e+00 : f32
      %broadcast_in_dim3A_37 = vector.broadcast %broadcast_in_dim3A_36 : f32 to vector<128x128xf32>
      %swap3A_38 = arith.constant 0 : index
      %swap3A_39 = arith.constant 0 : index
      %swap3A_40 = vector.load %arg17[%swap3A_38, %swap3A_39] : memref<128x128xf32, #tpu.memory_space<vmem>>, vector<128x128xf32>
      tpu.vector_store %arg17[%swap3A_38, %swap3A_39], %broadcast_in_dim3A_37 {strides = array<i32>} : memref<128x128xf32, #tpu.memory_space<vmem>>, vector<128x128xf32>,
    } else {
    }
    %get3A = arith.constant 0 : index
    %get3A_2 = arith.constant 0 : index
    %get3A_3 = vector.load %arg3[%get3A, %get3A_2] : memref<2000x1xf32, #tpu.memory_space<vmem>>, vector<2000x1xf32>
    %get3A_4 = vector.shape_cast %get3A_3 : vector<2000x1xf32> to vector<2000xf32>
    %broadcast_in_dim3A = vector.shape_cast %get3A_4 : vector<2000xf32> to vector<2000x1xf32>
    %get3A_5 = arith.constant 0 : index
    %get3A_6 = arith.constant 0 : index
    %get3A_7 = vector.load %arg1[%get3A_5, %get3A_6] : memref<2000x128xf32, #tpu.memory_space<vmem>>, vector<2000x128xf32>
    %get3A_8 = arith.constant 0 : index
    %get3A_9 = arith.constant 0 : index
    %get3A_10 = vector.load %arg2[%get3A_8, %get3A_9] : memref<2000x128xf32, #tpu.memory_space<vmem>>, vector<2000x128xf32>
    %add3A = arith.addf %get3A_7, %get3A_10 : vector<2000x128xf32>
    %mul3A = vector.broadcast %broadcast_in_dim3A : vector<2000x1xf32> to vector<2000x128xf32>
    %mul3A_11 = arith.mulf %mul3A, %add3A : vector<2000x128xf32>
    %get3A_12 = arith.constant 0 : index
    %get3A_13 = arith.constant 0 : index
    %get3A_14 = vector.load %arg4[%get3A_12, %get3A_13] : memref<1x128xf32, #tpu.memory_space<vmem>>, vector<1x128xf32>
    %get3A_15 = vector.shape_cast %get3A_14 : vector<1x128xf32> to vector<128xf32>
    %broadcast_in_dim3A_16 = vector.shape_cast %get3A_15 : vector<128xf32> to vector<1x128xf32>
    %add3A_17 = vector.broadcast %broadcast_in_dim3A_16 : vector<1x128xf32> to vector<2000x128xf32>
    %add3A_18 = arith.addf %mul3A_11, %add3A_17 : vector<2000x128xf32>
    %max3A = arith.constant 0.000000e+00 : f32
    %max3A_19 = vector.broadcast %max3A : f32 to vector<2000x128xf32>
    %max3A_20 = arith.maximumf %add3A_18, %max3A_19 : vector<2000x128xf32>
    %get3A_21 = arith.constant 0 : index
    %get3A_22 = arith.constant 0 : index
    %get3A_23 = vector.load %arg17[%get3A_21, %get3A_22] : memref<128x128xf32, #tpu.memory_space<vmem>>, vector<128x128xf32>
    %get3A_24 = arith.constant 0 : index
    %get3A_25 = arith.constant 0 : index
    %get3A_26 = vector.load %arg12[%get3A_24, %get3A_25] : memref<2000x128xf32, #tpu.memory_space<vmem>>, vector<2000x128xf32>
    %dot_general3A = arith.constant dense<0.000000e+00> : vector<128x128xf32>
    %dot_general3A_27 = tpu.matmul %max3A_20, %get3A_26, %dot_general3A {dimension_numbers = #tpu.dot_dimension_numbers<[0], [0], [1], [1], [0, 1, 1, 1], [], []>, transpose_lhs_hint = false} : vector<2000x128xf32>, vector<2000x128xf32>, vector<128x128xf32> -> vector<128x128xf32>
    %add3A_28 = arith.addf %get3A_23, %dot_general3A_27 : vector<128x128xf32>
    %swap3A = arith.constant 0 : index
    %swap3A_29 = arith.constant 0 : index
    %swap3A_30 = vector.load %arg17[%swap3A, %swap3A_29] : memref<128x128xf32, #tpu.memory_space<vmem>>, vector<128x128xf32>
    tpu.vector_store %arg17[%swap3A, %swap3A_29], %add3A_28 {strides = array<i32>} : memref<128x128xf32, #tpu.memory_space<vmem>>, vector<128x128xf32>,
    %eq3A_31 = arith.constant 4 : i32
    %eq3A_32 = arith.cmpi eq, %arg0, %eq3A_31 : i32
    %convert_element_type3A_33 = arith.extui %eq3A_32 : i1 to i32
    %cond3A_34 = arith.constant 0 : i32
    %cond3A_35 = arith.cmpi ne, %convert_element_type3A_33, %cond3A_34 : i32
    scf.if %cond3A_35 {
      %get3A_36 = arith.constant 0 : index
      %get3A_37 = arith.constant 0 : index
      %get3A_38 = vector.load %arg5[%get3A_36, %get3A_37] : memref<1024x29xf32, #tpu.memory_space<vmem>>, vector<1024x29xf32>
      %get3A_39 = arith.constant 0 : index
      %get3A_40 = arith.constant 0 : index
      %get3A_41 = vector.load %arg6[%get3A_39, %get3A_40] : memref<29x256xf32, #tpu.memory_space<vmem>>, vector<29x256xf32>
      %dot_general3A_42 = arith.constant dense<0.000000e+00> : vector<1024x256xf32>
      %dot_general3A_43 = tpu.matmul %get3A_38, %get3A_41, %dot_general3A_42 {dimension_numbers = #tpu.dot_dimension_numbers<[1], [0], [0], [1], [0, 0, 1, 1], [], []>, transpose_lhs_hint = false} : vector<1024x29xf32>, vector<29x256xf32>, vector<1024x256xf32> -> vector<1024x256xf32>
      %get3A_44 = arith.constant 0 : index
      %get3A_45 = arith.constant 0 : index
      %get3A_46 = vector.load %arg7[%get3A_44, %get3A_45] : memref<1x256xf32, #tpu.memory_space<vmem>>, vector<1x256xf32>
      %get3A_47 = vector.shape_cast %get3A_46 : vector<1x256xf32> to vector<256xf32>
      %broadcast_in_dim3A_48 = vector.shape_cast %get3A_47 : vector<256xf32> to vector<1x256xf32>
      %add3A_49 = vector.broadcast %broadcast_in_dim3A_48 : vector<1x256xf32> to vector<1024x256xf32>
      %add3A_50 = arith.addf %dot_general3A_43, %add3A_49 : vector<1024x256xf32>
      %get3A_51 = arith.constant 0 : index
      %get3A_52 = arith.constant 0 : index
      %get3A_53 = vector.load %arg8[%get3A_51, %get3A_52] : memref<256x128xf32, #tpu.memory_space<vmem>>, vector<256x128xf32>
      %dot_general3A_54 = arith.constant dense<0.000000e+00> : vector<1024x128xf32>
      %dot_general3A_55 = tpu.matmul %add3A_50, %get3A_53, %dot_general3A_54 {dimension_numbers = #tpu.dot_dimension_numbers<[1], [0], [0], [1], [0, 0, 1, 1], [], []>, transpose_lhs_hint = false} : vector<1024x256xf32>, vector<256x128xf32>, vector<1024x128xf32> -> vector<1024x128xf32>
      %get3A_56 = arith.constant 0 : index
      %get3A_57 = arith.constant 0 : index
      %get3A_58 = vector.load %arg9[%get3A_56, %get3A_57] : memref<1x128xf32, #tpu.memory_space<vmem>>, vector<1x128xf32>
      %get3A_59 = vector.shape_cast %get3A_58 : vector<1x128xf32> to vector<128xf32>
      %broadcast_in_dim3A_60 = vector.shape_cast %get3A_59 : vector<128xf32> to vector<1x128xf32>
      %add3A_61 = vector.broadcast %broadcast_in_dim3A_60 : vector<1x128xf32> to vector<1024x128xf32>
      %add3A_62 = arith.addf %dot_general3A_55, %add3A_61 : vector<1024x128xf32>
      %get3A_63 = arith.constant 0 : index
      %get3A_64 = arith.constant 0 : index
      %get3A_65 = vector.load %arg10[%get3A_63, %get3A_64] : memref<256x128xf32, #tpu.memory_space<vmem>>, vector<256x128xf32>
      %dot_general3A_66 = arith.constant dense<0.000000e+00> : vector<1024x128xf32>
      %dot_general3A_67 = tpu.matmul %add3A_50, %get3A_65, %dot_general3A_66 {dimension_numbers = #tpu.dot_dimension_numbers<[1], [0], [0], [1], [0, 0, 1, 1], [], []>, transpose_lhs_hint = false} : vector<1024x256xf32>, vector<256x128xf32>, vector<1024x128xf32> -> vector<1024x128xf32>
      %get3A_68 = arith.constant 0 : index
      %get3A_69 = arith.constant 0 : index
      %get3A_70 = vector.load %arg11[%get3A_68, %get3A_69] : memref<1x128xf32, #tpu.memory_space<vmem>>, vector<1x128xf32>
      %get3A_71 = vector.shape_cast %get3A_70 : vector<1x128xf32> to vector<128xf32>
      %broadcast_in_dim3A_72 = vector.shape_cast %get3A_71 : vector<128xf32> to vector<1x128xf32>
      %add3A_73 = vector.broadcast %broadcast_in_dim3A_72 : vector<1x128xf32> to vector<1024x128xf32>
      %add3A_74 = arith.addf %dot_general3A_67, %add3A_73 : vector<1024x128xf32>
      %get3A_75 = arith.constant 0 : index
      %get3A_76 = arith.constant 0 : index
      %get3A_77 = vector.load %arg17[%get3A_75, %get3A_76] : memref<128x128xf32, #tpu.memory_space<vmem>>, vector<128x128xf32>
      %dot_general3A_78 = arith.constant dense<0.000000e+00> : vector<1024x128xf32>
      %dot_general3A_79 = tpu.matmul %add3A_62, %get3A_77, %dot_general3A_78 {dimension_numbers = #tpu.dot_dimension_numbers<[1], [0], [0], [1], [0, 0, 1, 1], [], []>, transpose_lhs_hint = false} : vector<1024x128xf32>, vector<128x128xf32>, vector<1024x128xf32> -> vector<1024x128xf32>
      %get3A_80 = arith.constant 0 : index
      %get3A_81 = arith.constant 0 : index
      %get3A_82 = vector.load %arg13[%get3A_80, %get3A_81] : memref<1x128xf32, #tpu.memory_space<vmem>>, vector<1x128xf32>
      %get3A_83 = vector.shape_cast %get3A_82 : vector<1x128xf32> to vector<128xf32>
      %broadcast_in_dim3A_84 = vector.shape_cast %get3A_83 : vector<128xf32> to vector<1x128xf32>
      %add3A_85 = vector.broadcast %broadcast_in_dim3A_84 : vector<1x128xf32> to vector<1024x128xf32>
      %add3A_86 = arith.addf %dot_general3A_79, %add3A_85 : vector<1024x128xf32>
      %add3A_87 = arith.addf %add3A_86, %add3A_74 : vector<1024x128xf32>
      %max3A_88 = arith.constant 0.000000e+00 : f32
      %max3A_89 = vector.broadcast %max3A_88 : f32 to vector<1024x128xf32>
      %max3A_90 = arith.maximumf %add3A_87, %max3A_89 : vector<1024x128xf32>
      %get3A_91 = arith.constant 0 : index
      %get3A_92 = arith.constant 0 : index
      %get3A_93 = vector.load %arg14[%get3A_91, %get3A_92] : memref<128x2xf32, #tpu.memory_space<vmem>>, vector<128x2xf32>
      %dot_general3A_94 = arith.constant dense<0.000000e+00> : vector<1024x2xf32>
      %dot_general3A_95 = tpu.matmul %max3A_90, %get3A_93, %dot_general3A_94 {dimension_numbers = #tpu.dot_dimension_numbers<[1], [0], [0], [1], [0, 0, 1, 1], [], []>, transpose_lhs_hint = false} : vector<1024x128xf32>, vector<128x2xf32>, vector<1024x2xf32> -> vector<1024x2xf32>
      %get3A_96 = arith.constant 0 : index
      %get3A_97 = arith.constant 0 : index
      %get3A_98 = vector.load %arg15[%get3A_96, %get3A_97] : memref<1x2xf32, #tpu.memory_space<vmem>>, vector<1x2xf32>
      %get3A_99 = vector.shape_cast %get3A_98 : vector<1x2xf32> to vector<2xf32>
      %broadcast_in_dim3A_100 = vector.shape_cast %get3A_99 : vector<2xf32> to vector<1x2xf32>
      %add3A_101 = vector.broadcast %broadcast_in_dim3A_100 : vector<1x2xf32> to vector<1024x2xf32>
      %add3A_102 = arith.addf %dot_general3A_95, %add3A_101 : vector<1024x2xf32>
      %reduce_max3A = arith.constant dense<0xFF800000> : vector<1024xf32>
      %reduce_max3A_103 = vector.multi_reduction <maximumf>, %add3A_102, %reduce_max3A [1] : vector<1024x2xf32> to vector<1024xf32>
      %broadcast_in_dim3A_104 = vector.shape_cast %reduce_max3A_103 : vector<1024xf32> to vector<1024x1xf32>
      %sub3A = vector.broadcast %broadcast_in_dim3A_104 : vector<1024x1xf32> to vector<1024x2xf32>
      %sub3A_105 = arith.subf %add3A_102, %sub3A : vector<1024x2xf32>
      %exp3A = math.exp %sub3A_105 : vector<1024x2xf32>
      %reduce_sum3A = arith.constant dense<0.000000e+00> : vector<1024xf32>
      %reduce_sum3A_106 = vector.multi_reduction <add>, %exp3A, %reduce_sum3A [1] : vector<1024x2xf32> to vector<1024xf32>
      %broadcast_in_dim3A_107 = vector.shape_cast %reduce_sum3A_106 : vector<1024xf32> to vector<1024x1xf32>
      %log3A = math.log %broadcast_in_dim3A_107 : vector<1024x1xf32>
      %add3A_108 = arith.addf %broadcast_in_dim3A_104, %log3A : vector<1024x1xf32>
      %sub3A_109 = vector.broadcast %add3A_108 : vector<1024x1xf32> to vector<1024x2xf32>
      %sub3A_110 = arith.subf %add3A_102, %sub3A_109 : vector<1024x2xf32>
      %swap3A_111 = arith.constant 0 : index
      %swap3A_112 = arith.constant 0 : index
      %swap3A_113 = vector.load %arg16[%swap3A_111, %swap3A_112] : memref<1024x2xf32, #tpu.memory_space<vmem>>, vector<1024x2xf32>
      tpu.vector_store %arg16[%swap3A_111, %swap3A_112], %sub3A_110 {strides = array<i32>} : memref<1024x2xf32, #tpu.memory_space<vmem>>, vector<1024x2xf32>,
    } else {
    }
    return
  }
  func.func @transform_0(%arg0: i32) -> (i32, i32) {
    %c0_i32 = arith.constant 0 : i32
    %c0_i32_0 = arith.constant 0 : i32
    return %arg0, %c0_i32 : i32, i32
  }
  func.func @transform_1(%arg0: i32) -> (i32, i32) {
    %c0_i32 = arith.constant 0 : i32
    %c0_i32_0 = arith.constant 0 : i32
    return %arg0, %c0_i32 : i32, i32
  }
  func.func @transform_2(%arg0: i32) -> (i32, i32) {
    %c0_i32 = arith.constant 0 : i32
    %c0_i32_0 = arith.constant 0 : i32
    return %arg0, %c0_i32 : i32, i32
  }
  func.func @transform_3(%arg0: i32) -> (i32, i32) {
    %c0_i32 = arith.constant 0 : i32
    %c0_i32_0 = arith.constant 0 : i32
    %c0_i32_1 = arith.constant 0 : i32
    return %c0_i32, %c0_i32_0 : i32, i32
  }
  func.func @transform_4(%arg0: i32) -> (i32, i32) {
    %c0_i32 = arith.constant 0 : i32
    %c0_i32_0 = arith.constant 0 : i32
    %c0_i32_1 = arith.constant 0 : i32
    return %c0_i32, %c0_i32_0 : i32, i32
  }
  func.func @transform_5(%arg0: i32) -> (i32, i32) {
    %c0_i32 = arith.constant 0 : i32
    %c0_i32_0 = arith.constant 0 : i32
    %c0_i32_1 = arith.constant 0 : i32
    return %c0_i32, %c0_i32_0 : i32, i32
  }
  func.func @transform_6(%arg0: i32) -> (i32, i32) {
    %c0_i32 = arith.constant 0 : i32
    %c0_i32_0 = arith.constant 0 : i32
    %c0_i32_1 = arith.constant 0 : i32
    return %c0_i32, %c0_i32_0 : i32, i32
  }
  func.func @transform_7(%arg0: i32) -> (i32, i32) {
    %c0_i32 = arith.constant 0 : i32
    %c0_i32_0 = arith.constant 0 : i32
    %c0_i32_1 = arith.constant 0 : i32
    return %c0_i32, %c0_i32_0 : i32, i32
  }
  func.func @transform_8(%arg0: i32) -> (i32, i32) {
    %c0_i32 = arith.constant 0 : i32
    %c0_i32_0 = arith.constant 0 : i32
    %c0_i32_1 = arith.constant 0 : i32
    return %c0_i32, %c0_i32_0 : i32, i32
  }
  func.func @transform_9(%arg0: i32) -> (i32, i32) {
    %c0_i32 = arith.constant 0 : i32
    %c0_i32_0 = arith.constant 0 : i32
    %c0_i32_1 = arith.constant 0 : i32
    return %c0_i32, %c0_i32_0 : i32, i32
  }
  func.func @transform_10(%arg0: i32) -> (i32, i32) {
    %c0_i32 = arith.constant 0 : i32
    %c0_i32_0 = arith.constant 0 : i32
    %c0_i32_1 = arith.constant 0 : i32
    return %c0_i32, %c0_i32_0 : i32, i32
  }
  func.func @transform_11(%arg0: i32) -> (i32, i32) {
    %c0_i32 = arith.constant 0 : i32
    %c0_i32_0 = arith.constant 0 : i32
    return %arg0, %c0_i32 : i32, i32
  }
  func.func @transform_12(%arg0: i32) -> (i32, i32) {
    %c0_i32 = arith.constant 0 : i32
    %c0_i32_0 = arith.constant 0 : i32
    %c0_i32_1 = arith.constant 0 : i32
    return %c0_i32, %c0_i32_0 : i32, i32
  }
  func.func @transform_13(%arg0: i32) -> (i32, i32) {
    %c0_i32 = arith.constant 0 : i32
    %c0_i32_0 = arith.constant 0 : i32
    %c0_i32_1 = arith.constant 0 : i32
    return %c0_i32, %c0_i32_0 : i32, i32
  }
  func.func @transform_14(%arg0: i32) -> (i32, i32) {
    %c0_i32 = arith.constant 0 : i32
    %c0_i32_0 = arith.constant 0 : i32
    %c0_i32_1 = arith.constant 0 : i32
    return %c0_i32, %c0_i32_0 : i32, i32
  }
  func.func @transform_15(%arg0: i32) -> (i32, i32) {
    %c0_i32 = arith.constant 0 : i32
    %c0_i32_0 = arith.constant 0 : i32
    %c0_i32_1 = arith.constant 0 : i32
    return %c0_i32, %c0_i32_0 : i32, i32
  }
}

</mosaic_0001>

<sc_bundles>
// kernel: kernel.6.cloned.1.call-start
scs
__scs_entry_jumppad:
0x0: {  	(pc) =	sbr.rel $0x88, $3  }
0x1: {  	(tag) =	ssettag $0x0;
	lr =	simm.s32 $0x1  }
0x2: {  	[smem:$0x3F92] =	sst lr;
	_ =	strace $0xD0000000  }
0x3: {  	_ = 	snop  }
0x4: {  	_ = 	snop  }
0x5: {  	_ = 	snop  }
0x6: {  	_ = 	snop  }
0x7: {  	_ = 	snop  }
__scs_overlays_trampoline_lowered:
0x8: {  	[smem:$0x3FA1] =	sst s0  }
0x9: {  	[smem:$0x3FA2] =	sst s1  }
0xa: {  	[smem:$0x3FA3] =	sst s2  }
0xb: {  	[smem:$0x3FA4] =	sst s3  }
0xc: {  	[smem:$0x3FA5] =	sst s4  }
0xd: {  	[smem:$0x3FA6] =	sst s5  }
0xe: {  	[smem:$0x3FA7] =	sst s6  }
0xf: {  	[smem:$0x3FA8] =	sst s7  }
0x10: {  	[smem:$0x3FA9] =	sst s8  }
0x11: {  	[smem:$0x3FAA] =	sst s9;
	s0 =	simm.s32 @!p0 $0x0  }
0x12: {  	s1 =	sld [smem:$0x3F90];
	s0 =	simm.s32 @p0 $0x1  }
0x13: {  	[smem:$0x3FAB] =	sst s0;
	s0 =	simm.s32 @!p1 $0x0  }
0x14: {  	s2 =	sld [smem:$0x3F8F];
	s0 =	simm.s32 @p1 $0x1  }
0x15: {  	[smem:$0x3FAC] =	sst s0;
	s0 =	simm.s32 @!p2 $0x0  }
0x16: {  	s3 =	sld [smem:$0x3FDB];
	s0 =	simm.s32 @p2 $0x1  }
0x17: {  	s4 =	simm.s32 $0x1BF5;
	[smem:$0x3FAE] =	sst s0  }
0x18: {  	s0 =	sld [smem:$0x3F91];
	_ =	swait.ge [sflag:s4], $0x0  }
0x19: {  	s7 =	sld [smem:$0x3F92]  }
0x1a: {  	s8 =	sadd.s32 $0xFFFFE003, lr  }
0x1b: {  	s9 =	sadd.s32 $0xFFFFFEF7, lr;
	s5 =	simm.s32 $0xFFFFFFFF;
	p2 =	slt.u32 s8, $0xFFFFF086  }
0x1c: {  	p1 =	slt.u32 s9, $0xF7A;
	s5 =	simm.s32 @!p2 $0x0  }
0x1d: {  	s5 =	simm.s32 @p1 $0x1;
	p0 =	seq.s32 s7, s2  }
0x1e: {  	s7 =	smul.u32 @!p0 $0xF7A, s2;
	p2 =	seq.s32 @!p0 s5, $0x0  }
0x1f: {  	s9 =	smul.u32 $0xF7A, s1;
	s8 =	simm.s32 @!p0 $0x1BF5;
	p2 =	por !p2, p0  }
0x20: {  	[sflag:s8] =	ssyncset.s32 @!p0 $0xFFFFF086;
	s6 =	sadd.s32 @!p0 s3, s7;
	s7 =	simm.s32 @!p0 $0x108  }
0x21: {  	s3 =	sadd.s32 s3, s9;
	s6 =	sadd.s32 @!p0 $0x88, s6;
	s7 =	simm.s32 @p2 $0x1082  }
0x22: {  	[simem:s7], [sflag:s8] =	dma.local @!p0 [hbm:s6], $0xF7A  }
0x23: {  	s9 =	sor.u32 $0xD0000000, s2;
	s6 =	simm.s32 $0x108;
	_ =	swait.ge @!p0 [sflag:s8], $0x0  }
0x24: {  	s3 =	sadd.s32 $0x88, s3;
	s6 =	simm.s32 @!p1 $0x1082;
	[sflag:s4] =	ssyncset.s32 $0xFFFFF086  }
0x25: {  	[simem:s6], [sflag:s4] =	dma.local [hbm:s3], $0xF7A  }
0x26: {  	[smem:$0x3F92] =	sst s1;
	(tag) =	ssettag s2;
	_ =	strace s9  }
0x27: {  	s1 =	sld [smem:$0x3FA2]  }
0x28: {  	s2 =	sld [smem:$0x3FA3]  }
0x29: {  	s4 =	sld [smem:$0x3FA5]  }
0x2a: {  	p0 =	seq.s32 s5, $0x0;
	s5 =	sld [smem:$0x3FA6]  }
0x2b: {  	s6 =	sld [smem:$0x3FA7]  }
0x2c: {  	s7 =	sld [smem:$0x3FA8]  }
0x2d: {  	s3 =	simm.s32 $0x108;
	s8 =	sld [smem:$0x3FA9]  }
0x2e: {  	s3 =	simm.s32 @!p0 $0x1082;
	s9 =	sld [smem:$0x3FAA]  }
0x2f: {  	lr =	sadd.s32 s0, s3;
	s0 =	sld [smem:$0x3FA1]  }
0x30: {  	s3 =	sld [smem:$0x3FA4]  }
0x31: {  	[smem:$0x3FAD] =	sst s10  }
0x32: {  	s10 =	sld [smem:$0x3FAB];
	_ =	sdelay $0x3  }
0x33: {  	p0 =	seq.s32 s10, $0x1;
	s10 =	sld [smem:$0x3FAD];
	_ =	sdelay $0x3  }
0x34: {  	[smem:$0x3FAD] =	sst s10  }
0x35: {  	s10 =	sld [smem:$0x3FAC];
	_ =	sdelay $0x3  }
0x36: {  	p1 =	seq.s32 s10, $0x1;
	s10 =	sld [smem:$0x3FAD];
	_ =	sdelay $0x3  }
0x37: {  	[smem:$0x3FAD] =	sst s10  }
0x38: {  	s10 =	sld [smem:$0x3FAE]  }
0x39: {  	_ = 	snop;
	(pc) =	sbr.ind lr, $3  }
0x3a: {  	_ = 	snop  }
0x3b: {  	_ = 	snop  }
0x3c: {  	p2 =	seq.s32 s10, $0x1;
	s10 =	sld [smem:$0x3FAD]  }
0x3d: {  	_ =	shalt  }
0x3e: {  	_ =	shalt  }
0x3f: {  	_ =	shalt  }
0x40: {  	_ =	shalt  }
0x41: {  	_ =	shalt  }
0x42: {  	_ =	shalt  }
0x43: {  	_ =	shalt  }
0x44: {  	_ =	shalt  }
0x45: {  	_ =	shalt  }
0x46: {  	_ =	shalt  }
0x47: {  	_ =	shalt  }
0x48: {  	_ =	shalt  }
0x49: {  	_ =	shalt  }
0x4a: {  	_ =	shalt  }
0x4b: {  	_ =	shalt  }
0x4c: {  	_ =	shalt  }
0x4d: {  	_ =	shalt  }
0x4e: {  	_ =	shalt  }
0x4f: {  	_ =	shalt  }
0x50: {  	_ =	shalt  }
0x51: {  	_ =	shalt  }
0x52: {  	_ =	shalt  }
0x53: {  	_ =	shalt  }
0x54: {  	_ =	shalt  }
0x55: {  	_ =	shalt  }
0x56: {  	_ =	shalt  }
0x57: {  	_ =	shalt  }
0x58: {  	_ =	shalt  }
0x59: {  	_ =	shalt  }
0x5a: {  	_ =	shalt  }
0x5b: {  	_ =	shalt  }
0x5c: {  	_ =	shalt  }
0x5d: {  	_ =	shalt  }
0x5e: {  	_ =	shalt  }
0x5f: {  	_ =	shalt  }
0x60: {  	_ =	shalt  }
0x61: {  	_ =	shalt  }
0x62: {  	_ =	shalt  }
0x63: {  	_ =	shalt  }
0x64: {  	_ =	shalt  }
0x65: {  	_ =	shalt  }
0x66: {  	_ =	shalt  }
0x67: {  	_ =	shalt  }
0x68: {  	_ =	shalt  }
0x69: {  	_ =	shalt  }
0x6a: {  	_ =	shalt  }
0x6b: {  	_ =	shalt  }
0x6c: {  	_ =	shalt  }
0x6d: {  	_ =	shalt  }
0x6e: {  	_ =	shalt  }
0x6f: {  	_ =	shalt  }
0x70: {  	_ =	shalt  }
0x71: {  	_ =	shalt  }
0x72: {  	_ =	shalt  }
0x73: {  	_ =	shalt  }
0x74: {  	_ =	shalt  }
0x75: {  	_ =	shalt  }
0x76: {  	_ =	shalt  }
0x77: {  	_ =	shalt  }
0x78: {  	_ =	shalt  }
0x79: {  	_ =	shalt  }
0x7a: {  	_ =	shalt  }
0x7b: {  	_ =	shalt  }
0x7c: {  	_ =	shalt  }
0x7d: {  	_ =	shalt  }
0x7e: {  	_ =	shalt  }
0x7f: {  	_ =	shalt  }
0x80: {  	_ =	shalt  }
0x81: {  	_ =	shalt  }
0x82: {  	_ =	shalt  }
0x83: {  	_ =	shalt  }
0x84: {  	_ =	shalt  }
0x85: {  	_ =	shalt  }
0x86: {  	_ =	shalt  }
0x87: {  	_ =	shalt  }
.Lfunc_end0:
.L_simem_size_0:
called_computation_lowered:
.L_overlay_start_0:
0x88: {  	s2 =	sld [smem:$0x3FD9]  }
0x89: {  	s3 =	sld [smem:$0x3FFE];
	_ =	sdelay $0x1  }
0x8a: {  	s1 =	srdreg.scid  }
0x8b: {  	s0 =	sand.u32 $0x1, s1  }
0x8c: {  	s16 =	sshll.u32 s0, $0xA;
	s2 =	sadd.s32 s3, s2  }
0x8d: {  	s2 =	sadd.s32 s2, s16  }
0x8e: {  	[smem:$0x3FB9] =	sst s2  }
0x8f: {  	_ = 	snop  }
0x90: {  	(tm) =	ssettm $0x1  }
0x91: {  	s17 =	sld [smem:$0x3FFB];
	_ =	sdelay $0x3  }
0x92: {  	_ =	strace s17  }
0x93: {  	s2 =	sld [smem:$0x3FFC];
	_ =	sdelay $0x3  }
0x94: {  	_ =	strace s2  }
0x95: {  	s2 =	sld [smem:$0x3FFD];
	_ =	sdelay $0x3  }
0x96: {  	_ =	strace s2  }
0x97: {  	_ =	strace $0x8FFFFFFF  }
0x98: {  	s18 =	sld [smem:$0x3FDB];
	_ =	sdelay $0x1  }
0x99: {  	s19 =	simm.s32 $_scs_section_size  }
0x9a: {  	s4 =	simm.s32 $_size__tile_overlayer_lowered;
	s5 =	simm.s32 $_tile_overlayer_lowered  }
0x9b: {  	s22 =	simm.s32 $0x1BFF;
	s21 =	sshll.u32 s5, $0x1;
	s2 =	sadd.s32 s19, s18  }
0x9c: {  	s6 =	simm.s32 $0x0;
	s20 =	sshll.u32 s4, $0x1;
	s4 =	sadd.s32 s21, s2  }
0x9d: {  	[timem:s6], [sflag:s22] =	dma.local [hbm:s4], s20  }
0x9e: {  	_ =	swait.ge [sflag:s22], s20  }
0x9f: {  	s3 =	ssub.s32 $0x0, s20;
	[sflag:s22] =	ssyncset.done $0x0  }
0xa0: {  	[sflag:s22] =	ssyncadd.s32 s3;
	_ =	sdelay $0x1  }
0xa1: {  	s23 =	simm.s32 $0x1B8B  }
0xa2: {  	_ =	swait.ge [sflag:s23], $0x1  }
0xa3: {  	[sflag:s23] =	ssyncset.done $0x0  }
0xa4: {  	s25 =	simm.s32 $0x1B8E;
	s24 =	sld [smem:$0x3FFE];
	[sflag:s23] =	ssyncadd.s32 $0xFFFFFFFF  }
0xa5: {  	s26 =	simm.s32 $execute0_lowered;
	[smem:$0x3FD2] =	sst s25  }
0xa6: {  	s4 =	sshll.u32 s26, $0x1;
	_ =	strace $0x80000046;
	[dreg:$0x1] =	wrdreg $0xFFFFFFFF  }
0xa7: {  	s28 =	simm.s32 $_size_execute0_lowered;
	s2 =	sadd.s32 s2, s4;
	[dreg:$0x0] =	wrdreg $0x0  }
0xa8: {  	s4 =	sshll.u32 s28, $0x1;
	[dreg:$0x2] =	wrdreg s2  }
0xa9: {  	[dreg:$0x3] =	wrdreg s4  }
0xaa: {  	[dreg:$0x4] =	wrdreg $0xC0  }
0xab: {  	_ =	task [dreg:s6], $0x5FFFF  }
0xac: {  	[dreg:$0x1] =	wrdreg $0xFFFFFFFF  }
0xad: {  	[dreg:$0x0] =	wrdreg $0x60  }
0xae: {  	[dreg:$0x2] =	wrdreg s24  }
0xaf: {  	[dreg:$0x3] =	wrdreg $0xA5800  }
0xb0: {  	[dreg:$0x4] =	wrdreg $0x9  }
0xb1: {  	_ =	task.clear_ibuf [dreg:s6], $0x5FFFF;
	_ =	strace $0x90000046  }
0xb2: {  	s29 =	simm.s32 $0x9;
	_ =	strace $0x80000048  }
0xb3: {  	_ =	swait.ge [sflag:s29], $0x1  }
0xb4: {  	[sflag:s29] =	ssyncadd.s32 $0xFFFFFFFF  }
0xb5: {  	_ =	strace $0x90000048  }
0xb6: {  	_ =	sfence  }
0xb7: {  	s30 =	sld [smem:$0x0];
	_ =	sdelay $0x2  }
0xb8: {  	s31 =	sshll.u32 s1, $0xD;
	s1 =	sshrl.u32 s1, $0x2  }
0xb9: {  	s3 =	sand.u32 $0x4000, s31;
	s1 =	sadd.s32 s1, s30  }
0xba: {  	s0 =	sor.u32 s3, s0;
	s1 =	sshll.u32 s1, $0x11  }
0xbb: {  	s0 =	sor.u32 s1, s0  }
0xbc: {  	s0 =	sadd.s32 $0x8F2B, s0  }
0xbd: {  	[sflag:s0] =	ssyncadd.remote.s32 $0x1  }
0xbe: {  	_ =	sfence.sel $0xFFFF  }
0xbf: {  	[dreg:$0x0] =	wrdreg $0xFFFFFFFF;
	(pc) =	sbr.abs _section_cstart, $3  }
0xc0: {  	[dreg:$0x1] =	wrdreg $0xFFFFFFFF  }
0xc1: {  	_ =	task.clear_ibuf [dreg:s6], $0x2FFFF;
	_ =	strace $0x9FFFFFFF  }
0xc2: {  	(tm) =	ssettm $0x7FFFFFFF  }
0xc3: {  	_ =	shalt  }
tec
execute0_lowered:
.L_overlay_start_1:
0x0: {  	(tag) =	ssettag $0x1  }
0x1: {  	s3 =	rddreg [dreg:$0x0]  }
0x2: {  	s1 =	rddreg [dreg:$0x1]  }
0x3: {  	s0 =	rddreg [dreg:$0x2]  }
0x4: {  	s6 =	stileid.u32;
	s4 =	srdreg.scid  }
0x5: {  	s2 =	simm.s32 $0x0;
	s9 =	simm.s32 $0x7D80;
	s10 =	simm.s32 $0x7D00  }
0x6: {  	s5 =	smul.u32 $0xFA0, s6;
	s4 =	sand.u32 $0x1, s4;
	[smem:$0x7FF] =	sst s2  }
0x7: {  	p0 =	sne.s32 s6, $0x0;
	s6 =	simm.s32 $0x7E00;
	s7 =	smul.u32 $0x4F0, s4  }
0x8: {  	s4 =	ssub.s32 $0x2, s4;
	_ =	strace $0x80000047;
	s11 =	sshrl.u32 @!p0 s1, $0x3  }
0x9: {  	s5 =	sadd.s32 s5, s3;
	s8 =	sshrl.u32 s4, $0x1;
	s7 =	sadd.s32 s7, s3  }
0xa: {  	s8 =	ssub.s32 s4, s8;
	s3 =	sadd.s32 $0x3400, s5;
	s4 =	sadd.s32 $0x12E00, s7  }
0xb: {  	v0 =	vimm.f32 $5.000000000e-01;
	v1 =	vimm.f32 $0.0e+00;
	s5 =	smax.u32 s8, $0x1;
	s7 =	simm.s32 $0x1;
	s8 =	simm.s32 $0x50  }
.LBB2_1:
.Ltmp0:
0xc: {  	[tilespmem:$0x7D00] =	vst v0;
	(pc) =	sbr.rel @p0 .LBB2_5-.Ltmp0, $4  }
0xd: {  	[tilespmem:$0x7D10] =	vst v0  }
0xe: {  	[tilespmem:$0x7D20] =	vst v0  }
0xf: {  	[tilespmem:$0x7D30] =	vst v0  }
0x10: {  	[tilespmem:$0x7D40] =	vst v0  }
0x11: {  	s12 =	simm.s32 $0x40;
	s13 =	simm.s32 $0x0  }
.LBB2_3:
0x12: {  	p1 =	sne.s32 s12, $0x9C00;
	[tilespmem:s13+$0x7E00] =	vst v1;
	s13 =	smov.u32 s12;
	s12 =	sadd.s32 $0x40, s12  }
.Ltmp1:
0x13: {  	(pc) =	sbr.rel @p1 .LBB2_3-.Ltmp1, $2  }
0x14: {  	_ =	sdelay $0x2  }
0x15: {  	s13 =	sshra.s32 s13, $0x2  }
0x16: {  	[tilespmem:s13+$0x7E00] =	vst v1  }
0x17: {  	[spmem:s1] =	stream.linear.scatter [tilespmem:s6], [sflag:$0x1], $0x2780, $0x38;
	[tilespmem:$0xA7F8] =	vst v63  }
0x18: {  	_ =	swait.ge [sflag:s7], $0x2780  }
0x19: {  	[sflag:s7] =	ssyncset.done $0x0  }
0x1a: {  	[sflag:s7] =	ssyncadd.s32 $0xFFFFD880  }
.LBB2_5:
0x1b: {  	s12 =	simm.s32 $0x0  }
0x1c: {  	[tilespmem:s12], [sflag:$0x1] =	stream.linear.gather [hbm4b:s3+s12], $0x7D00, $0x38;
	[tilespmem:$0xA7F8] =	vst v63  }
0x1d: {  	_ =	swait.ge [sflag:s7], $0x7D00  }
0x1e: {  	[sflag:s7] =	ssyncset.done $0x0  }
0x1f: {  	[sflag:s7] =	ssyncadd.s32 $0xFFFF8300  }
0x20: {  	s31 =	simm.s32 $0x0;
	[bflag:$0x0] =	sbarrier.arrive $0xFFFF  }
0x21: {  	v2 =	vld [tilespmem:s31+$0x0];
	_ =	sdelay $0x4  }
0x22: {  	[tilespmem:$0x7D80] =	vst v2  }
0x23: {  	v2 =	vld [tilespmem:s31+$0x10];
	_ =	sdelay $0x4  }
0x24: {  	[tilespmem:$0x7D90] =	vst v2  }
0x25: {  	v2 =	vld [tilespmem:s31+$0x20];
	_ =	sdelay $0x4  }
0x26: {  	[tilespmem:$0x7DA0] =	vst v2  }
0x27: {  	v2 =	vld [tilespmem:s31+$0x30];
	_ =	sdelay $0x4  }
0x28: {  	[tilespmem:$0x7DB0] =	vst v2  }
0x29: {  	v2 =	vld [tilespmem:s31+$0x40];
	_ =	sdelay $0x4  }
0x2a: {  	[tilespmem:$0x7DC0] =	vst v2  }
0x2b: {  	[spmem:s1] =	stream.indirect.scatter.add.f32 [tilespmem:s10], [sflag:$0x1], $0x1, s9, s8, $0xb8;
	[tilespmem:$0xA7F8] =	vst v63  }
0x2c: {  	_ =	swait.ge [sflag:s7], $0x50  }
0x2d: {  	s13 =	simm.s32 $0x400;
	s12 =	simm.s32 $0x200;
	[sflag:s7] =	ssyncset.done $0x0  }
.LBB2_6:
0x2e: {  	s14 =	sshra.s32 s12, $0x2  }
0x2f: {  	[sflag:s7] =	ssyncadd.s32 $0xFFFFFFB0;
	s12 =	smov.u32 s13;
	s15 =	sadd.s32 $0x200, s13  }
0x30: {  	p1 =	sne.s32 s13, $0x1F200;
	v2 =	vld [tilespmem:s14+$0x0];
	_ =	sdelay $0x4  }
0x31: {  	[tilespmem:$0x7D80] =	vst v2  }
0x32: {  	v2 =	vld [tilespmem:s14+$0x10];
	_ =	sdelay $0x4  }
0x33: {  	[tilespmem:$0x7D90] =	vst v2  }
0x34: {  	v2 =	vld [tilespmem:s14+$0x20];
	_ =	sdelay $0x4  }
0x35: {  	[tilespmem:$0x7DA0] =	vst v2  }
0x36: {  	v2 =	vld [tilespmem:s14+$0x30];
	_ =	sdelay $0x4  }
0x37: {  	[tilespmem:$0x7DB0] =	vst v2  }
0x38: {  	v2 =	vld [tilespmem:s14+$0x40];
	_ =	sdelay $0x3  }
.Ltmp2:
0x39: {  	(pc) =	sbr.rel @p1 .LBB2_6-.Ltmp2, $4  }
0x3a: {  	[tilespmem:$0x7DC0] =	vst v2  }
0x3b: {  	[spmem:s1] =	stream.indirect.scatter.add.f32 [tilespmem:s10], [sflag:$0x1], $0x1, s9, s8, $0xb8;
	[tilespmem:$0xA7F8] =	vst v63  }
0x3c: {  	_ =	swait.ge [sflag:s7], $0x50  }
0x3d: {  	s13 =	smov.u32 s15;
	[sflag:s7] =	ssyncset.done $0x0  }
0x3e: {  	s12 =	sshra.s32 s12, $0x2;
	[sflag:s7] =	ssyncadd.s32 $0xFFFFFFB0  }
0x3f: {  	v2 =	vld [tilespmem:s12+$0x0];
	_ =	sdelay $0x4  }
0x40: {  	[tilespmem:$0x7D80] =	vst v2  }
0x41: {  	v2 =	vld [tilespmem:s12+$0x10];
	_ =	sdelay $0x4  }
0x42: {  	[tilespmem:$0x7D90] =	vst v2  }
0x43: {  	v2 =	vld [tilespmem:s12+$0x20];
	_ =	sdelay $0x4  }
0x44: {  	[tilespmem:$0x7DA0] =	vst v2  }
0x45: {  	v2 =	vld [tilespmem:s12+$0x30];
	_ =	sdelay $0x4  }
0x46: {  	[tilespmem:$0x7DB0] =	vst v2  }
0x47: {  	v2 =	vld [tilespmem:s12+$0x40];
	_ =	sdelay $0x4  }
0x48: {  	[tilespmem:$0x7DC0] =	vst v2  }
0x49: {  	[spmem:s1] =	stream.indirect.scatter.add.f32 [tilespmem:s10], [sflag:$0x1], $0x1, s9, s8, $0xb8;
	[tilespmem:$0xA7F8] =	vst v63  }
0x4a: {  	_ =	swait.ge [sflag:s7], $0x50  }
0x4b: {  	[sflag:s7] =	ssyncset.done $0x0  }
0x4c: {  	s2 =	sadd.s32 $0x1, s2;
	[sflag:s7] =	ssyncadd.s32 $0xFFFFFFB0  }
0x4d: {  	p1 =	sne.s32 s2, s5;
	s12 =	simm.s32 @!p0 $0x1C01;
	[bflag:$0x0] =	sbarrier.arrive $0xFFFF  }
0x4e: {  	[hbm:s4], [sflag:s12] =	dma.local @!p0 [spmem:s11], $0x4F0  }
.Ltmp3:
0x4f: {  	_ = 	snop;
	(pc) =	sbr.rel @p1 .LBB2_1-.Ltmp3, $4  }
0x50: {  	s12 =	simm.s32 @!p0 $0x1  }
0x51: {  	_ =	swait.ge @!p0 [sflag:s12], $0x4F0  }
0x52: {  	[sflag:s12] =	ssyncset.done @!p0 $0x0  }
0x53: {  	[sflag:s12] =	ssyncadd.s32 @!p0 $0xFFFFFB10  }
0x54: {  	_ =	sfence.sel $0x180000  }
0x55: {  	[bflag:$0x0] =	sbarrier.arrive $0xFFFF  }
0x56: {  	_ =	strace $0x90000047  }
0x57: {  	s0 =	sadd.s32 @!p0 $0x100000, s0;
	[bflag:$0x2] =	sbarrier.arrive $0xFFFF  }
0x58: {  	[sflag:s0] =	ssyncadd.tile.s32 @!p0 $0x1;
	_ =	shalt  }
.Lfunc_end2:
_tile_overlayer_lowered:
.L_overlay_start_2:
0x59: {  	(tag) =	ssettag $0x2  }
0x5a: {  	s0 =	rddreg [dreg:$0x0];
	s2 =	stileid.u32  }
0x5b: {  	s1 =	rddreg [dreg:$0x1];
	p0 =	sne.s32 s2, $0x0  }
0x5c: {  	s3 =	rddreg [dreg:$0x2];
	[bflag:$0x3] =	sbarrier.arrive $0xFFFF;
	s2 =	simm.s32 @!p0 $0x1C01  }
0x5d: {  	[timem:s3], [sflag:s2] =	dma.local @!p0 [hbm:s0], s1  }
0x5e: {  	s0 =	simm.s32 @!p0 $0x1  }
0x5f: {  	_ =	swait.ge @!p0 [sflag:s0], s1  }
0x60: {  	s1 =	ssub.s32 @!p0 $0x0, s1;
	[sflag:s0] =	ssyncset.done @!p0 $0x0  }
0x61: {  	[sflag:s0] =	ssyncadd.s32 @!p0 s1  }
0x62: {  	[bflag:$0x3] =	sbarrier.arrive $0xFFFF  }
0x63: {  	_ =	shalt  }

// kernel: kernel.9.cloned.1.call-start
scs
__scs_entry_jumppad:
0x0: {  	(pc) =	sbr.rel $0x88, $3  }
0x1: {  	(tag) =	ssettag $0x0;
	lr =	simm.s32 $0x1  }
0x2: {  	[smem:$0x3F92] =	sst lr;
	_ =	strace $0xD0000000  }
0x3: {  	_ = 	snop  }
0x4: {  	_ = 	snop  }
0x5: {  	_ = 	snop  }
0x6: {  	_ = 	snop  }
0x7: {  	_ = 	snop  }
__scs_overlays_trampoline_lowered:
0x8: {  	[smem:$0x3FA1] =	sst s0  }
0x9: {  	[smem:$0x3FA2] =	sst s1  }
0xa: {  	[smem:$0x3FA3] =	sst s2  }
0xb: {  	[smem:$0x3FA4] =	sst s3  }
0xc: {  	[smem:$0x3FA5] =	sst s4  }
0xd: {  	[smem:$0x3FA6] =	sst s5  }
0xe: {  	[smem:$0x3FA7] =	sst s6  }
0xf: {  	[smem:$0x3FA8] =	sst s7  }
0x10: {  	[smem:$0x3FA9] =	sst s8  }
0x11: {  	[smem:$0x3FAA] =	sst s9;
	s0 =	simm.s32 @!p0 $0x0  }
0x12: {  	s1 =	sld [smem:$0x3F90];
	s0 =	simm.s32 @p0 $0x1  }
0x13: {  	[smem:$0x3FAB] =	sst s0;
	s0 =	simm.s32 @!p1 $0x0  }
0x14: {  	s2 =	sld [smem:$0x3F8F];
	s0 =	simm.s32 @p1 $0x1  }
0x15: {  	[smem:$0x3FAC] =	sst s0;
	s0 =	simm.s32 @!p2 $0x0  }
0x16: {  	s3 =	sld [smem:$0x3FDB];
	s0 =	simm.s32 @p2 $0x1  }
0x17: {  	s4 =	simm.s32 $0x1BF5;
	[smem:$0x3FAE] =	sst s0  }
0x18: {  	s0 =	sld [smem:$0x3F91];
	_ =	swait.ge [sflag:s4], $0x0  }
0x19: {  	s7 =	sld [smem:$0x3F92]  }
0x1a: {  	s8 =	sadd.s32 $0xFFFFE003, lr  }
0x1b: {  	s9 =	sadd.s32 $0xFFFFFEF7, lr;
	s5 =	simm.s32 $0xFFFFFFFF;
	p2 =	slt.u32 s8, $0xFFFFF086  }
0x1c: {  	p1 =	slt.u32 s9, $0xF7A;
	s5 =	simm.s32 @!p2 $0x0  }
0x1d: {  	s5 =	simm.s32 @p1 $0x1;
	p0 =	seq.s32 s7, s2  }
0x1e: {  	s7 =	smul.u32 @!p0 $0xF7A, s2;
	p2 =	seq.s32 @!p0 s5, $0x0  }
0x1f: {  	s9 =	smul.u32 $0xF7A, s1;
	s8 =	simm.s32 @!p0 $0x1BF5;
	p2 =	por !p2, p0  }
0x20: {  	[sflag:s8] =	ssyncset.s32 @!p0 $0xFFFFF086;
	s6 =	sadd.s32 @!p0 s3, s7;
	s7 =	simm.s32 @!p0 $0x108  }
0x21: {  	s3 =	sadd.s32 s3, s9;
	s6 =	sadd.s32 @!p0 $0x88, s6;
	s7 =	simm.s32 @p2 $0x1082  }
0x22: {  	[simem:s7], [sflag:s8] =	dma.local @!p0 [hbm:s6], $0xF7A  }
0x23: {  	s9 =	sor.u32 $0xD0000000, s2;
	s6 =	simm.s32 $0x108;
	_ =	swait.ge @!p0 [sflag:s8], $0x0  }
0x24: {  	s3 =	sadd.s32 $0x88, s3;
	s6 =	simm.s32 @!p1 $0x1082;
	[sflag:s4] =	ssyncset.s32 $0xFFFFF086  }
0x25: {  	[simem:s6], [sflag:s4] =	dma.local [hbm:s3], $0xF7A  }
0x26: {  	[smem:$0x3F92] =	sst s1;
	(tag) =	ssettag s2;
	_ =	strace s9  }
0x27: {  	s1 =	sld [smem:$0x3FA2]  }
0x28: {  	s2 =	sld [smem:$0x3FA3]  }
0x29: {  	s4 =	sld [smem:$0x3FA5]  }
0x2a: {  	p0 =	seq.s32 s5, $0x0;
	s5 =	sld [smem:$0x3FA6]  }
0x2b: {  	s6 =	sld [smem:$0x3FA7]  }
0x2c: {  	s7 =	sld [smem:$0x3FA8]  }
0x2d: {  	s3 =	simm.s32 $0x108;
	s8 =	sld [smem:$0x3FA9]  }
0x2e: {  	s3 =	simm.s32 @!p0 $0x1082;
	s9 =	sld [smem:$0x3FAA]  }
0x2f: {  	lr =	sadd.s32 s0, s3;
	s0 =	sld [smem:$0x3FA1]  }
0x30: {  	s3 =	sld [smem:$0x3FA4]  }
0x31: {  	[smem:$0x3FAD] =	sst s10  }
0x32: {  	s10 =	sld [smem:$0x3FAB];
	_ =	sdelay $0x3  }
0x33: {  	p0 =	seq.s32 s10, $0x1;
	s10 =	sld [smem:$0x3FAD];
	_ =	sdelay $0x3  }
0x34: {  	[smem:$0x3FAD] =	sst s10  }
0x35: {  	s10 =	sld [smem:$0x3FAC];
	_ =	sdelay $0x3  }
0x36: {  	p1 =	seq.s32 s10, $0x1;
	s10 =	sld [smem:$0x3FAD];
	_ =	sdelay $0x3  }
0x37: {  	[smem:$0x3FAD] =	sst s10  }
0x38: {  	s10 =	sld [smem:$0x3FAE]  }
0x39: {  	_ = 	snop;
	(pc) =	sbr.ind lr, $3  }
0x3a: {  	_ = 	snop  }
0x3b: {  	_ = 	snop  }
0x3c: {  	p2 =	seq.s32 s10, $0x1;
	s10 =	sld [smem:$0x3FAD]  }
0x3d: {  	_ =	shalt  }
0x3e: {  	_ =	shalt  }
0x3f: {  	_ =	shalt  }
0x40: {  	_ =	shalt  }
0x41: {  	_ =	shalt  }
0x42: {  	_ =	shalt  }
0x43: {  	_ =	shalt  }
0x44: {  	_ =	shalt  }
0x45: {  	_ =	shalt  }
0x46: {  	_ =	shalt  }
0x47: {  	_ =	shalt  }
0x48: {  	_ =	shalt  }
0x49: {  	_ =	shalt  }
0x4a: {  	_ =	shalt  }
0x4b: {  	_ =	shalt  }
0x4c: {  	_ =	shalt  }
0x4d: {  	_ =	shalt  }
0x4e: {  	_ =	shalt  }
0x4f: {  	_ =	shalt  }
0x50: {  	_ =	shalt  }
0x51: {  	_ =	shalt  }
0x52: {  	_ =	shalt  }
0x53: {  	_ =	shalt  }
0x54: {  	_ =	shalt  }
0x55: {  	_ =	shalt  }
0x56: {  	_ =	shalt  }
0x57: {  	_ =	shalt  }
0x58: {  	_ =	shalt  }
0x59: {  	_ =	shalt  }
0x5a: {  	_ =	shalt  }
0x5b: {  	_ =	shalt  }
0x5c: {  	_ =	shalt  }
0x5d: {  	_ =	shalt  }
0x5e: {  	_ =	shalt  }
0x5f: {  	_ =	shalt  }
0x60: {  	_ =	shalt  }
0x61: {  	_ =	shalt  }
0x62: {  	_ =	shalt  }
0x63: {  	_ =	shalt  }
0x64: {  	_ =	shalt  }
0x65: {  	_ =	shalt  }
0x66: {  	_ =	shalt  }
0x67: {  	_ =	shalt  }
0x68: {  	_ =	shalt  }
0x69: {  	_ =	shalt  }
0x6a: {  	_ =	shalt  }
0x6b: {  	_ =	shalt  }
0x6c: {  	_ =	shalt  }
0x6d: {  	_ =	shalt  }
0x6e: {  	_ =	shalt  }
0x6f: {  	_ =	shalt  }
0x70: {  	_ =	shalt  }
0x71: {  	_ =	shalt  }
0x72: {  	_ =	shalt  }
0x73: {  	_ =	shalt  }
0x74: {  	_ =	shalt  }
0x75: {  	_ =	shalt  }
0x76: {  	_ =	shalt  }
0x77: {  	_ =	shalt  }
0x78: {  	_ =	shalt  }
0x79: {  	_ =	shalt  }
0x7a: {  	_ =	shalt  }
0x7b: {  	_ =	shalt  }
0x7c: {  	_ =	shalt  }
0x7d: {  	_ =	shalt  }
0x7e: {  	_ =	shalt  }
0x7f: {  	_ =	shalt  }
0x80: {  	_ =	shalt  }
0x81: {  	_ =	shalt  }
0x82: {  	_ =	shalt  }
0x83: {  	_ =	shalt  }
0x84: {  	_ =	shalt  }
0x85: {  	_ =	shalt  }
0x86: {  	_ =	shalt  }
0x87: {  	_ =	shalt  }
.Lfunc_end0:
.L_simem_size_0:
called_computation.1_lowered:
.L_overlay_start_0:
0x88: {  	s2 =	sld [smem:$0x3FD9]  }
0x89: {  	s3 =	sld [smem:$0x3FFE];
	_ =	sdelay $0x1  }
0x8a: {  	s1 =	srdreg.scid  }
0x8b: {  	s0 =	sand.u32 $0x1, s1  }
0x8c: {  	s16 =	sshll.u32 s0, $0xA;
	s2 =	sadd.s32 s3, s2  }
0x8d: {  	s2 =	sadd.s32 s2, s16  }
0x8e: {  	[smem:$0x3FB9] =	sst s2  }
0x8f: {  	_ = 	snop  }
0x90: {  	(tm) =	ssettm $0x1  }
0x91: {  	s17 =	sld [smem:$0x3FFB];
	_ =	sdelay $0x3  }
0x92: {  	_ =	strace s17  }
0x93: {  	s2 =	sld [smem:$0x3FFC];
	_ =	sdelay $0x3  }
0x94: {  	_ =	strace s2  }
0x95: {  	s2 =	sld [smem:$0x3FFD];
	_ =	sdelay $0x3  }
0x96: {  	_ =	strace s2  }
0x97: {  	_ =	strace $0x8FFFFFFF  }
0x98: {  	s18 =	sld [smem:$0x3FDB];
	_ =	sdelay $0x1  }
0x99: {  	s19 =	simm.s32 $_scs_section_size  }
0x9a: {  	s4 =	simm.s32 $_size__tile_overlayer_lowered;
	s5 =	simm.s32 $_tile_overlayer_lowered  }
0x9b: {  	s22 =	simm.s32 $0x1BFF;
	s21 =	sshll.u32 s5, $0x1;
	s2 =	sadd.s32 s19, s18  }
0x9c: {  	s6 =	simm.s32 $0x0;
	s20 =	sshll.u32 s4, $0x1;
	s4 =	sadd.s32 s21, s2  }
0x9d: {  	[timem:s6], [sflag:s22] =	dma.local [hbm:s4], s20  }
0x9e: {  	_ =	swait.ge [sflag:s22], s20  }
0x9f: {  	s3 =	ssub.s32 $0x0, s20;
	[sflag:s22] =	ssyncset.done $0x0  }
0xa0: {  	[sflag:s22] =	ssyncadd.s32 s3;
	_ =	sdelay $0x1  }
0xa1: {  	s23 =	simm.s32 $0x1B8B  }
0xa2: {  	_ =	swait.ge [sflag:s23], $0x1  }
0xa3: {  	[sflag:s23] =	ssyncset.done $0x0  }
0xa4: {  	s25 =	simm.s32 $0x1B8E;
	s24 =	sld [smem:$0x3FFE];
	[sflag:s23] =	ssyncadd.s32 $0xFFFFFFFF  }
0xa5: {  	s26 =	simm.s32 $execute0_lowered;
	[smem:$0x3FD2] =	sst s25  }
0xa6: {  	s4 =	sshll.u32 s26, $0x1;
	_ =	strace $0x80000049;
	[dreg:$0x1] =	wrdreg $0xFFFFFFFF  }
0xa7: {  	s28 =	simm.s32 $_size_execute0_lowered;
	s2 =	sadd.s32 s2, s4;
	[dreg:$0x0] =	wrdreg $0x0  }
0xa8: {  	s4 =	sshll.u32 s28, $0x1;
	[dreg:$0x2] =	wrdreg s2  }
0xa9: {  	[dreg:$0x3] =	wrdreg s4  }
0xaa: {  	[dreg:$0x4] =	wrdreg $0xC0  }
0xab: {  	_ =	task [dreg:s6], $0x5FFFF  }
0xac: {  	[dreg:$0x1] =	wrdreg $0xFFFFFFFF  }
0xad: {  	[dreg:$0x0] =	wrdreg $0x60  }
0xae: {  	[dreg:$0x2] =	wrdreg s24  }
0xaf: {  	[dreg:$0x3] =	wrdreg $0xDB800  }
0xb0: {  	[dreg:$0x4] =	wrdreg $0x9  }
0xb1: {  	_ =	task.clear_ibuf [dreg:s6], $0x5FFFF;
	_ =	strace $0x90000049  }
0xb2: {  	s29 =	simm.s32 $0x9;
	_ =	strace $0x8000004B  }
0xb3: {  	_ =	swait.ge [sflag:s29], $0x1  }
0xb4: {  	[sflag:s29] =	ssyncadd.s32 $0xFFFFFFFF  }
0xb5: {  	_ =	strace $0x9000004B  }
0xb6: {  	_ =	sfence  }
0xb7: {  	s30 =	sld [smem:$0x0];
	_ =	sdelay $0x2  }
0xb8: {  	s31 =	sshll.u32 s1, $0xD;
	s1 =	sshrl.u32 s1, $0x2  }
0xb9: {  	s3 =	sand.u32 $0x4000, s31;
	s1 =	sadd.s32 s1, s30  }
0xba: {  	s0 =	sor.u32 s3, s0;
	s1 =	sshll.u32 s1, $0x11  }
0xbb: {  	s0 =	sor.u32 s1, s0  }
0xbc: {  	s0 =	sadd.s32 $0x8F2B, s0  }
0xbd: {  	[sflag:s0] =	ssyncadd.remote.s32 $0x1  }
0xbe: {  	_ =	sfence.sel $0xFFFF  }
0xbf: {  	[dreg:$0x0] =	wrdreg $0xFFFFFFFF;
	(pc) =	sbr.abs _section_cstart, $3  }
0xc0: {  	[dreg:$0x1] =	wrdreg $0xFFFFFFFF  }
0xc1: {  	_ =	task.clear_ibuf [dreg:s6], $0x2FFFF;
	_ =	strace $0x9FFFFFFF  }
0xc2: {  	(tm) =	ssettm $0x7FFFFFFF  }
0xc3: {  	_ =	shalt  }
tec
execute0_lowered:
.L_overlay_start_1:
0x0: {  	(tag) =	ssettag $0x1  }
0x1: {  	s0 =	rddreg [dreg:$0x0]  }
0x2: {  	s1 =	rddreg [dreg:$0x1]  }
0x3: {  	s2 =	simm.s32 $0x0;
	s3 =	srdreg.scid;
	s15 =	stileid.u32  }
0x4: {  	s28 =	simm.s32 $0x7800;
	s29 =	simm.s32 $0x5;
	s30 =	simm.s32 $0xA000  }
0x5: {  	[smem:$0x7FF] =	sst s2;
	s4 =	sadd.s32 $0x23200, s0;
	s5 =	smul.u32 $0x27000, s15  }
0x6: {  	s3 =	sand.u32 $0x1, s3;
	s6 =	sadd.s32 $0x13800, s0;
	s7 =	sadd.s32 $0x3400, s0  }
0x7: {  	s0 =	sadd.s32 $0x4A400, s0;
	s12 =	smul.u32 $0x7D00, s15;
	s5 =	sshrl.u32 s5, $0x2  }
0x8: {  	p0 =	sne.s32 s15, $0x0;
	_ =	strace $0x8000004A;
	s22 =	sadd.s32 s5, s1  }
0x9: {  	s8 =	ssub.s32 $0x2, s3;
	s13 =	sadd.s32 $0xC00, s22;
	[dreg:$0x5] =	wrdreg s22  }
0xa: {  	s18 =	smul.u32 $0x9C400, s3;
	s14 =	sadd.s32 $0x1800, s22;
	[dreg:$0x6] =	wrdreg s13  }
0xb: {  	s9 =	sshrl.u32 s8, $0x1;
	s16 =	sadd.s32 $0x2400, s22;
	[dreg:$0x7] =	wrdreg s14  }
0xc: {  	s5 =	sshrl.u32 s12, $0x3;
	s17 =	sadd.s32 $0x3000, s22;
	[dreg:$0x8] =	wrdreg s16  }
0xd: {  	s10 =	sor.u32 $0x10, s5;
	[dreg:$0x9] =	wrdreg s17;
	s13 =	sadd.s32 s6, s5  }
0xe: {  	s11 =	sadd.s32 $0x20, s5;
	s19 =	sadd.s32 s6, s10;
	[dreg:$0xa] =	wrdreg s13  }
0xf: {  	s21 =	sadd.s32 $0x30, s5;
	s20 =	sadd.s32 s6, s11;
	[dreg:$0xb] =	wrdreg s19  }
0x10: {  	s8 =	ssub.s32 s8, s9;
	s16 =	sadd.s32 s6, s21;
	[dreg:$0xc] =	wrdreg s20  }
0x11: {  	s24 =	sadd.s32 $0x40, s5;
	s5 =	sadd.s32 s7, s5;
	[dreg:$0xd] =	wrdreg s16  }
0x12: {  	s12 =	smul.u32 $0x9C00, s15;
	s25 =	sadd.s32 s7, s10;
	[dreg:$0xf] =	wrdreg s5  }
0x13: {  	s9 =	sshrl.u32 s18, $0x3;
	s26 =	sadd.s32 s7, s11;
	[dreg:$0x10] =	wrdreg s25  }
0x14: {  	s12 =	sadd.s32 s12, s18;
	s31 =	sadd.s32 s7, s21;
	[dreg:$0x11] =	wrdreg s26  }
0x15: {  	s14 =	smul.u32 $0xFA0, s15;
	s10 =	sadd.s32 s7, s24;
	[dreg:$0x12] =	wrdreg s31  }
0x16: {  	s11 =	sadd.s32 s6, s24;
	s21 =	sadd.s32 $0x6000, s22;
	[dreg:$0x13] =	wrdreg s10  }
0x17: {  	s24 =	sadd.s32 $0x7800, s22;
	s17 =	simm.s32 $0x1;
	[dreg:$0x14] =	wrdreg s11  }
0x18: {  	s18 =	simm.s32 $0x50;
	s15 =	simm.s32 $0x7;
	[dreg:$0x1a] =	wrdreg s21  }
0x19: {  	s12 =	sshrl.u32 s12, $0x3;
	s13 =	sadd.s32 $0x3C00, s22;
	[dreg:$0x1c] =	wrdreg s24  }
0x1a: {  	s16 =	smul.u32 $0x1388, s3;
	s19 =	smax.u32 s8, $0x1;
	[dreg:$0x15] =	wrdreg s13  }
0x1b: {  	s20 =	sadd.s32 $0x5400, s22;
	s25 =	sadd.s32 $0x8400, s22;
	[dreg:$0x18] =	wrdreg s19  }
0x1c: {  	s26 =	sadd.s32 $0x9000, s22;
	s31 =	sadd.s32 $0x9C000, s1;
	[dreg:$0x19] =	wrdreg s20  }
0x1d: {  	s24 =	simm.s32 $0xC900;
	s21 =	simm.s32 $0x3;
	[dreg:$0x1d] =	wrdreg s25  }
0x1e: {  	s5 =	simm.s32 $0x8;
	s3 =	simm.s32 $0xB;
	[dreg:$0x1e] =	wrdreg s26  }
0x1f: {  	s12 =	sadd.s32 s0, s12;
	s0 =	sadd.s32 s0, s9;
	[dreg:$0x1f] =	wrdreg s31  }
0x20: {  	s23 =	sadd.s32 s14, s7;
	s26 =	simm.s32 $0xCA00;
	[dreg:$0xe] =	wrdreg s12  }
0x21: {  	s19 =	simm.s32 $0x2;
	[dreg:$0x3] =	wrdreg s23;
	s12 =	sadd.s32 s14, s6  }
0x22: {  	s25 =	simm.s32 $0x4;
	s14 =	sadd.s32 $0x4800, s22;
	[dreg:$0x4] =	wrdreg s12  }
0x23: {  	s13 =	simm.s32 $0xA;
	s0 =	sadd.s32 $0x13800, s0;
	[dreg:$0x16] =	wrdreg s14  }
0x24: {  	s7 =	simm.s32 $0x0;
	s23 =	sadd.s32 $0x6C00, s22;
	[dreg:$0x17] =	wrdreg s0  }
0x25: {  	v2 =	vlaneseq.u32;
	s6 =	simm.s32 $0x9;
	[dreg:$0x1b] =	wrdreg s23;
	s23 =	simm.s32 $0x5000  }
0x26: {  	v1 =	vimm.f32 $0.0e+00;
	v2 =	vadd.s32 $0x1388, v2;
	v0 =	vmov s16;
	s0 =	simm.s32 $0x6;
	s12 =	simm.s32 $0xCD00;
	s14 =	simm.s32 $0xC  }
.LBB2_1:
0x27: {  	s9 =	sand.u32 $0x3E00, s2  }
0x28: {  	[smem:$0x7FD] =	sst s7;
	s10 =	sand.u32 $0x70, s2;
	s11 =	sshrl.u32 s9, $0x2  }
0x29: {  	s9 =	simm.s32 $0x40;
	s11 =	sor.u32 s10, s11;
	s10 =	simm.s32 $0x0  }
.LBB2_2:
0x2a: {  	p1 =	sne.s32 s9, $0x2FC0  }
0x2b: {  	[tilespmem:s11+$0xCF80] =	vst v1;
	s10 =	sadd.s32 $0x10, s10;
	s11 =	smov.u32 s9;
	s9 =	sadd.s32 $0x40, s9  }
.Ltmp0:
0x2c: {  	(pc) =	sbr.rel @p1 .LBB2_2-.Ltmp0, $4  }
0x2d: {  	_ = 	snop  }
0x2e: {  	s11 =	sand.u32 $0x3E00, s11  }
0x2f: {  	s20 =	sand.u32 $0x70, s10;
	s11 =	sshrl.u32 s11, $0x2  }
0x30: {  	s11 =	sor.u32 s20, s11  }
0x31: {  	[tilespmem:s11+$0xCF80] =	vst v1;
	s10 =	simm.s32 $0xCF80;
	s11 =	simm.s32 $0x15  }
0x32: {  	[spmem:s22] =	stream.linear.scatter [tilespmem:s10], [sflag:$0x15], $0xC00, $0x38;
	[tilespmem:$0x17840] =	vst v63  }
0x33: {  	_ =	swait.ge [sflag:s11], $0xC00  }
0x34: {  	[sflag:s11] =	ssyncset.done $0x0  }
0x35: {  	s9 =	rddreg [dreg:$0x6];
	[sflag:s11] =	ssyncadd.s32 $0xFFFFF400  }
0x36: {  	[spmem:s9] =	stream.linear.scatter [tilespmem:s10], [sflag:$0x15], $0xC00, $0x38;
	[tilespmem:$0x17840] =	vst v63  }
0x37: {  	_ =	swait.ge [sflag:s11], $0xC00  }
0x38: {  	[sflag:s11] =	ssyncset.done $0x0  }
0x39: {  	s16 =	rddreg [dreg:$0x7];
	[sflag:s11] =	ssyncadd.s32 $0xFFFFF400  }
0x3a: {  	[spmem:s16] =	stream.linear.scatter [tilespmem:s10], [sflag:$0x15], $0xC00, $0x38;
	[tilespmem:$0x17840] =	vst v63  }
0x3b: {  	_ =	swait.ge [sflag:s11], $0xC00  }
0x3c: {  	[sflag:s11] =	ssyncset.done $0x0  }
0x3d: {  	s20 =	rddreg [dreg:$0x8];
	[sflag:s11] =	ssyncadd.s32 $0xFFFFF400  }
0x3e: {  	[spmem:s20] =	stream.linear.scatter [tilespmem:s10], [sflag:$0x15], $0xC00, $0x38;
	[tilespmem:$0x17840] =	vst v63  }
0x3f: {  	_ =	swait.ge [sflag:s11], $0xC00  }
0x40: {  	[sflag:s11] =	ssyncset.done $0x0  }
0x41: {  	s22 =	rddreg [dreg:$0x9];
	[sflag:s11] =	ssyncadd.s32 $0xFFFFF400  }
0x42: {  	[spmem:s22] =	stream.linear.scatter [tilespmem:s10], [sflag:$0x15], $0xC00, $0x38;
	[tilespmem:$0x17840] =	vst v63  }
0x43: {  	_ =	swait.ge [sflag:s11], $0xC00  }
0x44: {  	[sflag:s11] =	ssyncset.done $0x0  }
0x45: {  	s7 =	rddreg [dreg:$0x15];
	[sflag:s11] =	ssyncadd.s32 $0xFFFFF400  }
0x46: {  	[spmem:s7] =	stream.linear.scatter [tilespmem:s10], [sflag:$0x15], $0xC00, $0x38;
	[tilespmem:$0x17840] =	vst v63  }
0x47: {  	_ =	swait.ge [sflag:s11], $0xC00  }
0x48: {  	[sflag:s11] =	ssyncset.done $0x0  }
0x49: {  	s8 =	rddreg [dreg:$0x16];
	[sflag:s11] =	ssyncadd.s32 $0xFFFFF400  }
0x4a: {  	[spmem:s8] =	stream.linear.scatter [tilespmem:s10], [sflag:$0x15], $0xC00, $0x38;
	[tilespmem:$0x17840] =	vst v63  }
0x4b: {  	_ =	swait.ge [sflag:s11], $0xC00  }
0x4c: {  	[sflag:s11] =	ssyncset.done $0x0  }
0x4d: {  	s16 =	rddreg [dreg:$0x19];
	[sflag:s11] =	ssyncadd.s32 $0xFFFFF400  }
0x4e: {  	[spmem:s16] =	stream.linear.scatter [tilespmem:s10], [sflag:$0x15], $0xC00, $0x38;
	[tilespmem:$0x17840] =	vst v63  }
0x4f: {  	_ =	swait.ge [sflag:s11], $0xC00  }
0x50: {  	[sflag:s11] =	ssyncset.done $0x0  }
0x51: {  	s20 =	rddreg [dreg:$0x1a];
	[sflag:s11] =	ssyncadd.s32 $0xFFFFF400  }
0x52: {  	[spmem:s20] =	stream.linear.scatter [tilespmem:s10], [sflag:$0x15], $0xC00, $0x38;
	[tilespmem:$0x17840] =	vst v63  }
0x53: {  	_ =	swait.ge [sflag:s11], $0xC00  }
0x54: {  	[sflag:s11] =	ssyncset.done $0x0  }
0x55: {  	s22 =	rddreg [dreg:$0x1b];
	[sflag:s11] =	ssyncadd.s32 $0xFFFFF400  }
0x56: {  	[spmem:s22] =	stream.linear.scatter [tilespmem:s10], [sflag:$0x15], $0xC00, $0x38;
	[tilespmem:$0x17840] =	vst v63  }
0x57: {  	_ =	swait.ge [sflag:s11], $0xC00  }
0x58: {  	[sflag:s11] =	ssyncset.done $0x0  }
0x59: {  	s7 =	rddreg [dreg:$0x1c];
	[sflag:s11] =	ssyncadd.s32 $0xFFFFF400  }
0x5a: {  	[spmem:s7] =	stream.linear.scatter [tilespmem:s10], [sflag:$0x15], $0xC00, $0x38;
	[tilespmem:$0x17840] =	vst v63  }
0x5b: {  	_ =	swait.ge [sflag:s11], $0xC00  }
0x5c: {  	[sflag:s11] =	ssyncset.done $0x0  }
0x5d: {  	s8 =	rddreg [dreg:$0x1d];
	[sflag:s11] =	ssyncadd.s32 $0xFFFFF400  }
0x5e: {  	[spmem:s8] =	stream.linear.scatter [tilespmem:s10], [sflag:$0x15], $0xC00, $0x38;
	[tilespmem:$0x17840] =	vst v63  }
0x5f: {  	_ =	swait.ge [sflag:s11], $0xC00  }
0x60: {  	[sflag:s11] =	ssyncset.done $0x0  }
0x61: {  	s16 =	rddreg [dreg:$0x1e];
	[sflag:s11] =	ssyncadd.s32 $0xFFFFF400  }
0x62: {  	[spmem:s16] =	stream.linear.scatter [tilespmem:s10], [sflag:$0x15], $0xC00, $0x38;
	[tilespmem:$0x17840] =	vst v63  }
0x63: {  	_ =	swait.ge [sflag:s11], $0xC00  }
0x64: {  	[sflag:s11] =	ssyncset.done $0x0  }
0x65: {  	s9 =	simm.s32 @!p0 $0xCF80;
	s10 =	rddreg [dreg:$0x1f];
	[sflag:s11] =	ssyncadd.s32 $0xFFFFF400  }
0x66: {  	[spmem:s10] =	stream.linear.scatter @!p0 [tilespmem:s9], [sflag:$0x15], $0xC00, $0x38;
	[tilespmem:$0x17840] =	vst v63  }
0x67: {  	s9 =	simm.s32 @!p0 $0x15  }
0x68: {  	_ =	swait.ge @!p0 [sflag:s9], $0xC00  }
0x69: {  	[sflag:s9] =	ssyncset.done @!p0 $0x0  }
0x6a: {  	[sflag:s9] =	ssyncadd.s32 @!p0 $0xFFFFF400  }
0x6b: {  	[bflag:$0x0] =	sbarrier.arrive $0xFFFF  }
0x6c: {  	s22 =	simm.s32 $0xC800;
	s9 =	simm.s32 $0x0;
	s20 =	rddreg [dreg:$0xa]  }
0x6d: {  	[tilespmem:s22], [sflag:$0x1] =	stream.linear.gather [hbm4b:s20+s9], $0x80, $0x38;
	[tilespmem:$0x17840] =	vst v63  }
0x6e: {  	s7 =	rddreg [dreg:$0xb];
	s20 =	simm.s32 $0xC880  }
0x6f: {  	[tilespmem:s20], [sflag:$0x2] =	stream.linear.gather [hbm4b:s7+s9], $0x80, $0x38;
	[tilespmem:$0x17840] =	vst v63  }
0x70: {  	s8 =	rddreg [dreg:$0xc]  }
0x71: {  	[tilespmem:s24], [sflag:$0x3] =	stream.linear.gather [hbm4b:s8+s9], $0x80, $0x38;
	[tilespmem:$0x17840] =	vst v63  }
0x72: {  	s11 =	rddreg [dreg:$0xd];
	s7 =	simm.s32 $0xC980  }
0x73: {  	[tilespmem:s7], [sflag:$0x4] =	stream.linear.gather [hbm4b:s11+s9], $0x80, $0x38;
	[tilespmem:$0x17840] =	vst v63  }
0x74: {  	s16 =	rddreg [dreg:$0x14]  }
0x75: {  	[tilespmem:s26], [sflag:$0x5] =	stream.linear.gather [hbm4b:s16+s9], $0x80, $0x38;
	[tilespmem:$0x17840] =	vst v63  }
0x76: {  	s31 =	simm.s32 $0xCA80;
	s7 =	rddreg [dreg:$0xf]  }
0x77: {  	[tilespmem:s31], [sflag:$0x6] =	stream.linear.gather [hbm4b:s7+s9], $0x80, $0x38;
	[tilespmem:$0x17840] =	vst v63  }
0x78: {  	s11 =	rddreg [dreg:$0x10];
	s16 =	simm.s32 $0xCB00  }
0x79: {  	[tilespmem:s16], [sflag:$0x7] =	stream.linear.gather [hbm4b:s11+s9], $0x80, $0x38;
	[tilespmem:$0x17840] =	vst v63  }
0x7a: {  	s11 =	rddreg [dreg:$0x11];
	s16 =	simm.s32 $0xCB80  }
0x7b: {  	[tilespmem:s16], [sflag:$0x8] =	stream.linear.gather [hbm4b:s11+s9], $0x80, $0x38;
	[tilespmem:$0x17840] =	vst v63  }
0x7c: {  	s11 =	rddreg [dreg:$0x12];
	s16 =	simm.s32 $0xCC00  }
0x7d: {  	[tilespmem:s16], [sflag:$0x9] =	stream.linear.gather [hbm4b:s11+s9], $0x80, $0x38;
	[tilespmem:$0x17840] =	vst v63  }
0x7e: {  	s7 =	rddreg [dreg:$0x13];
	s11 =	simm.s32 $0xCC80  }
0x7f: {  	[tilespmem:s11], [sflag:$0xA] =	stream.linear.gather [hbm4b:s7+s9], $0x80, $0x38;
	[tilespmem:$0x17840] =	vst v63  }
0x80: {  	_ =	swait.ge [sflag:s17], $0x80  }
0x81: {  	[sflag:s17] =	ssyncset.done $0x0  }
0x82: {  	[sflag:s17] =	ssyncadd.s32 $0xFFFFFF80  }
0x83: {  	[tilespmem:s9], [sflag:$0xB] =	stream.indirect.gather [hbm4b:s4+s18], $0x80, s22, s18, $0xb8;
	[tilespmem:$0x17840] =	vst v63  }
0x84: {  	_ =	swait.ge [sflag:s19], $0x80  }
0x85: {  	[sflag:s19] =	ssyncset.done $0x0  }
0x86: {  	s7 =	simm.s32 $0x2800;
	[sflag:s19] =	ssyncadd.s32 $0xFFFFFF80  }
0x87: {  	[tilespmem:s7], [sflag:$0xC] =	stream.indirect.gather [hbm4b:s4+s18], $0x80, s20, s18, $0xb8;
	[tilespmem:$0x17840] =	vst v63  }
0x88: {  	_ =	swait.ge [sflag:s21], $0x80  }
0x89: {  	[sflag:s21] =	ssyncset.done $0x0  }
0x8a: {  	[sflag:s21] =	ssyncadd.s32 $0xFFFFFF80  }
0x8b: {  	[tilespmem:s23], [sflag:$0xD] =	stream.indirect.gather [hbm4b:s4+s18], $0x80, s24, s18, $0xb8;
	[tilespmem:$0x17840] =	vst v63  }
0x8c: {  	_ =	swait.ge [sflag:s25], $0x80  }
0x8d: {  	[sflag:s25] =	ssyncset.done $0x0  }
0x8e: {  	s8 =	simm.s32 $0xC980;
	[sflag:s25] =	ssyncadd.s32 $0xFFFFFF80  }
0x8f: {  	[tilespmem:s28], [sflag:$0xE] =	stream.indirect.gather [hbm4b:s4+s18], $0x80, s8, s18, $0xb8;
	[tilespmem:$0x17840] =	vst v63  }
0x90: {  	_ =	swait.ge [sflag:s29], $0x80  }
0x91: {  	[sflag:s29] =	ssyncset.done $0x0  }
0x92: {  	[sflag:s29] =	ssyncadd.s32 $0xFFFFFF80  }
0x93: {  	[tilespmem:s30], [sflag:$0xF] =	stream.indirect.gather [hbm4b:s4+s18], $0x80, s26, s18, $0xb8;
	[tilespmem:$0x17840] =	vst v63  }
0x94: {  	_ =	swait.ge [sflag:s0], $0x80  }
0x95: {  	[sflag:s0] =	ssyncset.done $0x0  }
0x96: {  	[sflag:s0] =	ssyncadd.s32 $0xFFFFFF80  }
0x97: {  	v3 =	vld [tilespmem:$0xCA80]  }
0x98: {  	v4 =	vld [tilespmem:$0xCA90]  }
0x99: {  	v5 =	vld [tilespmem:$0xCAA0]  }
0x9a: {  	v6 =	vld [tilespmem:$0xCAB0]  }
0x9b: {  	v7 =	vld [tilespmem:$0xCAC0]  }
0x9c: {  	v3 =	vsub.s32 v3, v0  }
0x9d: {  	v4 =	vsub.s32 v4, v0;
	vm0 =	vlt.u32 v3, $0x1388  }
0x9e: {  	v5 =	vsub.s32 v5, v0;
	vm9 =	vlt.u32 v4, $0x1388;
	v3 =	vsel vm0, v3, v2  }
0x9f: {  	vm10 =	vlt.u32 v5, $0x1388;
	[tilespmem:$0xCD00] =	vst v3;
	v3 =	vsel vm9, v4, v2;
	v4 =	vsub.s32 v6, v0  }
0xa0: {  	[tilespmem:$0xCD10] =	vst v3;
	v3 =	vsel vm10, v5, v2;
	vm11 =	vlt.u32 v4, $0x1388;
	v5 =	vsub.s32 v7, v0  }
0xa1: {  	[tilespmem:$0xCD20] =	vst v3;
	v3 =	vsel vm11, v4, v2;
	vm12 =	vlt.u32 v5, $0x1388  }
0xa2: {  	[tilespmem:$0xCD30] =	vst v3;
	v3 =	vsel vm12, v5, v2  }
0xa3: {  	[tilespmem:$0xCD40] =	vst v3  }
0xa4: {  	_ =	swait.ge [sflag:s15], $0x80  }
0xa5: {  	[sflag:s15] =	ssyncset.done $0x0  }
0xa6: {  	[sflag:s15] =	ssyncadd.s32 $0xFFFFFF80  }
0xa7: {  	v3 =	vld [tilespmem:$0xCB00]  }
0xa8: {  	v4 =	vld [tilespmem:$0xCB10]  }
0xa9: {  	v5 =	vld [tilespmem:$0xCB20]  }
0xaa: {  	v6 =	vld [tilespmem:$0xCB30]  }
0xab: {  	v7 =	vld [tilespmem:$0xCB40]  }
0xac: {  	v3 =	vsub.s32 v3, v0  }
0xad: {  	v4 =	vsub.s32 v4, v0;
	vm13 =	vlt.u32 v3, $0x1388  }
0xae: {  	v5 =	vsub.s32 v5, v0;
	vm14 =	vlt.u32 v4, $0x1388;
	v3 =	vsel vm13, v3, v2  }
0xaf: {  	vm15 =	vlt.u32 v5, $0x1388;
	[tilespmem:$0xCD80] =	vst v3;
	v3 =	vsel vm14, v4, v2;
	v4 =	vsub.s32 v6, v0  }
0xb0: {  	[tilespmem:$0xCD90] =	vst v3;
	v3 =	vsel vm15, v5, v2;
	vm4 =	vlt.u32 v4, $0x1388;
	v5 =	vsub.s32 v7, v0  }
0xb1: {  	[tilespmem:$0xCDA0] =	vst v3;
	v3 =	vsel vm4, v4, v2;
	vm5 =	vlt.u32 v5, $0x1388  }
0xb2: {  	[tilespmem:$0xCDB0] =	vst v3;
	v3 =	vsel vm5, v5, v2  }
0xb3: {  	[tilespmem:$0xCDC0] =	vst v3  }
0xb4: {  	_ =	swait.ge [sflag:s5], $0x80  }
0xb5: {  	[sflag:s5] =	ssyncset.done $0x0  }
0xb6: {  	[sflag:s5] =	ssyncadd.s32 $0xFFFFFF80  }
0xb7: {  	v3 =	vld [tilespmem:$0xCB80]  }
0xb8: {  	v4 =	vld [tilespmem:$0xCB90]  }
0xb9: {  	v5 =	vld [tilespmem:$0xCBA0]  }
0xba: {  	v6 =	vld [tilespmem:$0xCBB0]  }
0xbb: {  	v7 =	vld [tilespmem:$0xCBC0]  }
0xbc: {  	v3 =	vsub.s32 v3, v0  }
0xbd: {  	v4 =	vsub.s32 v4, v0;
	vm6 =	vlt.u32 v3, $0x1388  }
0xbe: {  	v5 =	vsub.s32 v5, v0;
	vm7 =	vlt.u32 v4, $0x1388;
	v3 =	vsel vm6, v3, v2  }
0xbf: {  	vm8 =	vlt.u32 v5, $0x1388;
	[tilespmem:$0xCE00] =	vst v3;
	v3 =	vsel vm7, v4, v2;
	v4 =	vsub.s32 v6, v0  }
0xc0: {  	[tilespmem:$0xCE10] =	vst v3;
	v3 =	vsel vm8, v5, v2;
	vm9 =	vlt.u32 v4, $0x1388;
	v5 =	vsub.s32 v7, v0  }
0xc1: {  	[tilespmem:$0xCE20] =	vst v3;
	v3 =	vsel vm9, v4, v2;
	vm10 =	vlt.u32 v5, $0x1388  }
0xc2: {  	[tilespmem:$0xCE30] =	vst v3;
	v3 =	vsel vm10, v5, v2  }
0xc3: {  	[tilespmem:$0xCE40] =	vst v3  }
0xc4: {  	_ =	swait.ge [sflag:s6], $0x80  }
0xc5: {  	[sflag:s6] =	ssyncset.done $0x0  }
0xc6: {  	[sflag:s6] =	ssyncadd.s32 $0xFFFFFF80  }
0xc7: {  	v3 =	vld [tilespmem:$0xCC00]  }
0xc8: {  	v4 =	vld [tilespmem:$0xCC10]  }
0xc9: {  	v5 =	vld [tilespmem:$0xCC20]  }
0xca: {  	v6 =	vld [tilespmem:$0xCC30]  }
0xcb: {  	v7 =	vld [tilespmem:$0xCC40]  }
0xcc: {  	v3 =	vsub.s32 v3, v0  }
0xcd: {  	v4 =	vsub.s32 v4, v0;
	vm11 =	vlt.u32 v3, $0x1388  }
0xce: {  	v5 =	vsub.s32 v5, v0;
	vm12 =	vlt.u32 v4, $0x1388;
	v3 =	vsel vm11, v3, v2  }
0xcf: {  	vm13 =	vlt.u32 v5, $0x1388;
	[tilespmem:$0xCE80] =	vst v3;
	v3 =	vsel vm12, v4, v2;
	v4 =	vsub.s32 v6, v0  }
0xd0: {  	[tilespmem:$0xCE90] =	vst v3;
	v3 =	vsel vm13, v5, v2;
	vm14 =	vlt.u32 v4, $0x1388;
	v5 =	vsub.s32 v7, v0  }
0xd1: {  	[tilespmem:$0xCEA0] =	vst v3;
	v3 =	vsel vm14, v4, v2;
	vm15 =	vlt.u32 v5, $0x1388  }
0xd2: {  	[tilespmem:$0xCEB0] =	vst v3;
	v3 =	vsel vm15, v5, v2  }
0xd3: {  	[tilespmem:$0xCEC0] =	vst v3  }
0xd4: {  	_ =	swait.ge [sflag:s13], $0x80  }
0xd5: {  	[sflag:s13] =	ssyncset.done $0x0  }
0xd6: {  	[sflag:s13] =	ssyncadd.s32 $0xFFFFFF80  }
0xd7: {  	v3 =	vld [tilespmem:$0xCC80]  }
0xd8: {  	v4 =	vld [tilespmem:$0xCC90]  }
0xd9: {  	v5 =	vld [tilespmem:$0xCCA0]  }
0xda: {  	v6 =	vld [tilespmem:$0xCCB0]  }
0xdb: {  	v7 =	vld [tilespmem:$0xCCC0]  }
0xdc: {  	v3 =	vsub.s32 v3, v0  }
0xdd: {  	v4 =	vsub.s32 v4, v0;
	vm4 =	vlt.u32 v3, $0x1388  }
0xde: {  	v5 =	vsub.s32 v5, v0;
	vm5 =	vlt.u32 v4, $0x1388;
	v3 =	vsel vm4, v3, v2  }
0xdf: {  	vm6 =	vlt.u32 v5, $0x1388;
	[tilespmem:$0xCF00] =	vst v3;
	v3 =	vsel vm5, v4, v2;
	v4 =	vsub.s32 v6, v0  }
0xe0: {  	[tilespmem:$0xCF10] =	vst v3;
	v3 =	vsel vm6, v5, v2;
	vm7 =	vlt.u32 v4, $0x1388;
	v5 =	vsub.s32 v7, v0  }
0xe1: {  	[tilespmem:$0xCF20] =	vst v3;
	v3 =	vsel vm7, v4, v2;
	vm8 =	vlt.u32 v5, $0x1388  }
0xe2: {  	[tilespmem:$0xCF30] =	vst v3;
	v3 =	vsel vm8, v5, v2  }
0xe3: {  	[tilespmem:$0xCF40] =	vst v3  }
0xe4: {  	_ =	swait.ge [sflag:s3], $0x2800  }
0xe5: {  	[sflag:s3] =	ssyncset.done $0x0  }
0xe6: {  	[sflag:s3] =	ssyncadd.s32 $0xFFFFD800  }
0xe7: {  	[spmem:s1] =	stream.indirect.scatter.add.f32 [tilespmem:s9], [sflag:$0x10], $0x80, s12, s18, $0xb8;
	[tilespmem:$0x17840] =	vst v63  }
0xe8: {  	_ =	swait.ge [sflag:s14], $0x2800  }
0xe9: {  	[sflag:s14] =	ssyncset.done $0x0  }
0xea: {  	s11 =	simm.s32 $0xCD80;
	s12 =	simm.s32 $0xD;
	[sflag:s14] =	ssyncadd.s32 $0xFFFFD800  }
0xeb: {  	[spmem:s1] =	stream.indirect.scatter.add.f32 [tilespmem:s7], [sflag:$0x11], $0x80, s11, s18, $0xb8;
	[tilespmem:$0x17840] =	vst v63  }
0xec: {  	_ =	swait.ge [sflag:s12], $0x2800  }
0xed: {  	[sflag:s12] =	ssyncset.done $0x0  }
0xee: {  	s9 =	simm.s32 $0xE;
	s14 =	simm.s32 $0xCE00;
	[sflag:s12] =	ssyncadd.s32 $0xFFFFD800  }
0xef: {  	[spmem:s1] =	stream.indirect.scatter.add.f32 [tilespmem:s23], [sflag:$0x12], $0x80, s14, s18, $0xb8;
	[tilespmem:$0x17840] =	vst v63  }
0xf0: {  	_ =	swait.ge [sflag:s9], $0x2800  }
0xf1: {  	[sflag:s9] =	ssyncset.done $0x0  }
0xf2: {  	s10 =	simm.s32 $0xCE80;
	s11 =	simm.s32 $0xF;
	[sflag:s9] =	ssyncadd.s32 $0xFFFFD800  }
0xf3: {  	[spmem:s1] =	stream.indirect.scatter.add.f32 [tilespmem:s28], [sflag:$0x13], $0x80, s10, s18, $0xb8;
	[tilespmem:$0x17840] =	vst v63  }
0xf4: {  	_ =	swait.ge [sflag:s11], $0x2800  }
0xf5: {  	[sflag:s11] =	ssyncset.done $0x0;
	s12 =	rddreg [dreg:$0x4]  }
0xf6: {  	s14 =	simm.s32 $0xCF00;
	[sflag:s11] =	ssyncadd.s32 $0xFFFFD800;
	s9 =	sadd.s32 $0x0, s12  }
0xf7: {  	[spmem:s1] =	stream.indirect.scatter.add.f32 [tilespmem:s30], [sflag:$0x14], $0x80, s14, s18, $0xb8;
	[tilespmem:$0x17840] =	vst v63  }
0xf8: {  	s3 =	sadd.s32 $0x50, s9  }
0xf9: {  	[tilespmem:s22], [sflag:$0x1] =	stream.linear.gather [hbm4b:s3+s2], $0x80, $0x38;
	[tilespmem:$0x17840] =	vst v63  }
0xfa: {  	s11 =	sadd.s32 $0x60, s9  }
0xfb: {  	[tilespmem:s20], [sflag:$0x2] =	stream.linear.gather [hbm4b:s11+s2], $0x80, $0x38;
	[tilespmem:$0x17840] =	vst v63  }
0xfc: {  	s12 =	sadd.s32 $0x70, s9  }
0xfd: {  	[tilespmem:s24], [sflag:$0x3] =	stream.linear.gather [hbm4b:s12+s2], $0x80, $0x38;
	[tilespmem:$0x17840] =	vst v63  }
0xfe: {  	s14 =	rddreg [dreg:$0x3];
	s3 =	sadd.s32 $0x80, s9  }
0xff: {  	[tilespmem:s8], [sflag:$0x4] =	stream.linear.gather [hbm4b:s3+s2], $0x80, $0x38;
	[tilespmem:$0x17840] =	vst v63  }
0x100: {  	s10 =	sadd.s32 $0x0, s14;
	s9 =	sadd.s32 $0x90, s9  }
0x101: {  	[tilespmem:s26], [sflag:$0x5] =	stream.linear.gather [hbm4b:s9+s2], $0x80, $0x38;
	[tilespmem:$0x17840] =	vst v63  }
0x102: {  	s11 =	sadd.s32 $0x50, s10  }
0x103: {  	[tilespmem:s31], [sflag:$0x6] =	stream.linear.gather [hbm4b:s11+s2], $0x80, $0x38;
	[tilespmem:$0x17840] =	vst v63  }
0x104: {  	s14 =	simm.s32 $0xCB00;
	s12 =	sadd.s32 $0x60, s10  }
0x105: {  	[tilespmem:s14], [sflag:$0x7] =	stream.linear.gather [hbm4b:s12+s2], $0x80, $0x38;
	[tilespmem:$0x17840] =	vst v63  }
0x106: {  	s8 =	sadd.s32 $0x70, s10;
	s11 =	simm.s32 $0xCB80  }
0x107: {  	[tilespmem:s11], [sflag:$0x8] =	stream.linear.gather [hbm4b:s8+s2], $0x80, $0x38;
	[tilespmem:$0x17840] =	vst v63  }
0x108: {  	s12 =	sadd.s32 $0x80, s10  }
0x109: {  	[tilespmem:s16], [sflag:$0x9] =	stream.linear.gather [hbm4b:s12+s2], $0x80, $0x38;
	[tilespmem:$0x17840] =	vst v63  }
0x10a: {  	s14 =	sadd.s32 $0x90, s10;
	s16 =	simm.s32 $0xCC80  }
0x10b: {  	[tilespmem:s16], [sflag:$0xA] =	stream.linear.gather [hbm4b:s14+s2], $0x80, $0x38;
	[tilespmem:$0x17840] =	vst v63  }
0x10c: {  	_ =	swait.ge [sflag:s17], $0x80  }
0x10d: {  	[sflag:s17] =	ssyncset.done $0x0  }
0x10e: {  	[sflag:s17] =	ssyncadd.s32 $0xFFFFFF80;
	s17 =	simm.s32 $0x10  }
0x10f: {  	_ =	swait.ge [sflag:s17], $0x2800  }
0x110: {  	[sflag:s17] =	ssyncset.done $0x0  }
0x111: {  	[sflag:s17] =	ssyncadd.s32 $0xFFFFD800  }
0x112: {  	[tilespmem:s2], [sflag:$0xB] =	stream.indirect.gather [hbm4b:s4+s18], $0x80, s22, s18, $0xb8;
	[tilespmem:$0x17840] =	vst v63  }
0x113: {  	_ =	swait.ge [sflag:s19], $0x80  }
0x114: {  	[sflag:s19] =	ssyncset.done $0x0  }
0x115: {  	s31 =	simm.s32 $0x11;
	[sflag:s19] =	ssyncadd.s32 $0xFFFFFF80  }
0x116: {  	_ =	swait.ge [sflag:s31], $0x2800  }
0x117: {  	[sflag:s31] =	ssyncset.done $0x0  }
0x118: {  	[sflag:s31] =	ssyncadd.s32 $0xFFFFD800  }
0x119: {  	[tilespmem:s7], [sflag:$0xC] =	stream.indirect.gather [hbm4b:s4+s18], $0x80, s20, s18, $0xb8;
	[tilespmem:$0x17840] =	vst v63  }
0x11a: {  	_ =	swait.ge [sflag:s21], $0x80  }
0x11b: {  	[sflag:s21] =	ssyncset.done $0x0  }
0x11c: {  	[sflag:s21] =	ssyncadd.s32 $0xFFFFFF80;
	s21 =	simm.s32 $0x12  }
0x11d: {  	_ =	swait.ge [sflag:s21], $0x2800  }
0x11e: {  	[sflag:s21] =	ssyncset.done $0x0  }
0x11f: {  	[sflag:s21] =	ssyncadd.s32 $0xFFFFD800  }
0x120: {  	[tilespmem:s23], [sflag:$0xD] =	stream.indirect.gather [hbm4b:s4+s18], $0x80, s24, s18, $0xb8;
	[tilespmem:$0x17840] =	vst v63  }
0x121: {  	_ =	swait.ge [sflag:s25], $0x80  }
0x122: {  	[sflag:s25] =	ssyncset.done $0x0  }
0x123: {  	[sflag:s25] =	ssyncadd.s32 $0xFFFFFF80;
	s25 =	simm.s32 $0x13  }
0x124: {  	_ =	swait.ge [sflag:s25], $0x2800  }
0x125: {  	[sflag:s25] =	ssyncset.done $0x0  }
0x126: {  	s20 =	simm.s32 $0xC980;
	[sflag:s25] =	ssyncadd.s32 $0xFFFFD800  }
0x127: {  	[tilespmem:s28], [sflag:$0xE] =	stream.indirect.gather [hbm4b:s4+s18], $0x80, s20, s18, $0xb8;
	[tilespmem:$0x17840] =	vst v63  }
0x128: {  	_ =	swait.ge [sflag:s29], $0x80  }
0x129: {  	[sflag:s29] =	ssyncset.done $0x0  }
0x12a: {  	[sflag:s29] =	ssyncadd.s32 $0xFFFFFF80;
	s29 =	simm.s32 $0x14  }
0x12b: {  	_ =	swait.ge [sflag:s29], $0x2800  }
0x12c: {  	[sflag:s29] =	ssyncset.done $0x0  }
0x12d: {  	[sflag:s29] =	ssyncadd.s32 $0xFFFFD800  }
0x12e: {  	[tilespmem:s30], [sflag:$0xF] =	stream.indirect.gather [hbm4b:s4+s18], $0x80, s26, s18, $0xb8;
	[tilespmem:$0x17840] =	vst v63  }
0x12f: {  	_ =	swait.ge [sflag:s0], $0x80  }
0x130: {  	[sflag:s0] =	ssyncset.done $0x0  }
0x131: {  	[sflag:s0] =	ssyncadd.s32 $0xFFFFFF80  }
0x132: {  	v3 =	vld [tilespmem:$0xCAC0]  }
0x133: {  	v4 =	vld [tilespmem:$0xCAB0]  }
0x134: {  	v5 =	vld [tilespmem:$0xCA90]  }
0x135: {  	v6 =	vld [tilespmem:$0xCA80]  }
0x136: {  	v7 =	vld [tilespmem:$0xCAA0]  }
0x137: {  	v3 =	vsub.s32 v3, v0  }
0x138: {  	v4 =	vsub.s32 v4, v0;
	vm9 =	vlt.u32 v3, $0x1388  }
0x139: {  	v5 =	vsub.s32 v5, v0;
	vm1 =	vlt.u32 v4, $0x1388;
	v3 =	vsel vm9, v3, v2  }
0x13a: {  	v6 =	vsub.s32 v6, v0;
	vm10 =	vlt.u32 v5, $0x1388;
	v4 =	vsel vm1, v4, v2;
	[tilespmem:$0xCD40] =	vst v3  }
0x13b: {  	vm11 =	vlt.u32 v6, $0x1388;
	v3 =	vsel vm10, v5, v2;
	v5 =	vsub.s32 v7, v0;
	[tilespmem:$0xCD30] =	vst v4  }
0x13c: {  	v4 =	vsel vm11, v6, v2;
	[tilespmem:$0xCD10] =	vst v3;
	vm12 =	vlt.u32 v5, $0x1388  }
0x13d: {  	[tilespmem:$0xCD00] =	vst v4;
	v3 =	vsel vm12, v5, v2  }
0x13e: {  	[tilespmem:$0xCD20] =	vst v3  }
0x13f: {  	_ =	swait.ge [sflag:s15], $0x80  }
0x140: {  	[sflag:s15] =	ssyncset.done $0x0  }
0x141: {  	[sflag:s15] =	ssyncadd.s32 $0xFFFFFF80  }
0x142: {  	v3 =	vld [tilespmem:$0xCB40]  }
0x143: {  	v4 =	vld [tilespmem:$0xCB10]  }
0x144: {  	v5 =	vld [tilespmem:$0xCB20]  }
0x145: {  	v6 =	vld [tilespmem:$0xCB00]  }
0x146: {  	v7 =	vld [tilespmem:$0xCB30]  }
0x147: {  	v3 =	vsub.s32 v3, v0  }
0x148: {  	v4 =	vsub.s32 v4, v0;
	vm13 =	vlt.u32 v3, $0x1388  }
0x149: {  	v5 =	vsub.s32 v5, v0;
	vm14 =	vlt.u32 v4, $0x1388;
	v3 =	vsel vm13, v3, v2  }
0x14a: {  	v6 =	vsub.s32 v6, v0;
	vm15 =	vlt.u32 v5, $0x1388;
	v4 =	vsel vm14, v4, v2;
	[tilespmem:$0xCDC0] =	vst v3  }
0x14b: {  	vm4 =	vlt.u32 v6, $0x1388;
	[tilespmem:$0xCD90] =	vst v4;
	v3 =	vsel vm15, v5, v2;
	v4 =	vsub.s32 v7, v0  }
0x14c: {  	v5 =	vsel vm4, v6, v2;
	[tilespmem:$0xCDA0] =	vst v3;
	vm5 =	vlt.u32 v4, $0x1388  }
0x14d: {  	[tilespmem:$0xCD80] =	vst v5;
	v3 =	vsel vm5, v4, v2  }
0x14e: {  	[tilespmem:$0xCDB0] =	vst v3  }
0x14f: {  	_ =	swait.ge [sflag:s5], $0x80  }
0x150: {  	[sflag:s5] =	ssyncset.done $0x0  }
0x151: {  	[sflag:s5] =	ssyncadd.s32 $0xFFFFFF80  }
0x152: {  	v3 =	vld [tilespmem:$0xCB90]  }
0x153: {  	v4 =	vld [tilespmem:$0xCBA0]  }
0x154: {  	v5 =	vld [tilespmem:$0xCB80];
	_ =	sdelay $0x1  }
0x155: {  	v6 =	vld [tilespmem:$0xCBC0]  }
0x156: {  	v7 =	vld [tilespmem:$0xCBB0]  }
0x157: {  	v3 =	vsub.s32 v3, v0  }
0x158: {  	v4 =	vsub.s32 v4, v0;
	v5 =	vsub.s32 v5, v0;
	vm6 =	vlt.u32 v3, $0x1388  }
0x159: {  	vm7 =	vlt.u32 v4, $0x1388;
	vm8 =	vlt.u32 v5, $0x1388;
	v3 =	vsel vm6, v3, v2  }
0x15a: {  	v5 =	vsel vm8, v5, v2;
	[tilespmem:$0xCE10] =	vst v3;
	v3 =	vsel vm7, v4, v2;
	v4 =	vsub.s32 v6, v0  }
0x15b: {  	v6 =	vsub.s32 v7, v0;
	[tilespmem:$0xCE00] =	vst v5;
	vm9 =	vlt.u32 v4, $0x1388  }
0x15c: {  	[tilespmem:$0xCE20] =	vst v3;
	vm10 =	vlt.u32 v6, $0x1388;
	v3 =	vsel vm9, v4, v2  }
0x15d: {  	v4 =	vsel vm10, v6, v2;
	[tilespmem:$0xCE40] =	vst v3  }
0x15e: {  	[tilespmem:$0xCE30] =	vst v4  }
0x15f: {  	_ =	swait.ge [sflag:s6], $0x80  }
0x160: {  	[sflag:s6] =	ssyncset.done $0x0  }
0x161: {  	[sflag:s6] =	ssyncadd.s32 $0xFFFFFF80  }
0x162: {  	v3 =	vld [tilespmem:$0xCC00]  }
0x163: {  	v4 =	vld [tilespmem:$0xCC10]  }
0x164: {  	v5 =	vld [tilespmem:$0xCC20]  }
0x165: {  	v6 =	vld [tilespmem:$0xCC30]  }
0x166: {  	v7 =	vld [tilespmem:$0xCC40]  }
0x167: {  	v3 =	vsub.s32 v3, v0  }
0x168: {  	v4 =	vsub.s32 v4, v0;
	vm11 =	vlt.u32 v3, $0x1388  }
0x169: {  	v5 =	vsub.s32 v5, v0;
	vm12 =	vlt.u32 v4, $0x1388;
	v3 =	vsel vm11, v3, v2  }
0x16a: {  	vm13 =	vlt.u32 v5, $0x1388;
	[tilespmem:$0xCE80] =	vst v3;
	v3 =	vsel vm12, v4, v2;
	v4 =	vsub.s32 v6, v0  }
0x16b: {  	[tilespmem:$0xCE90] =	vst v3;
	v3 =	vsel vm13, v5, v2;
	vm14 =	vlt.u32 v4, $0x1388;
	v5 =	vsub.s32 v7, v0  }
0x16c: {  	[tilespmem:$0xCEA0] =	vst v3;
	v3 =	vsel vm14, v4, v2;
	vm15 =	vlt.u32 v5, $0x1388  }
0x16d: {  	[tilespmem:$0xCEB0] =	vst v3;
	v3 =	vsel vm15, v5, v2  }
0x16e: {  	[tilespmem:$0xCEC0] =	vst v3  }
0x16f: {  	_ =	swait.ge [sflag:s13], $0x80  }
0x170: {  	[sflag:s13] =	ssyncset.done $0x0  }
0x171: {  	[sflag:s13] =	ssyncadd.s32 $0xFFFFFF80  }
0x172: {  	s3 =	simm.s32 $0xB;
	s9 =	simm.s32 $0x50;
	s11 =	simm.s32 $0x2800;
	v6 =	vld [tilespmem:$0xCC80]  }
0x173: {  	s8 =	smov.u32 s1;
	s14 =	simm.s32 $0xC;
	s19 =	simm.s32 $0x1;
	v5 =	vld [tilespmem:$0xCCA0]  }
0x174: {  	s21 =	simm.s32 $0x2;
	s23 =	simm.s32 $0x3;
	s28 =	simm.s32 $0x4;
	v7 =	vld [tilespmem:$0xCC90]  }
0x175: {  	s30 =	simm.s32 $0x5;
	s0 =	simm.s32 $0x6;
	s15 =	simm.s32 $0xA;
	v3 =	vld [tilespmem:$0xCCB0]  }
0x176: {  	s5 =	simm.s32 $0x7;
	s6 =	simm.s32 $0x8;
	s13 =	simm.s32 $0x9;
	v4 =	vld [tilespmem:$0xCCC0]  }
.LBB2_4:
0x177: {  	_ = 	snop  }
0x178: {  	v6 =	vsub.s32 v6, v0  }
0x179: {  	v5 =	vsub.s32 v5, v0;
	vm0 =	vlt.u32 v6, $0x1388  }
0x17a: {  	v3 =	vsub.s32 v3, v0;
	vm1 =	vlt.u32 v5, $0x1388;
	v6 =	vsel vm0, v6, v2  }
0x17b: {  	v4 =	vsub.s32 v4, v0;
	vm6 =	vlt.u32 v3, $0x1388;
	v5 =	vsel vm1, v5, v2;
	[tilespmem:$0xCF00] =	vst v6  }
0x17c: {  	v7 =	vsub.s32 v7, v0;
	vm7 =	vlt.u32 v4, $0x1388;
	v3 =	vsel vm6, v3, v2;
	[tilespmem:$0xCF20] =	vst v5  }
0x17d: {  	vm5 =	vlt.u32 v7, $0x1388;
	v4 =	vsel vm7, v4, v2;
	[tilespmem:$0xCF30] =	vst v3  }
0x17e: {  	v6 =	vsel vm5, v7, v2;
	[tilespmem:$0xCF40] =	vst v4  }
0x17f: {  	[tilespmem:$0xCF10] =	vst v6  }
0x180: {  	_ =	swait.ge [sflag:s3], $0x2800  }
0x181: {  	[sflag:s3] =	ssyncset.done $0x0  }
0x182: {  	s1 =	simm.s32 $0xCD00;
	[sflag:s3] =	ssyncadd.s32 $0xFFFFD800  }
0x183: {  	[spmem:s8] =	stream.indirect.scatter.add.f32 [tilespmem:s2], [sflag:$0x10], $0x80, s1, s18, $0xb8;
	[tilespmem:$0x17840] =	vst v63  }
0x184: {  	_ =	swait.ge [sflag:s14], $0x2800  }
0x185: {  	[sflag:s14] =	ssyncset.done $0x0  }
0x186: {  	s17 =	simm.s32 $0xCD80;
	[sflag:s14] =	ssyncadd.s32 $0xFFFFD800  }
0x187: {  	[spmem:s8] =	stream.indirect.scatter.add.f32 [tilespmem:s11], [sflag:$0x11], $0x80, s17, s18, $0xb8;
	[tilespmem:$0x17840] =	vst v63  }
0x188: {  	s17 =	simm.s32 $0xD  }
0x189: {  	_ =	swait.ge [sflag:s17], $0x2800  }
0x18a: {  	s20 =	simm.s32 $0xCE00;
	[sflag:s17] =	ssyncset.done $0x0  }
0x18b: {  	s7 =	simm.s32 $0xE;
	s1 =	simm.s32 $0x5000;
	[sflag:s17] =	ssyncadd.s32 $0xFFFFD800  }
0x18c: {  	[spmem:s8] =	stream.indirect.scatter.add.f32 [tilespmem:s1], [sflag:$0x12], $0x80, s20, s18, $0xb8;
	[tilespmem:$0x17840] =	vst v63  }
0x18d: {  	_ =	swait.ge [sflag:s7], $0x2800  }
0x18e: {  	s24 =	simm.s32 $0xCE80;
	[sflag:s7] =	ssyncset.done $0x0  }
0x18f: {  	s12 =	simm.s32 $0x7800;
	s25 =	simm.s32 $0xF;
	[sflag:s7] =	ssyncadd.s32 $0xFFFFD800  }
0x190: {  	[spmem:s8] =	stream.indirect.scatter.add.f32 [tilespmem:s12], [sflag:$0x13], $0x80, s24, s18, $0xb8;
	[tilespmem:$0x17840] =	vst v63  }
0x191: {  	s10 =	smov.u32 s9;
	_ =	swait.ge [sflag:s25], $0x2800  }
0x192: {  	s7 =	simm.s32 $0xCF00;
	s26 =	rddreg [dreg:$0x4];
	[sflag:s25] =	ssyncset.done $0x0  }
0x193: {  	[sflag:s25] =	ssyncadd.s32 $0xFFFFD800;
	s25 =	simm.s32 $0xA000;
	s11 =	sadd.s32 s10, s26  }
0x194: {  	[spmem:s8] =	stream.indirect.scatter.add.f32 [tilespmem:s25], [sflag:$0x14], $0x80, s7, s18, $0xb8;
	[tilespmem:$0x17840] =	vst v63  }
0x195: {  	s20 =	sadd.s32 $0x50, s11  }
0x196: {  	[tilespmem:s22], [sflag:$0x1] =	stream.linear.gather [hbm4b:s20+s2], $0x80, $0x38;
	[tilespmem:$0x17840] =	vst v63  }
0x197: {  	s24 =	simm.s32 $0xC880;
	s16 =	sadd.s32 $0x60, s11  }
0x198: {  	[tilespmem:s24], [sflag:$0x2] =	stream.linear.gather [hbm4b:s16+s2], $0x80, $0x38;
	[tilespmem:$0x17840] =	vst v63  }
0x199: {  	s22 =	sadd.s32 $0x70, s11;
	s24 =	simm.s32 $0xC900  }
0x19a: {  	[tilespmem:s24], [sflag:$0x3] =	stream.linear.gather [hbm4b:s22+s2], $0x80, $0x38;
	[tilespmem:$0x17840] =	vst v63  }
0x19b: {  	s26 =	simm.s32 $0xC980;
	s7 =	rddreg [dreg:$0x3];
	s16 =	sadd.s32 $0x80, s11  }
0x19c: {  	[tilespmem:s26], [sflag:$0x4] =	stream.linear.gather [hbm4b:s16+s2], $0x80, $0x38;
	[tilespmem:$0x17840] =	vst v63  }
0x19d: {  	s10 =	sadd.s32 s10, s7;
	s11 =	sadd.s32 $0x90, s11;
	s26 =	simm.s32 $0xCA00  }
0x19e: {  	[tilespmem:s26], [sflag:$0x5] =	stream.linear.gather [hbm4b:s11+s2], $0x80, $0x38;
	[tilespmem:$0x17840] =	vst v63  }
0x19f: {  	s29 =	simm.s32 $0xCA80;
	s7 =	sadd.s32 $0x50, s10  }
0x1a0: {  	[tilespmem:s29], [sflag:$0x6] =	stream.linear.gather [hbm4b:s7+s2], $0x80, $0x38;
	[tilespmem:$0x17840] =	vst v63  }
0x1a1: {  	s16 =	sadd.s32 $0x60, s10;
	s29 =	simm.s32 $0xCB00  }
0x1a2: {  	[tilespmem:s29], [sflag:$0x7] =	stream.linear.gather [hbm4b:s16+s2], $0x80, $0x38;
	[tilespmem:$0x17840] =	vst v63  }
0x1a3: {  	s7 =	sadd.s32 $0x70, s10;
	s29 =	simm.s32 $0xCB80  }
0x1a4: {  	[tilespmem:s29], [sflag:$0x8] =	stream.linear.gather [hbm4b:s7+s2], $0x80, $0x38;
	[tilespmem:$0x17840] =	vst v63  }
0x1a5: {  	s16 =	sadd.s32 $0x80, s10;
	s29 =	simm.s32 $0xCC00  }
0x1a6: {  	[tilespmem:s29], [sflag:$0x9] =	stream.linear.gather [hbm4b:s16+s2], $0x80, $0x38;
	[tilespmem:$0x17840] =	vst v63  }
0x1a7: {  	s10 =	sadd.s32 $0x90, s10;
	s7 =	simm.s32 $0xCC80  }
0x1a8: {  	[tilespmem:s7], [sflag:$0xA] =	stream.linear.gather [hbm4b:s10+s2], $0x80, $0x38;
	[tilespmem:$0x17840] =	vst v63  }
0x1a9: {  	_ =	swait.ge [sflag:s19], $0x80  }
0x1aa: {  	[sflag:s19] =	ssyncset.done $0x0  }
0x1ab: {  	s16 =	simm.s32 $0x10;
	[sflag:s19] =	ssyncadd.s32 $0xFFFFFF80  }
0x1ac: {  	_ =	swait.ge [sflag:s16], $0x2800  }
0x1ad: {  	[sflag:s16] =	ssyncset.done $0x0  }
0x1ae: {  	s22 =	simm.s32 $0xC800;
	[sflag:s16] =	ssyncadd.s32 $0xFFFFD800  }
0x1af: {  	[tilespmem:s2], [sflag:$0xB] =	stream.indirect.gather [hbm4b:s4+s18], $0x80, s22, s18, $0xb8;
	[tilespmem:$0x17840] =	vst v63  }
0x1b0: {  	_ =	swait.ge [sflag:s21], $0x80  }
0x1b1: {  	[sflag:s21] =	ssyncset.done $0x0  }
0x1b2: {  	[sflag:s21] =	ssyncadd.s32 $0xFFFFFF80  }
0x1b3: {  	_ =	swait.ge [sflag:s31], $0x2800  }
0x1b4: {  	[sflag:s31] =	ssyncset.done $0x0  }
0x1b5: {  	s17 =	simm.s32 $0x2800;
	s20 =	simm.s32 $0xC880;
	[sflag:s31] =	ssyncadd.s32 $0xFFFFD800  }
0x1b6: {  	[tilespmem:s17], [sflag:$0xC] =	stream.indirect.gather [hbm4b:s4+s18], $0x80, s20, s18, $0xb8;
	[tilespmem:$0x17840] =	vst v63  }
0x1b7: {  	_ =	swait.ge [sflag:s23], $0x80  }
0x1b8: {  	[sflag:s23] =	ssyncset.done $0x0  }
0x1b9: {  	s17 =	simm.s32 $0x12;
	[sflag:s23] =	ssyncadd.s32 $0xFFFFFF80  }
0x1ba: {  	_ =	swait.ge [sflag:s17], $0x2800  }
0x1bb: {  	[sflag:s17] =	ssyncset.done $0x0  }
0x1bc: {  	[sflag:s17] =	ssyncadd.s32 $0xFFFFD800  }
0x1bd: {  	[tilespmem:s1], [sflag:$0xD] =	stream.indirect.gather [hbm4b:s4+s18], $0x80, s24, s18, $0xb8;
	[tilespmem:$0x17840] =	vst v63  }
0x1be: {  	_ =	swait.ge [sflag:s28], $0x80  }
0x1bf: {  	[sflag:s28] =	ssyncset.done $0x0  }
0x1c0: {  	s20 =	simm.s32 $0x13;
	[sflag:s28] =	ssyncadd.s32 $0xFFFFFF80  }
0x1c1: {  	_ =	swait.ge [sflag:s20], $0x2800  }
0x1c2: {  	[sflag:s20] =	ssyncset.done $0x0  }
0x1c3: {  	s10 =	simm.s32 $0xC980;
	[sflag:s20] =	ssyncadd.s32 $0xFFFFD800  }
0x1c4: {  	[tilespmem:s12], [sflag:$0xE] =	stream.indirect.gather [hbm4b:s4+s18], $0x80, s10, s18, $0xb8;
	[tilespmem:$0x17840] =	vst v63  }
0x1c5: {  	_ =	swait.ge [sflag:s30], $0x80  }
0x1c6: {  	[sflag:s30] =	ssyncset.done $0x0  }
0x1c7: {  	s10 =	simm.s32 $0x14;
	[sflag:s30] =	ssyncadd.s32 $0xFFFFFF80  }
0x1c8: {  	_ =	swait.ge [sflag:s10], $0x2800  }
0x1c9: {  	[sflag:s10] =	ssyncset.done $0x0  }
0x1ca: {  	[sflag:s10] =	ssyncadd.s32 $0xFFFFD800  }
0x1cb: {  	[tilespmem:s25], [sflag:$0xF] =	stream.indirect.gather [hbm4b:s4+s18], $0x80, s26, s18, $0xb8;
	[tilespmem:$0x17840] =	vst v63  }
0x1cc: {  	_ =	swait.ge [sflag:s0], $0x80  }
0x1cd: {  	[sflag:s0] =	ssyncset.done $0x0  }
0x1ce: {  	[sflag:s0] =	ssyncadd.s32 $0xFFFFFF80  }
0x1cf: {  	v3 =	vld [tilespmem:$0xCAC0]  }
0x1d0: {  	v4 =	vld [tilespmem:$0xCAB0]  }
0x1d1: {  	v5 =	vld [tilespmem:$0xCA90]  }
0x1d2: {  	v6 =	vld [tilespmem:$0xCA80]  }
0x1d3: {  	v7 =	vld [tilespmem:$0xCAA0]  }
0x1d4: {  	v3 =	vsub.s32 v3, v0  }
0x1d5: {  	v4 =	vsub.s32 v4, v0;
	vm8 =	vlt.u32 v3, $0x1388  }
0x1d6: {  	v5 =	vsub.s32 v5, v0;
	vm9 =	vlt.u32 v4, $0x1388;
	v3 =	vsel vm8, v3, v2  }
0x1d7: {  	v6 =	vsub.s32 v6, v0;
	vm10 =	vlt.u32 v5, $0x1388;
	v4 =	vsel vm9, v4, v2;
	[tilespmem:$0xCD40] =	vst v3  }
0x1d8: {  	vm11 =	vlt.u32 v6, $0x1388;
	v3 =	vsel vm10, v5, v2;
	v5 =	vsub.s32 v7, v0;
	[tilespmem:$0xCD30] =	vst v4  }
0x1d9: {  	v4 =	vsel vm11, v6, v2;
	[tilespmem:$0xCD10] =	vst v3;
	vm12 =	vlt.u32 v5, $0x1388  }
0x1da: {  	[tilespmem:$0xCD00] =	vst v4;
	v3 =	vsel vm12, v5, v2  }
0x1db: {  	[tilespmem:$0xCD20] =	vst v3  }
0x1dc: {  	_ =	swait.ge [sflag:s5], $0x80  }
0x1dd: {  	[sflag:s5] =	ssyncset.done $0x0  }
0x1de: {  	[sflag:s5] =	ssyncadd.s32 $0xFFFFFF80  }
0x1df: {  	v3 =	vld [tilespmem:$0xCB40]  }
0x1e0: {  	v4 =	vld [tilespmem:$0xCB10]  }
0x1e1: {  	v5 =	vld [tilespmem:$0xCB20]  }
0x1e2: {  	v6 =	vld [tilespmem:$0xCB00]  }
0x1e3: {  	v7 =	vld [tilespmem:$0xCB30]  }
0x1e4: {  	v3 =	vsub.s32 v3, v0  }
0x1e5: {  	v4 =	vsub.s32 v4, v0;
	vm13 =	vlt.u32 v3, $0x1388  }
0x1e6: {  	v5 =	vsub.s32 v5, v0;
	vm14 =	vlt.u32 v4, $0x1388;
	v3 =	vsel vm13, v3, v2  }
0x1e7: {  	v6 =	vsub.s32 v6, v0;
	vm15 =	vlt.u32 v5, $0x1388;
	v4 =	vsel vm14, v4, v2;
	[tilespmem:$0xCDC0] =	vst v3  }
0x1e8: {  	vm4 =	vlt.u32 v6, $0x1388;
	[tilespmem:$0xCD90] =	vst v4;
	v3 =	vsel vm15, v5, v2;
	v4 =	vsub.s32 v7, v0  }
0x1e9: {  	v5 =	vsel vm4, v6, v2;
	[tilespmem:$0xCDA0] =	vst v3;
	vm5 =	vlt.u32 v4, $0x1388  }
0x1ea: {  	[tilespmem:$0xCD80] =	vst v5;
	v3 =	vsel vm5, v4, v2  }
0x1eb: {  	[tilespmem:$0xCDB0] =	vst v3  }
0x1ec: {  	_ =	swait.ge [sflag:s6], $0x80  }
0x1ed: {  	[sflag:s6] =	ssyncset.done $0x0  }
0x1ee: {  	[sflag:s6] =	ssyncadd.s32 $0xFFFFFF80  }
0x1ef: {  	v4 =	vld [tilespmem:$0xCB90]  }
0x1f0: {  	v3 =	vld [tilespmem:$0xCBA0]  }
0x1f1: {  	v5 =	vld [tilespmem:$0xCB80]  }
0x1f2: {  	v6 =	vld [tilespmem:$0xCBB0]  }
0x1f3: {  	v7 =	vld [tilespmem:$0xCBC0]  }
0x1f4: {  	v4 =	vsub.s32 v4, v0  }
0x1f5: {  	v3 =	vsub.s32 v3, v0;
	vm6 =	vlt.u32 v4, $0x1388  }
0x1f6: {  	v5 =	vsub.s32 v5, v0;
	vm7 =	vlt.u32 v3, $0x1388;
	v4 =	vsel vm6, v4, v2  }
0x1f7: {  	v6 =	vsub.s32 v6, v0;
	vm8 =	vlt.u32 v5, $0x1388;
	v3 =	vsel vm7, v3, v2;
	[tilespmem:$0xCE10] =	vst v4  }
0x1f8: {  	vm9 =	vlt.u32 v6, $0x1388;
	v5 =	vsel vm8, v5, v2;
	v4 =	vsub.s32 v7, v0;
	[tilespmem:$0xCE20] =	vst v3  }
0x1f9: {  	[tilespmem:$0xCE00] =	vst v5;
	v3 =	vsel vm9, v6, v2;
	vm10 =	vlt.u32 v4, $0x1388  }
0x1fa: {  	[tilespmem:$0xCE30] =	vst v3;
	v4 =	vsel vm10, v4, v2  }
0x1fb: {  	[tilespmem:$0xCE40] =	vst v4  }
0x1fc: {  	_ =	swait.ge [sflag:s13], $0x80  }
0x1fd: {  	[sflag:s13] =	ssyncset.done $0x0  }
0x1fe: {  	[sflag:s13] =	ssyncadd.s32 $0xFFFFFF80  }
0x1ff: {  	v3 =	vld [tilespmem:$0xCC00]  }
0x200: {  	v4 =	vld [tilespmem:$0xCC10]  }
0x201: {  	v5 =	vld [tilespmem:$0xCC20]  }
0x202: {  	v6 =	vld [tilespmem:$0xCC30]  }
0x203: {  	v7 =	vld [tilespmem:$0xCC40]  }
0x204: {  	v3 =	vsub.s32 v3, v0  }
0x205: {  	v4 =	vsub.s32 v4, v0;
	vm11 =	vlt.u32 v3, $0x1388  }
0x206: {  	v5 =	vsub.s32 v5, v0;
	vm12 =	vlt.u32 v4, $0x1388;
	v3 =	vsel vm11, v3, v2  }
0x207: {  	vm13 =	vlt.u32 v5, $0x1388;
	[tilespmem:$0xCE80] =	vst v3;
	v3 =	vsel vm12, v4, v2;
	v4 =	vsub.s32 v6, v0  }
0x208: {  	[tilespmem:$0xCE90] =	vst v3;
	v3 =	vsel vm13, v5, v2;
	vm14 =	vlt.u32 v4, $0x1388;
	v5 =	vsub.s32 v7, v0  }
0x209: {  	[tilespmem:$0xCEA0] =	vst v3;
	v3 =	vsel vm14, v4, v2;
	vm15 =	vlt.u32 v5, $0x1388  }
0x20a: {  	[tilespmem:$0xCEB0] =	vst v3;
	v3 =	vsel vm15, v5, v2  }
0x20b: {  	[tilespmem:$0xCEC0] =	vst v3  }
0x20c: {  	_ =	swait.ge [sflag:s15], $0x80  }
0x20d: {  	[sflag:s15] =	ssyncset.done $0x0  }
0x20e: {  	p1 =	sne.s32 s9, $0xF00;
	[sflag:s15] =	ssyncadd.s32 $0xFFFFFF80  }
.Ltmp1:
0x20f: {  	v6 =	vld [tilespmem:$0xCC80];
	(pc) =	sbr.rel @p1 .LBB2_4-.Ltmp1, $4  }
0x210: {  	v5 =	vld [tilespmem:$0xCCA0]  }
0x211: {  	v7 =	vld [tilespmem:$0xCC90]  }
0x212: {  	s9 =	sadd.s32 $0x50, s9;
	s11 =	simm.s32 $0x2800;
	v3 =	vld [tilespmem:$0xCCB0]  }
0x213: {  	s29 =	simm.s32 $0xA000;
	s7 =	simm.s32 $0x7800;
	s16 =	simm.s32 $0x5000;
	v4 =	vld [tilespmem:$0xCCC0]  }
0x214: {  	v6 =	vsub.s32 v6, v0  }
0x215: {  	vm0 =	vlt.u32 v6, $0x1388;
	v5 =	vsub.s32 v5, v0  }
0x216: {  	v7 =	vsub.s32 v7, v0;
	v6 =	vsel vm0, v6, v2;
	vm1 =	vlt.u32 v5, $0x1388  }
0x217: {  	vm13 =	vlt.u32 v7, $0x1388;
	[tilespmem:$0xCF00] =	vst v6;
	v3 =	vsub.s32 v3, v0;
	v5 =	vsel vm1, v5, v2  }
0x218: {  	v63 =	vsel vm13, v7, v2;
	v4 =	vsub.s32 v4, v0;
	vm14 =	vlt.u32 v3, $0x1388;
	[tilespmem:$0xCF20] =	vst v5  }
0x219: {  	[tilespmem:$0xCF10] =	vst v63;
	vm15 =	vlt.u32 v4, $0x1388;
	v3 =	vsel vm14, v3, v2  }
0x21a: {  	v4 =	vsel vm15, v4, v2;
	[tilespmem:$0xCF30] =	vst v3  }
0x21b: {  	[tilespmem:$0xCF40] =	vst v4  }
0x21c: {  	_ =	swait.ge [sflag:s3], $0x2800  }
0x21d: {  	[sflag:s3] =	ssyncset.done $0x0  }
0x21e: {  	s0 =	simm.s32 $0xCD00;
	[sflag:s3] =	ssyncadd.s32 $0xFFFFD800  }
0x21f: {  	[spmem:s8] =	stream.indirect.scatter.add.f32 [tilespmem:s2], [sflag:$0x10], $0x80, s0, s18, $0xb8;
	[tilespmem:$0x17840] =	vst v63  }
0x220: {  	_ =	swait.ge [sflag:s14], $0x2800  }
0x221: {  	[sflag:s14] =	ssyncset.done $0x0  }
0x222: {  	s9 =	simm.s32 $0xCD80;
	[sflag:s14] =	ssyncadd.s32 $0xFFFFD800  }
0x223: {  	[spmem:s8] =	stream.indirect.scatter.add.f32 [tilespmem:s11], [sflag:$0x11], $0x80, s9, s18, $0xb8;
	[tilespmem:$0x17840] =	vst v63  }
0x224: {  	s11 =	simm.s32 $0xD  }
0x225: {  	_ =	swait.ge [sflag:s11], $0x2800  }
0x226: {  	[sflag:s11] =	ssyncset.done $0x0  }
0x227: {  	s12 =	simm.s32 $0xCE00;
	s13 =	simm.s32 $0xE;
	[sflag:s11] =	ssyncadd.s32 $0xFFFFD800  }
0x228: {  	[spmem:s8] =	stream.indirect.scatter.add.f32 [tilespmem:s16], [sflag:$0x12], $0x80, s12, s18, $0xb8;
	[tilespmem:$0x17840] =	vst v63  }
0x229: {  	_ =	swait.ge [sflag:s13], $0x2800  }
0x22a: {  	[sflag:s13] =	ssyncset.done $0x0  }
0x22b: {  	s15 =	simm.s32 $0xF;
	s14 =	simm.s32 $0xCE80;
	[sflag:s13] =	ssyncadd.s32 $0xFFFFD800  }
0x22c: {  	[spmem:s8] =	stream.indirect.scatter.add.f32 [tilespmem:s7], [sflag:$0x13], $0x80, s14, s18, $0xb8;
	[tilespmem:$0x17840] =	vst v63  }
0x22d: {  	_ =	swait.ge [sflag:s15], $0x2800  }
0x22e: {  	[sflag:s15] =	ssyncset.done $0x0  }
0x22f: {  	s19 =	simm.s32 $0x10;
	s16 =	simm.s32 $0xCF00;
	[sflag:s15] =	ssyncadd.s32 $0xFFFFD800  }
0x230: {  	[spmem:s8] =	stream.indirect.scatter.add.f32 [tilespmem:s29], [sflag:$0x14], $0x80, s16, s18, $0xb8;
	[tilespmem:$0x17840] =	vst v63  }
0x231: {  	_ =	swait.ge [sflag:s19], $0x2800  }
0x232: {  	[sflag:s19] =	ssyncset.done $0x0  }
0x233: {  	[sflag:s19] =	ssyncadd.s32 $0xFFFFD800  }
0x234: {  	_ =	swait.ge [sflag:s31], $0x2800  }
0x235: {  	[sflag:s31] =	ssyncset.done $0x0  }
0x236: {  	[sflag:s31] =	ssyncadd.s32 $0xFFFFD800  }
0x237: {  	_ =	swait.ge [sflag:s17], $0x2800  }
0x238: {  	[sflag:s17] =	ssyncset.done $0x0  }
0x239: {  	[sflag:s17] =	ssyncadd.s32 $0xFFFFD800  }
0x23a: {  	_ =	swait.ge [sflag:s20], $0x2800  }
0x23b: {  	[sflag:s20] =	ssyncset.done $0x0  }
0x23c: {  	[sflag:s20] =	ssyncadd.s32 $0xFFFFD800  }
0x23d: {  	_ =	swait.ge [sflag:s10], $0x2800  }
0x23e: {  	[sflag:s10] =	ssyncset.done $0x0  }
0x23f: {  	[sflag:s10] =	ssyncadd.s32 $0xFFFFD800  }
0x240: {  	s9 =	stileid.u32;
	[bflag:$0x0] =	sbarrier.arrive $0xFFFF  }
0x241: {  	s23 =	simm.s32 $0x15;
	s9 =	sshll.u32 s9, $0x6;
	s22 =	rddreg [dreg:$0x5]  }
0x242: {  	s9 =	sor.u32 $0x1C15, s9;
	s21 =	rddreg [dreg:$0xe];
	s20 =	sshrl.u32 s22, $0x3  }
0x243: {  	[hbm:s21], [sflag:s9] =	dma.local [spmem:s20], $0x1380  }
0x244: {  	_ =	swait.ge [sflag:s23], $0x1380  }
0x245: {  	[sflag:s23] =	ssyncset.done $0x0;
	s10 =	rddreg [dreg:$0x1f]  }
0x246: {  	s11 =	rddreg [dreg:$0x17];
	[sflag:s23] =	ssyncadd.s32 $0xFFFFEC80;
	s10 =	sshrl.u32 @!p0 s10, $0x3  }
0x247: {  	[hbm:s11], [sflag:s9] =	dma.local @!p0 [spmem:s10], $0x80  }
0x248: {  	s9 =	simm.s32 @!p0 $0x15  }
0x249: {  	_ =	swait.ge @!p0 [sflag:s9], $0x80  }
0x24a: {  	s25 =	sld [smem:$0x7FD];
	_ =	sdelay $0x1  }
0x24b: {  	s28 =	simm.s32 $0x7800;
	s30 =	simm.s32 $0xA000  }
0x24c: {  	s5 =	simm.s32 $0x8;
	s31 =	rddreg [dreg:$0x18];
	s7 =	sadd.s32 $0x1, s25  }
0x24d: {  	s6 =	simm.s32 $0x9;
	s1 =	smov.u32 s8;
	p1 =	sne.s32 s7, s31  }
.Ltmp2:
0x24e: {  	s3 =	simm.s32 $0xB;
	s0 =	simm.s32 $0x6;
	(pc) =	sbr.rel @p1 .LBB2_1-.Ltmp2, $4  }
0x24f: {  	s12 =	simm.s32 $0xCD00;
	s13 =	simm.s32 $0xA;
	s14 =	simm.s32 $0xC  }
0x250: {  	s15 =	simm.s32 $0x7;
	s29 =	simm.s32 $0x5;
	s19 =	simm.s32 $0x2  }
0x251: {  	s17 =	simm.s32 $0x1;
	s21 =	simm.s32 $0x3;
	[sflag:s9] =	ssyncset.done @!p0 $0x0  }
0x252: {  	s23 =	simm.s32 $0x5000;
	[sflag:s9] =	ssyncadd.s32 @!p0 $0xFFFFFF80;
	s25 =	simm.s32 $0x4  }
0x253: {  	_ =	sfence.sel $0x180000  }
0x254: {  	[bflag:$0x0] =	sbarrier.arrive $0xFFFF  }
0x255: {  	_ =	strace $0x9000004A  }
0x256: {  	[bflag:$0x2] =	sbarrier.arrive $0xFFFF  }
0x257: {  	s0 =	rddreg [dreg:$0x2]  }
0x258: {  	s0 =	sadd.s32 @!p0 $0x100000, s0  }
0x259: {  	[sflag:s0] =	ssyncadd.tile.s32 @!p0 $0x1;
	_ =	shalt  }
.Lfunc_end2:
_tile_overlayer_lowered:
.L_overlay_start_2:
0x25a: {  	(tag) =	ssettag $0x2  }
0x25b: {  	s0 =	rddreg [dreg:$0x0];
	s2 =	stileid.u32  }
0x25c: {  	s1 =	rddreg [dreg:$0x1];
	p0 =	sne.s32 s2, $0x0  }
0x25d: {  	s3 =	rddreg [dreg:$0x2];
	[bflag:$0x3] =	sbarrier.arrive $0xFFFF;
	s2 =	simm.s32 @!p0 $0x1C15  }
0x25e: {  	[timem:s3], [sflag:s2] =	dma.local @!p0 [hbm:s0], s1  }
0x25f: {  	s0 =	simm.s32 @!p0 $0x15  }
0x260: {  	_ =	swait.ge @!p0 [sflag:s0], s1  }
0x261: {  	s1 =	ssub.s32 @!p0 $0x0, s1;
	[sflag:s0] =	ssyncset.done @!p0 $0x0  }
0x262: {  	[sflag:s0] =	ssyncadd.s32 @!p0 s1  }
0x263: {  	[bflag:$0x3] =	sbarrier.arrive $0xFFFF  }
0x264: {  	_ =	shalt  }

</sc_bundles>
